<compile_context>
chip_gen: v7x
topology: tpu7x:2x2x1
jax: 0.10.2.dev20260603
libtpu: 0.0.44.dev20260713+nightly
codegen_flags: <defaults>
</compile_context>

<pallas_src>
import jax
import jax.numpy as jnp
from jax import lax
from jax.experimental import pallas as pl
from jax.experimental.pallas import tpu as pltpu
from jax.experimental.pallas import tpu_sc as plsc

NSAMPLE = 16
C = 256
B, N1, N2 = 4, 1024, 4096
Q = 512
NB = N2 // Q

NC, NS = 2, 16
NW = NC * NS
ROWS = NSAMPLE * N2
RPW = ROWS // NW
CHUNK = 256
NCHUNK = RPW // CHUNK


def _dot(a, b):
    return jax.lax.dot_general(a, b, (((1,), (0,)), ((), ())),
                               preferred_element_type=jnp.float32)


def _prep_body(feat1_ref, feat2_ref, value1_ref, x1t_ref, x2t_ref, w1a_ref,
               w1b_ref, w1ct_ref, b1_ref, tab_ref, a2t_ref):
    f1 = feat1_ref[0]
    f2 = feat2_ref[0]
    w1ct = w1ct_ref[...]
    a1 = jax.lax.dot_general(
        f1, w1a_ref[...], (((0,), (1,)), ((), ())),
        preferred_element_type=jnp.float32) + _dot(x1t_ref[0], w1ct)
    vt = jnp.transpose(value1_ref[0], (1, 0))
    a1b = lax.bitcast_convert_type(
        a1.astype(jnp.bfloat16).astype(jnp.float32), jnp.uint32)
    vtb = lax.bitcast_convert_type(
        vt.astype(jnp.bfloat16).astype(jnp.float32), jnp.uint32)
    packed = (a1b >> 16) | (vtb & jnp.uint32(0xFFFF0000))
    tab_ref[0] = lax.bitcast_convert_type(packed, jnp.int32)
    a2t_ref[0] = (jax.lax.dot_general(
        f2, w1b_ref[...], (((0,), (1,)), ((), ())),
        preferred_element_type=jnp.float32)
        + b1_ref[...] - _dot(x2t_ref[0], w1ct))


def _knn_body(xyz1_ref, xyz2t_ref, idx_ref):
    q = xyz2t_ref[0]
    t = xyz1_ref[0]
    d = jnp.zeros((Q, N1), jnp.float32)
    for dim in range(3):
        diff = q[:, dim:dim + 1] - t[dim:dim + 1, :]
        d = d + diff * diff

    iota = lax.broadcasted_iota(jnp.int32, (Q, N1), 1).astype(jnp.float32)
    kiota = lax.broadcasted_iota(jnp.int32, (Q, NSAMPLE), 1)
    acc = jnp.zeros((Q, NSAMPLE), jnp.float32)
    for _k in range(NSAMPLE):
        m = jnp.min(d, axis=1, keepdims=True)
        eq = d == m
        idxq = jnp.sum(jnp.where(eq, iota, 0.0), axis=1,
                       keepdims=True)
        d = jnp.where(eq, jnp.inf, d)
        acc = jnp.where(kiota == _k, idxq, acc)
    idx_ref[0] = jnp.transpose(acc, (1, 0)).astype(jnp.int32)


def _sc_gather(tab_hbm, idx_hbm, out_hbm, idx_v, rows_v, sem):
    wid = lax.axis_index("s") * NC + lax.axis_index("c")
    base = wid * RPW

    def body(i, carry):
        off = base + i * CHUNK
        pltpu.sync_copy(idx_hbm.at[pl.ds(off, CHUNK)], idx_v)
        pltpu.async_copy(tab_hbm.at[idx_v], rows_v, sem).wait()
        pltpu.sync_copy(rows_v, out_hbm.at[pl.ds(off, CHUNK)])
        return carry

    lax.fori_loop(0, NCHUNK, body, 0)


def _mlp_body(g_ref, a2t_ref, w2t_ref, b2_ref, out_ref):
    a2 = a2t_ref[0]
    w2t = w2t_ref[...]
    b2 = b2_ref[...]
    num = jnp.zeros((Q, C), jnp.float32)
    den = jnp.zeros((Q, C), jnp.float32)
    hi_mask = jnp.int32(-65536)
    for k in range(NSAMPLE):
        gk = g_ref[0, k]
        ga = lax.bitcast_convert_type(lax.shift_left(gk, 16), jnp.float32)
        gv = lax.bitcast_convert_type(gk & hi_mask, jnp.float32)
        h = ga + a2
        h = jnp.maximum(h, 0.1 * h)
        e = jnp.exp(_dot(h.astype(jnp.bfloat16), w2t) + b2)
        num = num + e * gv
        den = den + e
    out_ref[0] = jnp.transpose(num / den, (1, 0))


@jax.jit
def _run(xyz1, xyz2, feat1, feat2, value1, W1, b1, W2, b2):
    w1a = W1[:, :C]
    w1b = W1[:, C:2 * C]
    w1ct = jnp.zeros((8, C), jnp.float32).at[:3, :].set(W1[:, 2 * C:].T)
    xyz1t = jnp.concatenate(
        [jnp.transpose(xyz1, (0, 2, 1)),
         jnp.zeros((B, N1, 5), jnp.float32)], axis=-1)
    xyz2t = jnp.concatenate(
        [jnp.transpose(xyz2, (0, 2, 1)),
         jnp.zeros((B, N2, 5), jnp.float32)], axis=-1)

    tab, a2t = pl.pallas_call(
        _prep_body,
        grid=(B,),
        in_specs=[
            pl.BlockSpec((1, C, N1), lambda b: (b, 0, 0)),
            pl.BlockSpec((1, C, N2), lambda b: (b, 0, 0)),
            pl.BlockSpec((1, C, N1), lambda b: (b, 0, 0)),
            pl.BlockSpec((1, N1, 8), lambda b: (b, 0, 0)),
            pl.BlockSpec((1, N2, 8), lambda b: (b, 0, 0)),
            pl.BlockSpec((C, C), lambda b: (0, 0)),
            pl.BlockSpec((C, C), lambda b: (0, 0)),
            pl.BlockSpec((8, C), lambda b: (0, 0)),
            pl.BlockSpec((1, C), lambda b: (0, 0)),
        ],
        out_specs=[
            pl.BlockSpec((1, N1, C), lambda b: (b, 0, 0)),
            pl.BlockSpec((1, N2, C), lambda b: (b, 0, 0)),
        ],
        out_shape=[
            jax.ShapeDtypeStruct((B, N1, C), jnp.int32),
            jax.ShapeDtypeStruct((B, N2, C), jnp.float32),
        ],
    )(feat1, feat2, value1, xyz1t, xyz2t, w1a, w1b, w1ct, b1[None, :])

    gather = pl.kernel(
        _sc_gather,
        out_type=jax.ShapeDtypeStruct((ROWS, C), jnp.int32),
        mesh=plsc.VectorSubcoreMesh(core_axis_name="c", subcore_axis_name="s"),
        scratch_types=[
            pltpu.VMEM((CHUNK,), jnp.int32),
            pltpu.VMEM((CHUNK, C), jnp.int32),
            pltpu.SemaphoreType.DMA,
        ],
    )

    outs = []
    for b in range(B):
        idx_b = pl.pallas_call(
            _knn_body,
            grid=(1, NB),
            in_specs=[
                pl.BlockSpec((1, 3, N1), lambda bb, i: (bb, 0, 0)),
                pl.BlockSpec((1, Q, 8), lambda bb, i: (bb, i, 0)),
            ],
            out_specs=pl.BlockSpec((1, NSAMPLE, Q), lambda bb, i: (bb, 0, i)),
            out_shape=jax.ShapeDtypeStruct((1, NSAMPLE, N2), jnp.int32),
        )(xyz1[b:b + 1], xyz2t[b:b + 1])

        g_b = gather(tab[b], idx_b.reshape(ROWS))

        out_b = pl.pallas_call(
            _mlp_body,
            grid=(1, NB),
            in_specs=[
                pl.BlockSpec((1, NSAMPLE, Q, C), lambda bb, i: (bb, 0, i, 0)),
                pl.BlockSpec((1, Q, C), lambda bb, i: (bb, i, 0)),
                pl.BlockSpec((C, C), lambda bb, i: (0, 0)),
                pl.BlockSpec((1, C), lambda bb, i: (0, 0)),
            ],
            out_specs=pl.BlockSpec((1, C, Q), lambda bb, i: (bb, 0, i)),
            out_shape=jax.ShapeDtypeStruct((1, C, N2), jnp.float32),
        )(g_b.reshape(1, NSAMPLE, N2, C), a2t[b:b + 1],
          W2.T.astype(jnp.bfloat16), b2[None, :])
        outs.append(out_b)

    outt = jnp.concatenate(outs, axis=0)
    return outt


def kernel(xyz1, xyz2, feat1, feat2, value1, W1, b1, W2, b2):
    return _run(xyz1, xyz2, feat1, feat2, value1, W1, b1, W2, b2)

# --- scband reference (transcript-rebuilt; emitter-appended) ---
"""Pipeline reference for scband-set-interp-78426102825597 (READ-ONLY COPY).

The authoritative reference and input builder live on the scoring server;
editing this copy changes nothing except your own understanding.
"""

import jax, jax.numpy as jnp
import numpy as np

NSAMPLE = 16
WEIGHT_FEAT = 256
INTERP_FEAT = 256
B, N1, N2 = 4, 1024, 4096


def setup_inputs(seed: int = 0) -> dict:
    key = jax.random.key(seed)
    ks = jax.random.split(key, 9)
    xyz1 = jax.random.normal(ks[0], (B, 3, N1), dtype=jnp.float32)
    xyz2 = jax.random.normal(ks[1], (B, 3, N2), dtype=jnp.float32)
    feat1 = jax.random.normal(ks[2], (B, WEIGHT_FEAT, N1), dtype=jnp.float32)
    feat2 = jax.random.normal(ks[3], (B, WEIGHT_FEAT, N2), dtype=jnp.float32)
    value1 = jax.random.normal(ks[4], (B, INTERP_FEAT, N1), dtype=jnp.float32)
    cin = 2 * WEIGHT_FEAT + 3
    W1 = jax.random.normal(ks[5], (WEIGHT_FEAT, cin), dtype=jnp.float32) * (1.0 / np.sqrt(cin))
    b1 = jnp.zeros((WEIGHT_FEAT,), dtype=jnp.float32)
    W2 = jax.random.normal(ks[6], (INTERP_FEAT, WEIGHT_FEAT), dtype=jnp.float32) * (1.0 / np.sqrt(WEIGHT_FEAT))
    b2 = jnp.zeros((INTERP_FEAT,), dtype=jnp.float32)
    return {"xyz1": xyz1, "xyz2": xyz2, "feat1": feat1, "feat2": feat2, "value1": value1,
            "W1": W1, "b1": b1, "W2": W2, "b2": b2}


def _knn_idx(k, query_t, target_t):
    # query_t: [B, N2, 3], target_t: [B, N1, 3]
    d = jnp.sum((query_t[:, :, None, :] - target_t[:, None, :, :]) ** 2, axis=-1)  # [B, N2, N1]
    _, idx = jax.lax.top_k(-d, k)  # [B, N2, k]
    return idx


def _group(v, idx):
    # v: [B, C, N1], idx: [B, N2, k] -> [B, C, N2, k]
    return jax.vmap(lambda vb, ib: vb[:, ib])(v, idx)


def reference(xyz1, xyz2, feat1, feat2, value1, W1, b1, W2, b2):
    xyz1_t = jnp.transpose(xyz1, (0, 2, 1))  # [B, N1, 3]
    xyz2_t = jnp.transpose(xyz2, (0, 2, 1))  # [B, N2, 3]
    idx = _knn_idx(NSAMPLE, xyz2_t, xyz1_t)  # [B, N2, k] indices into N1
    group_value = _group(value1, idx)                     # [B, Cv, N2, k]
    group_xyz = _group(xyz1, idx) - xyz2[:, :, :, None]   # [B, 3, N2, k]
    group_feat = _group(feat1, idx)                       # [B, Cf, N2, k]
    feat2_rep = jnp.broadcast_to(feat2[:, :, :, None], feat2.shape + (NSAMPLE,))
    group_feat = jnp.concatenate([group_feat, feat2_rep], axis=1)  # [B, 2Cf, N2, k]
    x = jnp.concatenate([group_feat, group_xyz], axis=1)  # [B, 2Cf+3, N2, k]
    h = jnp.einsum('oc,bcnk->bonk', W1, x) + b1[None, :, None, None]
    h = jnp.where(h >= 0, h, 0.1 * h)  # LeakyReLU(0.1)
    w = jnp.einsum('oc,bcnk->bonk', W2, h) + b2[None, :, None, None]
    w = jax.nn.softmax(w, axis=3)
    interp_value = jnp.sum(group_value * w, axis=3)  # [B, interp_feat, N2]
    return interp_value

if __name__ == "__main__":
    import jax
    _d = setup_inputs()
    print(jax.jit(kernel)(*tuple(_d.values())))

</pallas_src>

<mosaic_0001>
#map = affine_map<(d0, d1) -> (0, 0)>
#map1 = affine_map<(d0, d1) -> (0)>
module attributes {stable_mosaic.version = 14 : i64} {
  func.func @_sc_gather(%arg0: i32, %arg1: i32, %arg2: memref<1024x256xi32, #tpu.memory_space<hbm>>, %arg3: memref<65536xi32, #tpu.memory_space<hbm>>, %arg4: memref<65536x256xi32, #tpu.memory_space<hbm>>, %arg5: memref<256xi32, #tpu.memory_space<vmem>>, %arg6: memref<256x256xi32, #tpu.memory_space<vmem>>, %arg7: memref<!tpu.dma_semaphore, #tpu.memory_space<semaphore_mem>>) attributes {dimension_semantics = [#tpu.dimension_semantics<core_parallel>, #tpu.dimension_semantics<subcore_parallel>], iteration_bounds = array<i64: 2, 16>, scalar_prefetch = 0 : i64, scratch_operands = 3 : i64, tpu.core_type = #tpu.core_type<sc_vector_subcore>, window_params = [{transform_indices = #map}, {transform_indices = #map1}, {transform_indices = #map}]} {
    %mul3A = arith.constant 2 : i32
    %mul3A_0 = arith.muli %arg1, %mul3A : i32
    %add3A = arith.addi %mul3A_0, %arg0 : i32
    %mul3A_1 = arith.constant 2048 : i32
    %mul3A_2 = arith.muli %add3A, %mul3A_1 : i32
    %scan3A = arith.constant 0 : i32
    %scan3A_3 = arith.constant 0 : i32
    %scan3A_4 = arith.constant 8 : i32
    %scan3A_5 = arith.addi %scan3A_3, %scan3A_4 : i32
    %scan3A_6 = arith.constant 1 : i32
    scf.for %scan3A_8 = %scan3A_3 to %scan3A_5 step %scan3A_6  : i32 {
      %mul3A_9 = arith.constant 256 : i32
      %mul3A_10 = arith.muli %scan3A_8, %mul3A_9 : i32
      %add3A_11 = arith.addi %mul3A_2, %mul3A_10 : i32
      "tpu.region"() ({
        %run_scoped3A = tpu.sem_alloc : memref<!tpu.dma_semaphore, #tpu.memory_space<semaphore_mem>>
        %dma_start3A_16 = tpu.memref_slice %arg3[%add3A_11] : memref<65536xi32, #tpu.memory_space<hbm>> -> memref<256xi32, #tpu.memory_space<hbm>>
        %dma_start3A_17 = tpu.memref_slice %arg3[%add3A_11] : memref<65536xi32, #tpu.memory_space<hbm>> -> memref<256xi32, #tpu.memory_space<hbm>>
        tpu.enqueue_dma source(%dma_start3A_17 : memref<256xi32, #tpu.memory_space<hbm>>) target(%arg5 : memref<256xi32, #tpu.memory_space<vmem>>) target_semaphore(%run_scoped3A : memref<!tpu.dma_semaphore, #tpu.memory_space<semaphore_mem>>)
        %dma_wait3A_18 = tpu.memref_slice %arg3[%add3A_11] : memref<65536xi32, #tpu.memory_space<hbm>> -> memref<256xi32, #tpu.memory_space<hbm>>
        %dma_wait3A_19 = tpu.memref_slice %arg3[%add3A_11] : memref<65536xi32, #tpu.memory_space<hbm>> -> memref<256xi32, #tpu.memory_space<hbm>>
        tpu.wait_dma2 semaphore(%run_scoped3A : memref<!tpu.dma_semaphore, #tpu.memory_space<semaphore_mem>>) src(%dma_wait3A_19 : memref<256xi32, #tpu.memory_space<hbm>>) dst(%arg5 : memref<256xi32, #tpu.memory_space<vmem>>)
        tpu.yield
      }) : () -> ()
      %dma_start3A = arith.constant 0 : i32
      %dma_start3A_12 = arith.constant 0 : i32
      %dma_start3A_13 = tpu.memref_slice %arg2[%dma_start3A, %dma_start3A_12] : memref<1024x256xi32, #tpu.memory_space<hbm>> -> memref<1024x256xi32, #tpu.memory_space<hbm>>
      tpu.enqueue_indirect_dma source(%dma_start3A_13 : memref<1024x256xi32, #tpu.memory_space<hbm>>) target(%arg6 : memref<256x256xi32, #tpu.memory_space<vmem>>) offsets(%arg5 : memref<256xi32, #tpu.memory_space<vmem>>) semaphore(%arg7 : memref<!tpu.dma_semaphore, #tpu.memory_space<semaphore_mem>>)
      %dma_wait3A = arith.constant 0 : i32
      %dma_wait3A_14 = arith.constant 0 : i32
      %dma_wait3A_15 = tpu.memref_slice %arg2[%dma_wait3A, %dma_wait3A_14] : memref<1024x256xi32, #tpu.memory_space<hbm>> -> memref<1024x256xi32, #tpu.memory_space<hbm>>
      tpu.wait_indirect_dma semaphore(%arg7 : memref<!tpu.dma_semaphore, #tpu.memory_space<semaphore_mem>>) src(%dma_wait3A_15 : memref<1024x256xi32, #tpu.memory_space<hbm>>) dst(%arg6 : memref<256x256xi32, #tpu.memory_space<vmem>>)
      "tpu.region"() ({
        %run_scoped3A = tpu.sem_alloc : memref<!tpu.dma_semaphore, #tpu.memory_space<semaphore_mem>>
        %dma_start3A_16 = arith.constant 0 : i32
        %dma_start3A_17 = tpu.memref_slice %arg4[%add3A_11, %dma_start3A_16] : memref<65536x256xi32, #tpu.memory_space<hbm>> -> memref<256x256xi32, #tpu.memory_space<hbm>>
        %dma_start3A_18 = arith.constant 0 : i32
        %dma_start3A_19 = tpu.memref_slice %arg4[%add3A_11, %dma_start3A_18] : memref<65536x256xi32, #tpu.memory_space<hbm>> -> memref<256x256xi32, #tpu.memory_space<hbm>>
        tpu.enqueue_dma source(%arg6 : memref<256x256xi32, #tpu.memory_space<vmem>>) target(%dma_start3A_19 : memref<256x256xi32, #tpu.memory_space<hbm>>) target_semaphore(%run_scoped3A : memref<!tpu.dma_semaphore, #tpu.memory_space<semaphore_mem>>)
        %dma_wait3A_20 = arith.constant 0 : i32
        %dma_wait3A_21 = tpu.memref_slice %arg4[%add3A_11, %dma_wait3A_20] : memref<65536x256xi32, #tpu.memory_space<hbm>> -> memref<256x256xi32, #tpu.memory_space<hbm>>
        %dma_wait3A_22 = arith.constant 0 : i32
        %dma_wait3A_23 = tpu.memref_slice %arg4[%add3A_11, %dma_wait3A_22] : memref<65536x256xi32, #tpu.memory_space<hbm>> -> memref<256x256xi32, #tpu.memory_space<hbm>>
        tpu.wait_dma2 semaphore(%run_scoped3A : memref<!tpu.dma_semaphore, #tpu.memory_space<semaphore_mem>>) src(%arg6 : memref<256x256xi32, #tpu.memory_space<vmem>>) dst(%dma_wait3A_23 : memref<256x256xi32, #tpu.memory_space<hbm>>)
        tpu.yield
      }) : () -> ()
    }
    %scan3A_7 = arith.constant 8 : i32
    return
  }
}

#map = affine_map<(d0, d1) -> (0, 0)>
#map1 = affine_map<(d0, d1) -> (0)>
module attributes {stable_mosaic.version = 14 : i64} {
  func.func @_sc_gather(%arg0: i32, %arg1: i32, %arg2: memref<1024x256xi32, #tpu.memory_space<hbm>>, %arg3: memref<65536xi32, #tpu.memory_space<hbm>>, %arg4: memref<65536x256xi32, #tpu.memory_space<hbm>>, %arg5: memref<256xi32, #tpu.memory_space<vmem>>, %arg6: memref<256x256xi32, #tpu.memory_space<vmem>>, %arg7: memref<!tpu.dma_semaphore, #tpu.memory_space<semaphore_mem>>) attributes {dimension_semantics = [#tpu.dimension_semantics<core_parallel>, #tpu.dimension_semantics<subcore_parallel>], iteration_bounds = array<i64: 2, 16>, scalar_prefetch = 0 : i64, scratch_operands = 3 : i64, tpu.core_type = #tpu.core_type<sc_vector_subcore>, window_params = [{transform_indices = #map}, {transform_indices = #map1}, {transform_indices = #map}]} {
    %mul3A = arith.constant 2 : i32
    %mul3A_0 = arith.muli %arg1, %mul3A : i32
    %add3A = arith.addi %mul3A_0, %arg0 : i32
    %mul3A_1 = arith.constant 2048 : i32
    %mul3A_2 = arith.muli %add3A, %mul3A_1 : i32
    %scan3A = arith.constant 0 : i32
    %scan3A_3 = arith.constant 0 : i32
    %scan3A_4 = arith.constant 8 : i32
    %scan3A_5 = arith.addi %scan3A_3, %scan3A_4 : i32
    %scan3A_6 = arith.constant 1 : i32
    scf.for %scan3A_8 = %scan3A_3 to %scan3A_5 step %scan3A_6  : i32 {
      %mul3A_9 = arith.constant 256 : i32
      %mul3A_10 = arith.muli %scan3A_8, %mul3A_9 : i32
      %add3A_11 = arith.addi %mul3A_2, %mul3A_10 : i32
      "tpu.region"() ({
        %run_scoped3A = tpu.sem_alloc : memref<!tpu.dma_semaphore, #tpu.memory_space<semaphore_mem>>
        %dma_start3A_16 = tpu.memref_slice %arg3[%add3A_11] : memref<65536xi32, #tpu.memory_space<hbm>> -> memref<256xi32, #tpu.memory_space<hbm>>
        %dma_start3A_17 = tpu.memref_slice %arg3[%add3A_11] : memref<65536xi32, #tpu.memory_space<hbm>> -> memref<256xi32, #tpu.memory_space<hbm>>
        tpu.enqueue_dma source(%dma_start3A_17 : memref<256xi32, #tpu.memory_space<hbm>>) target(%arg5 : memref<256xi32, #tpu.memory_space<vmem>>) target_semaphore(%run_scoped3A : memref<!tpu.dma_semaphore, #tpu.memory_space<semaphore_mem>>)
        %dma_wait3A_18 = tpu.memref_slice %arg3[%add3A_11] : memref<65536xi32, #tpu.memory_space<hbm>> -> memref<256xi32, #tpu.memory_space<hbm>>
        %dma_wait3A_19 = tpu.memref_slice %arg3[%add3A_11] : memref<65536xi32, #tpu.memory_space<hbm>> -> memref<256xi32, #tpu.memory_space<hbm>>
        tpu.wait_dma2 semaphore(%run_scoped3A : memref<!tpu.dma_semaphore, #tpu.memory_space<semaphore_mem>>) src(%dma_wait3A_19 : memref<256xi32, #tpu.memory_space<hbm>>) dst(%arg5 : memref<256xi32, #tpu.memory_space<vmem>>)
        tpu.yield
      }) : () -> ()
      %dma_start3A = arith.constant 0 : i32
      %dma_start3A_12 = arith.constant 0 : i32
      %dma_start3A_13 = tpu.memref_slice %arg2[%dma_start3A, %dma_start3A_12] : memref<1024x256xi32, #tpu.memory_space<hbm>> -> memref<1024x256xi32, #tpu.memory_space<hbm>>
      tpu.enqueue_indirect_dma source(%dma_start3A_13 : memref<1024x256xi32, #tpu.memory_space<hbm>>) target(%arg6 : memref<256x256xi32, #tpu.memory_space<vmem>>) offsets(%arg5 : memref<256xi32, #tpu.memory_space<vmem>>) semaphore(%arg7 : memref<!tpu.dma_semaphore, #tpu.memory_space<semaphore_mem>>)
      %dma_wait3A = arith.constant 0 : i32
      %dma_wait3A_14 = arith.constant 0 : i32
      %dma_wait3A_15 = tpu.memref_slice %arg2[%dma_wait3A, %dma_wait3A_14] : memref<1024x256xi32, #tpu.memory_space<hbm>> -> memref<1024x256xi32, #tpu.memory_space<hbm>>
      tpu.wait_indirect_dma semaphore(%arg7 : memref<!tpu.dma_semaphore, #tpu.memory_space<semaphore_mem>>) src(%dma_wait3A_15 : memref<1024x256xi32, #tpu.memory_space<hbm>>) dst(%arg6 : memref<256x256xi32, #tpu.memory_space<vmem>>)
      "tpu.region"() ({
        %run_scoped3A = tpu.sem_alloc : memref<!tpu.dma_semaphore, #tpu.memory_space<semaphore_mem>>
        %dma_start3A_16 = arith.constant 0 : i32
        %dma_start3A_17 = tpu.memref_slice %arg4[%add3A_11, %dma_start3A_16] : memref<65536x256xi32, #tpu.memory_space<hbm>> -> memref<256x256xi32, #tpu.memory_space<hbm>>
        %dma_start3A_18 = arith.constant 0 : i32
        %dma_start3A_19 = tpu.memref_slice %arg4[%add3A_11, %dma_start3A_18] : memref<65536x256xi32, #tpu.memory_space<hbm>> -> memref<256x256xi32, #tpu.memory_space<hbm>>
        tpu.enqueue_dma source(%arg6 : memref<256x256xi32, #tpu.memory_space<vmem>>) target(%dma_start3A_19 : memref<256x256xi32, #tpu.memory_space<hbm>>) target_semaphore(%run_scoped3A : memref<!tpu.dma_semaphore, #tpu.memory_space<semaphore_mem>>)
        %dma_wait3A_20 = arith.constant 0 : i32
        %dma_wait3A_21 = tpu.memref_slice %arg4[%add3A_11, %dma_wait3A_20] : memref<65536x256xi32, #tpu.memory_space<hbm>> -> memref<256x256xi32, #tpu.memory_space<hbm>>
        %dma_wait3A_22 = arith.constant 0 : i32
        %dma_wait3A_23 = tpu.memref_slice %arg4[%add3A_11, %dma_wait3A_22] : memref<65536x256xi32, #tpu.memory_space<hbm>> -> memref<256x256xi32, #tpu.memory_space<hbm>>
        tpu.wait_dma2 semaphore(%run_scoped3A : memref<!tpu.dma_semaphore, #tpu.memory_space<semaphore_mem>>) src(%arg6 : memref<256x256xi32, #tpu.memory_space<vmem>>) dst(%dma_wait3A_23 : memref<256x256xi32, #tpu.memory_space<hbm>>)
        tpu.yield
      }) : () -> ()
    }
    %scan3A_7 = arith.constant 8 : i32
    return
  }
}

#map = affine_map<(d0, d1) -> (0, 0)>
#map1 = affine_map<(d0, d1) -> (0)>
module attributes {stable_mosaic.version = 14 : i64} {
  func.func @_sc_gather(%arg0: i32, %arg1: i32, %arg2: memref<1024x256xi32, #tpu.memory_space<hbm>>, %arg3: memref<65536xi32, #tpu.memory_space<hbm>>, %arg4: memref<65536x256xi32, #tpu.memory_space<hbm>>, %arg5: memref<256xi32, #tpu.memory_space<vmem>>, %arg6: memref<256x256xi32, #tpu.memory_space<vmem>>, %arg7: memref<!tpu.dma_semaphore, #tpu.memory_space<semaphore_mem>>) attributes {dimension_semantics = [#tpu.dimension_semantics<core_parallel>, #tpu.dimension_semantics<subcore_parallel>], iteration_bounds = array<i64: 2, 16>, scalar_prefetch = 0 : i64, scratch_operands = 3 : i64, tpu.core_type = #tpu.core_type<sc_vector_subcore>, window_params = [{transform_indices = #map}, {transform_indices = #map1}, {transform_indices = #map}]} {
    %mul3A = arith.constant 2 : i32
    %mul3A_0 = arith.muli %arg1, %mul3A : i32
    %add3A = arith.addi %mul3A_0, %arg0 : i32
    %mul3A_1 = arith.constant 2048 : i32
    %mul3A_2 = arith.muli %add3A, %mul3A_1 : i32
    %scan3A = arith.constant 0 : i32
    %scan3A_3 = arith.constant 0 : i32
    %scan3A_4 = arith.constant 8 : i32
    %scan3A_5 = arith.addi %scan3A_3, %scan3A_4 : i32
    %scan3A_6 = arith.constant 1 : i32
    scf.for %scan3A_8 = %scan3A_3 to %scan3A_5 step %scan3A_6  : i32 {
      %mul3A_9 = arith.constant 256 : i32
      %mul3A_10 = arith.muli %scan3A_8, %mul3A_9 : i32
      %add3A_11 = arith.addi %mul3A_2, %mul3A_10 : i32
      "tpu.region"() ({
        %run_scoped3A = tpu.sem_alloc : memref<!tpu.dma_semaphore, #tpu.memory_space<semaphore_mem>>
        %dma_start3A_16 = tpu.memref_slice %arg3[%add3A_11] : memref<65536xi32, #tpu.memory_space<hbm>> -> memref<256xi32, #tpu.memory_space<hbm>>
        %dma_start3A_17 = tpu.memref_slice %arg3[%add3A_11] : memref<65536xi32, #tpu.memory_space<hbm>> -> memref<256xi32, #tpu.memory_space<hbm>>
        tpu.enqueue_dma source(%dma_start3A_17 : memref<256xi32, #tpu.memory_space<hbm>>) target(%arg5 : memref<256xi32, #tpu.memory_space<vmem>>) target_semaphore(%run_scoped3A : memref<!tpu.dma_semaphore, #tpu.memory_space<semaphore_mem>>)
        %dma_wait3A_18 = tpu.memref_slice %arg3[%add3A_11] : memref<65536xi32, #tpu.memory_space<hbm>> -> memref<256xi32, #tpu.memory_space<hbm>>
        %dma_wait3A_19 = tpu.memref_slice %arg3[%add3A_11] : memref<65536xi32, #tpu.memory_space<hbm>> -> memref<256xi32, #tpu.memory_space<hbm>>
        tpu.wait_dma2 semaphore(%run_scoped3A : memref<!tpu.dma_semaphore, #tpu.memory_space<semaphore_mem>>) src(%dma_wait3A_19 : memref<256xi32, #tpu.memory_space<hbm>>) dst(%arg5 : memref<256xi32, #tpu.memory_space<vmem>>)
        tpu.yield
      }) : () -> ()
      %dma_start3A = arith.constant 0 : i32
      %dma_start3A_12 = arith.constant 0 : i32
      %dma_start3A_13 = tpu.memref_slice %arg2[%dma_start3A, %dma_start3A_12] : memref<1024x256xi32, #tpu.memory_space<hbm>> -> memref<1024x256xi32, #tpu.memory_space<hbm>>
      tpu.enqueue_indirect_dma source(%dma_start3A_13 : memref<1024x256xi32, #tpu.memory_space<hbm>>) target(%arg6 : memref<256x256xi32, #tpu.memory_space<vmem>>) offsets(%arg5 : memref<256xi32, #tpu.memory_space<vmem>>) semaphore(%arg7 : memref<!tpu.dma_semaphore, #tpu.memory_space<semaphore_mem>>)
      %dma_wait3A = arith.constant 0 : i32
      %dma_wait3A_14 = arith.constant 0 : i32
      %dma_wait3A_15 = tpu.memref_slice %arg2[%dma_wait3A, %dma_wait3A_14] : memref<1024x256xi32, #tpu.memory_space<hbm>> -> memref<1024x256xi32, #tpu.memory_space<hbm>>
      tpu.wait_indirect_dma semaphore(%arg7 : memref<!tpu.dma_semaphore, #tpu.memory_space<semaphore_mem>>) src(%dma_wait3A_15 : memref<1024x256xi32, #tpu.memory_space<hbm>>) dst(%arg6 : memref<256x256xi32, #tpu.memory_space<vmem>>)
      "tpu.region"() ({
        %run_scoped3A = tpu.sem_alloc : memref<!tpu.dma_semaphore, #tpu.memory_space<semaphore_mem>>
        %dma_start3A_16 = arith.constant 0 : i32
        %dma_start3A_17 = tpu.memref_slice %arg4[%add3A_11, %dma_start3A_16] : memref<65536x256xi32, #tpu.memory_space<hbm>> -> memref<256x256xi32, #tpu.memory_space<hbm>>
        %dma_start3A_18 = arith.constant 0 : i32
        %dma_start3A_19 = tpu.memref_slice %arg4[%add3A_11, %dma_start3A_18] : memref<65536x256xi32, #tpu.memory_space<hbm>> -> memref<256x256xi32, #tpu.memory_space<hbm>>
        tpu.enqueue_dma source(%arg6 : memref<256x256xi32, #tpu.memory_space<vmem>>) target(%dma_start3A_19 : memref<256x256xi32, #tpu.memory_space<hbm>>) target_semaphore(%run_scoped3A : memref<!tpu.dma_semaphore, #tpu.memory_space<semaphore_mem>>)
        %dma_wait3A_20 = arith.constant 0 : i32
        %dma_wait3A_21 = tpu.memref_slice %arg4[%add3A_11, %dma_wait3A_20] : memref<65536x256xi32, #tpu.memory_space<hbm>> -> memref<256x256xi32, #tpu.memory_space<hbm>>
        %dma_wait3A_22 = arith.constant 0 : i32
        %dma_wait3A_23 = tpu.memref_slice %arg4[%add3A_11, %dma_wait3A_22] : memref<65536x256xi32, #tpu.memory_space<hbm>> -> memref<256x256xi32, #tpu.memory_space<hbm>>
        tpu.wait_dma2 semaphore(%run_scoped3A : memref<!tpu.dma_semaphore, #tpu.memory_space<semaphore_mem>>) src(%arg6 : memref<256x256xi32, #tpu.memory_space<vmem>>) dst(%dma_wait3A_23 : memref<256x256xi32, #tpu.memory_space<hbm>>)
        tpu.yield
      }) : () -> ()
    }
    %scan3A_7 = arith.constant 8 : i32
    return
  }
}

#map = affine_map<(d0, d1) -> (0, 0)>
#map1 = affine_map<(d0, d1) -> (0)>
module attributes {stable_mosaic.version = 14 : i64} {
  func.func @_sc_gather(%arg0: i32, %arg1: i32, %arg2: memref<1024x256xi32, #tpu.memory_space<hbm>>, %arg3: memref<65536xi32, #tpu.memory_space<hbm>>, %arg4: memref<65536x256xi32, #tpu.memory_space<hbm>>, %arg5: memref<256xi32, #tpu.memory_space<vmem>>, %arg6: memref<256x256xi32, #tpu.memory_space<vmem>>, %arg7: memref<!tpu.dma_semaphore, #tpu.memory_space<semaphore_mem>>) attributes {dimension_semantics = [#tpu.dimension_semantics<core_parallel>, #tpu.dimension_semantics<subcore_parallel>], iteration_bounds = array<i64: 2, 16>, scalar_prefetch = 0 : i64, scratch_operands = 3 : i64, tpu.core_type = #tpu.core_type<sc_vector_subcore>, window_params = [{transform_indices = #map}, {transform_indices = #map1}, {transform_indices = #map}]} {
    %mul3A = arith.constant 2 : i32
    %mul3A_0 = arith.muli %arg1, %mul3A : i32
    %add3A = arith.addi %mul3A_0, %arg0 : i32
    %mul3A_1 = arith.constant 2048 : i32
    %mul3A_2 = arith.muli %add3A, %mul3A_1 : i32
    %scan3A = arith.constant 0 : i32
    %scan3A_3 = arith.constant 0 : i32
    %scan3A_4 = arith.constant 8 : i32
    %scan3A_5 = arith.addi %scan3A_3, %scan3A_4 : i32
    %scan3A_6 = arith.constant 1 : i32
    scf.for %scan3A_8 = %scan3A_3 to %scan3A_5 step %scan3A_6  : i32 {
      %mul3A_9 = arith.constant 256 : i32
      %mul3A_10 = arith.muli %scan3A_8, %mul3A_9 : i32
      %add3A_11 = arith.addi %mul3A_2, %mul3A_10 : i32
      "tpu.region"() ({
        %run_scoped3A = tpu.sem_alloc : memref<!tpu.dma_semaphore, #tpu.memory_space<semaphore_mem>>
        %dma_start3A_16 = tpu.memref_slice %arg3[%add3A_11] : memref<65536xi32, #tpu.memory_space<hbm>> -> memref<256xi32, #tpu.memory_space<hbm>>
        %dma_start3A_17 = tpu.memref_slice %arg3[%add3A_11] : memref<65536xi32, #tpu.memory_space<hbm>> -> memref<256xi32, #tpu.memory_space<hbm>>
        tpu.enqueue_dma source(%dma_start3A_17 : memref<256xi32, #tpu.memory_space<hbm>>) target(%arg5 : memref<256xi32, #tpu.memory_space<vmem>>) target_semaphore(%run_scoped3A : memref<!tpu.dma_semaphore, #tpu.memory_space<semaphore_mem>>)
        %dma_wait3A_18 = tpu.memref_slice %arg3[%add3A_11] : memref<65536xi32, #tpu.memory_space<hbm>> -> memref<256xi32, #tpu.memory_space<hbm>>
        %dma_wait3A_19 = tpu.memref_slice %arg3[%add3A_11] : memref<65536xi32, #tpu.memory_space<hbm>> -> memref<256xi32, #tpu.memory_space<hbm>>
        tpu.wait_dma2 semaphore(%run_scoped3A : memref<!tpu.dma_semaphore, #tpu.memory_space<semaphore_mem>>) src(%dma_wait3A_19 : memref<256xi32, #tpu.memory_space<hbm>>) dst(%arg5 : memref<256xi32, #tpu.memory_space<vmem>>)
        tpu.yield
      }) : () -> ()
      %dma_start3A = arith.constant 0 : i32
      %dma_start3A_12 = arith.constant 0 : i32
      %dma_start3A_13 = tpu.memref_slice %arg2[%dma_start3A, %dma_start3A_12] : memref<1024x256xi32, #tpu.memory_space<hbm>> -> memref<1024x256xi32, #tpu.memory_space<hbm>>
      tpu.enqueue_indirect_dma source(%dma_start3A_13 : memref<1024x256xi32, #tpu.memory_space<hbm>>) target(%arg6 : memref<256x256xi32, #tpu.memory_space<vmem>>) offsets(%arg5 : memref<256xi32, #tpu.memory_space<vmem>>) semaphore(%arg7 : memref<!tpu.dma_semaphore, #tpu.memory_space<semaphore_mem>>)
      %dma_wait3A = arith.constant 0 : i32
      %dma_wait3A_14 = arith.constant 0 : i32
      %dma_wait3A_15 = tpu.memref_slice %arg2[%dma_wait3A, %dma_wait3A_14] : memref<1024x256xi32, #tpu.memory_space<hbm>> -> memref<1024x256xi32, #tpu.memory_space<hbm>>
      tpu.wait_indirect_dma semaphore(%arg7 : memref<!tpu.dma_semaphore, #tpu.memory_space<semaphore_mem>>) src(%dma_wait3A_15 : memref<1024x256xi32, #tpu.memory_space<hbm>>) dst(%arg6 : memref<256x256xi32, #tpu.memory_space<vmem>>)
      "tpu.region"() ({
        %run_scoped3A = tpu.sem_alloc : memref<!tpu.dma_semaphore, #tpu.memory_space<semaphore_mem>>
        %dma_start3A_16 = arith.constant 0 : i32
        %dma_start3A_17 = tpu.memref_slice %arg4[%add3A_11, %dma_start3A_16] : memref<65536x256xi32, #tpu.memory_space<hbm>> -> memref<256x256xi32, #tpu.memory_space<hbm>>
        %dma_start3A_18 = arith.constant 0 : i32
        %dma_start3A_19 = tpu.memref_slice %arg4[%add3A_11, %dma_start3A_18] : memref<65536x256xi32, #tpu.memory_space<hbm>> -> memref<256x256xi32, #tpu.memory_space<hbm>>
        tpu.enqueue_dma source(%arg6 : memref<256x256xi32, #tpu.memory_space<vmem>>) target(%dma_start3A_19 : memref<256x256xi32, #tpu.memory_space<hbm>>) target_semaphore(%run_scoped3A : memref<!tpu.dma_semaphore, #tpu.memory_space<semaphore_mem>>)
        %dma_wait3A_20 = arith.constant 0 : i32
        %dma_wait3A_21 = tpu.memref_slice %arg4[%add3A_11, %dma_wait3A_20] : memref<65536x256xi32, #tpu.memory_space<hbm>> -> memref<256x256xi32, #tpu.memory_space<hbm>>
        %dma_wait3A_22 = arith.constant 0 : i32
        %dma_wait3A_23 = tpu.memref_slice %arg4[%add3A_11, %dma_wait3A_22] : memref<65536x256xi32, #tpu.memory_space<hbm>> -> memref<256x256xi32, #tpu.memory_space<hbm>>
        tpu.wait_dma2 semaphore(%run_scoped3A : memref<!tpu.dma_semaphore, #tpu.memory_space<semaphore_mem>>) src(%arg6 : memref<256x256xi32, #tpu.memory_space<vmem>>) dst(%dma_wait3A_23 : memref<256x256xi32, #tpu.memory_space<hbm>>)
        tpu.yield
      }) : () -> ()
    }
    %scan3A_7 = arith.constant 8 : i32
    return
  }
}

module attributes {stable_mosaic.version = 14 : i64} {
  func.func @_knn_body(%arg0: i32, %arg1: i32, %arg2: memref<1x3x1024xf32, #tpu.memory_space<vmem>>, %arg3: memref<1x512x8xf32, #tpu.memory_space<vmem>>, %arg4: memref<1x16x512xi32, #tpu.memory_space<vmem>>) attributes {dimension_semantics = [#tpu.dimension_semantics<arbitrary>, #tpu.dimension_semantics<arbitrary>], iteration_bounds = array<i64: 1, 8>, scalar_prefetch = 0 : i64, scratch_operands = 0 : i64, tpu.core_type = #tpu.core_type<tc>, window_params = [{transform_indices = @transform_0, window_bounds = array<i64: 1, 3, 1024>}, {transform_indices = @transform_1, window_bounds = array<i64: 1, 512, 8>}, {transform_indices = @transform_2, window_bounds = array<i64: 1, 16, 512>}]} {
    %get3A = arith.constant 0 : index
    %get3A_0 = arith.constant 0 : index
    %get3A_1 = arith.constant 0 : index
    %get3A_2 = vector.load %arg3[%get3A, %get3A_0, %get3A_1] : memref<1x512x8xf32, #tpu.memory_space<vmem>>, vector<1x512x8xf32>
    %get3A_3 = vector.shape_cast %get3A_2 : vector<1x512x8xf32> to vector<512x8xf32>
    %get3A_4 = arith.constant 0 : index
    %get3A_5 = arith.constant 0 : index
    %get3A_6 = arith.constant 0 : index
    %get3A_7 = vector.load %arg2[%get3A_4, %get3A_5, %get3A_6] : memref<1x3x1024xf32, #tpu.memory_space<vmem>>, vector<1x3x1024xf32>
    %get3A_8 = vector.shape_cast %get3A_7 : vector<1x3x1024xf32> to vector<3x1024xf32>
    %broadcast_in_dim3A = arith.constant 0.000000e+00 : f32
    %broadcast_in_dim3A_9 = vector.broadcast %broadcast_in_dim3A : f32 to vector<512x1024xf32>
    %slice3A = vector.extract_strided_slice %get3A_3 {offsets = [0, 0], sizes = [512, 1], strides = [1, 1]} : vector<512x8xf32> to vector<512x1xf32>
    %slice3A_10 = vector.extract_strided_slice %get3A_8 {offsets = [0, 0], sizes = [1, 1024], strides = [1, 1]} : vector<3x1024xf32> to vector<1x1024xf32>
    %sub3A = vector.broadcast %slice3A : vector<512x1xf32> to vector<512x1024xf32>
    %sub3A_11 = vector.broadcast %slice3A_10 : vector<1x1024xf32> to vector<512x1024xf32>
    %sub3A_12 = arith.subf %sub3A, %sub3A_11 : vector<512x1024xf32>
    %mul3A = arith.mulf %sub3A_12, %sub3A_12 : vector<512x1024xf32>
    %add3A = arith.addf %broadcast_in_dim3A_9, %mul3A : vector<512x1024xf32>
    %slice3A_13 = vector.extract_strided_slice %get3A_3 {offsets = [0, 1], sizes = [512, 1], strides = [1, 1]} : vector<512x8xf32> to vector<512x1xf32>
    %slice3A_14 = vector.extract_strided_slice %get3A_8 {offsets = [1, 0], sizes = [1, 1024], strides = [1, 1]} : vector<3x1024xf32> to vector<1x1024xf32>
    %sub3A_15 = vector.broadcast %slice3A_13 : vector<512x1xf32> to vector<512x1024xf32>
    %sub3A_16 = vector.broadcast %slice3A_14 : vector<1x1024xf32> to vector<512x1024xf32>
    %sub3A_17 = arith.subf %sub3A_15, %sub3A_16 : vector<512x1024xf32>
    %mul3A_18 = arith.mulf %sub3A_17, %sub3A_17 : vector<512x1024xf32>
    %add3A_19 = arith.addf %add3A, %mul3A_18 : vector<512x1024xf32>
    %slice3A_20 = vector.extract_strided_slice %get3A_3 {offsets = [0, 2], sizes = [512, 1], strides = [1, 1]} : vector<512x8xf32> to vector<512x1xf32>
    %slice3A_21 = vector.extract_strided_slice %get3A_8 {offsets = [2, 0], sizes = [1, 1024], strides = [1, 1]} : vector<3x1024xf32> to vector<1x1024xf32>
    %sub3A_22 = vector.broadcast %slice3A_20 : vector<512x1xf32> to vector<512x1024xf32>
    %sub3A_23 = vector.broadcast %slice3A_21 : vector<1x1024xf32> to vector<512x1024xf32>
    %sub3A_24 = arith.subf %sub3A_22, %sub3A_23 : vector<512x1024xf32>
    %mul3A_25 = arith.mulf %sub3A_24, %sub3A_24 : vector<512x1024xf32>
    %add3A_26 = arith.addf %add3A_19, %mul3A_25 : vector<512x1024xf32>
    %iota3A = tpu.iota {dimensions = array<i32: 1>} : vector<512x1024xi32>
    %convert_element_type3A = arith.sitofp %iota3A : vector<512x1024xi32> to vector<512x1024xf32>
    %iota3A_27 = tpu.iota {dimensions = array<i32: 1>} : vector<512x16xi32>
    %broadcast_in_dim3A_28 = arith.constant 0.000000e+00 : f32
    %broadcast_in_dim3A_29 = vector.broadcast %broadcast_in_dim3A_28 : f32 to vector<512x16xf32>
    %reduce_min3A = arith.constant dense<0x7F800000> : vector<512xf32>
    %reduce_min3A_30 = vector.multi_reduction <minimumf>, %add3A_26, %reduce_min3A [1] : vector<512x1024xf32> to vector<512xf32>
    %broadcast_in_dim3A_31 = vector.shape_cast %reduce_min3A_30 : vector<512xf32> to vector<512x1xf32>
    %eq3A = vector.broadcast %broadcast_in_dim3A_31 : vector<512x1xf32> to vector<512x1024xf32>
    %eq3A_32 = arith.cmpf oeq, %add3A_26, %eq3A : vector<512x1024xf32>
    %jit3A = arith.constant 0.000000e+00 : f32
    %broadcast_in_dim3A_33 = vector.broadcast %jit3A : f32 to vector<512x1024xf32>
    %select_n3A = arith.select %eq3A_32, %convert_element_type3A, %broadcast_in_dim3A_33 : vector<512x1024xi1>, vector<512x1024xf32>
    %reduce_sum3A = arith.constant dense<0.000000e+00> : vector<512xf32>
    %reduce_sum3A_34 = vector.multi_reduction <add>, %select_n3A, %reduce_sum3A [1] : vector<512x1024xf32> to vector<512xf32>
    %broadcast_in_dim3A_35 = vector.shape_cast %reduce_sum3A_34 : vector<512xf32> to vector<512x1xf32>
    %jit3A_36 = arith.constant 0x7F800000 : f32
    %broadcast_in_dim3A_37 = vector.broadcast %jit3A_36 : f32 to vector<512x1024xf32>
    %select_n3A_38 = arith.select %eq3A_32, %broadcast_in_dim3A_37, %add3A_26 : vector<512x1024xi1>, vector<512x1024xf32>
    %eq3A_39 = arith.constant 0 : i32
    %eq3A_40 = vector.broadcast %eq3A_39 : i32 to vector<512x16xi32>
    %eq3A_41 = arith.cmpi eq, %iota3A_27, %eq3A_40 : vector<512x16xi32>
    %broadcast_in_dim3A_42 = vector.shape_cast %broadcast_in_dim3A_35 : vector<512x1xf32> to vector<512x1xf32>
    %broadcast_in_dim3A_43 = vector.broadcast %broadcast_in_dim3A_42 : vector<512x1xf32> to vector<512x16xf32>
    %select_n3A_44 = arith.select %eq3A_41, %broadcast_in_dim3A_43, %broadcast_in_dim3A_29 : vector<512x16xi1>, vector<512x16xf32>
    %reduce_min3A_45 = arith.constant dense<0x7F800000> : vector<512xf32>
    %reduce_min3A_46 = vector.multi_reduction <minimumf>, %select_n3A_38, %reduce_min3A_45 [1] : vector<512x1024xf32> to vector<512xf32>
    %broadcast_in_dim3A_47 = vector.shape_cast %reduce_min3A_46 : vector<512xf32> to vector<512x1xf32>
    %eq3A_48 = vector.broadcast %broadcast_in_dim3A_47 : vector<512x1xf32> to vector<512x1024xf32>
    %eq3A_49 = arith.cmpf oeq, %select_n3A_38, %eq3A_48 : vector<512x1024xf32>
    %jit3A_50 = arith.constant 0.000000e+00 : f32
    %broadcast_in_dim3A_51 = vector.broadcast %jit3A_50 : f32 to vector<512x1024xf32>
    %select_n3A_52 = arith.select %eq3A_49, %convert_element_type3A, %broadcast_in_dim3A_51 : vector<512x1024xi1>, vector<512x1024xf32>
    %reduce_sum3A_53 = arith.constant dense<0.000000e+00> : vector<512xf32>
    %reduce_sum3A_54 = vector.multi_reduction <add>, %select_n3A_52, %reduce_sum3A_53 [1] : vector<512x1024xf32> to vector<512xf32>
    %broadcast_in_dim3A_55 = vector.shape_cast %reduce_sum3A_54 : vector<512xf32> to vector<512x1xf32>
    %jit3A_56 = arith.constant 0x7F800000 : f32
    %broadcast_in_dim3A_57 = vector.broadcast %jit3A_56 : f32 to vector<512x1024xf32>
    %select_n3A_58 = arith.select %eq3A_49, %broadcast_in_dim3A_57, %select_n3A_38 : vector<512x1024xi1>, vector<512x1024xf32>
    %eq3A_59 = arith.constant 1 : i32
    %eq3A_60 = vector.broadcast %eq3A_59 : i32 to vector<512x16xi32>
    %eq3A_61 = arith.cmpi eq, %iota3A_27, %eq3A_60 : vector<512x16xi32>
    %broadcast_in_dim3A_62 = vector.shape_cast %broadcast_in_dim3A_55 : vector<512x1xf32> to vector<512x1xf32>
    %broadcast_in_dim3A_63 = vector.broadcast %broadcast_in_dim3A_62 : vector<512x1xf32> to vector<512x16xf32>
    %select_n3A_64 = arith.select %eq3A_61, %broadcast_in_dim3A_63, %select_n3A_44 : vector<512x16xi1>, vector<512x16xf32>
    %reduce_min3A_65 = arith.constant dense<0x7F800000> : vector<512xf32>
    %reduce_min3A_66 = vector.multi_reduction <minimumf>, %select_n3A_58, %reduce_min3A_65 [1] : vector<512x1024xf32> to vector<512xf32>
    %broadcast_in_dim3A_67 = vector.shape_cast %reduce_min3A_66 : vector<512xf32> to vector<512x1xf32>
    %eq3A_68 = vector.broadcast %broadcast_in_dim3A_67 : vector<512x1xf32> to vector<512x1024xf32>
    %eq3A_69 = arith.cmpf oeq, %select_n3A_58, %eq3A_68 : vector<512x1024xf32>
    %jit3A_70 = arith.constant 0.000000e+00 : f32
    %broadcast_in_dim3A_71 = vector.broadcast %jit3A_70 : f32 to vector<512x1024xf32>
    %select_n3A_72 = arith.select %eq3A_69, %convert_element_type3A, %broadcast_in_dim3A_71 : vector<512x1024xi1>, vector<512x1024xf32>
    %reduce_sum3A_73 = arith.constant dense<0.000000e+00> : vector<512xf32>
    %reduce_sum3A_74 = vector.multi_reduction <add>, %select_n3A_72, %reduce_sum3A_73 [1] : vector<512x1024xf32> to vector<512xf32>
    %broadcast_in_dim3A_75 = vector.shape_cast %reduce_sum3A_74 : vector<512xf32> to vector<512x1xf32>
    %jit3A_76 = arith.constant 0x7F800000 : f32
    %broadcast_in_dim3A_77 = vector.broadcast %jit3A_76 : f32 to vector<512x1024xf32>
    %select_n3A_78 = arith.select %eq3A_69, %broadcast_in_dim3A_77, %select_n3A_58 : vector<512x1024xi1>, vector<512x1024xf32>
    %eq3A_79 = arith.constant 2 : i32
    %eq3A_80 = vector.broadcast %eq3A_79 : i32 to vector<512x16xi32>
    %eq3A_81 = arith.cmpi eq, %iota3A_27, %eq3A_80 : vector<512x16xi32>
    %broadcast_in_dim3A_82 = vector.shape_cast %broadcast_in_dim3A_75 : vector<512x1xf32> to vector<512x1xf32>
    %broadcast_in_dim3A_83 = vector.broadcast %broadcast_in_dim3A_82 : vector<512x1xf32> to vector<512x16xf32>
    %select_n3A_84 = arith.select %eq3A_81, %broadcast_in_dim3A_83, %select_n3A_64 : vector<512x16xi1>, vector<512x16xf32>
    %reduce_min3A_85 = arith.constant dense<0x7F800000> : vector<512xf32>
    %reduce_min3A_86 = vector.multi_reduction <minimumf>, %select_n3A_78, %reduce_min3A_85 [1] : vector<512x1024xf32> to vector<512xf32>
    %broadcast_in_dim3A_87 = vector.shape_cast %reduce_min3A_86 : vector<512xf32> to vector<512x1xf32>
    %eq3A_88 = vector.broadcast %broadcast_in_dim3A_87 : vector<512x1xf32> to vector<512x1024xf32>
    %eq3A_89 = arith.cmpf oeq, %select_n3A_78, %eq3A_88 : vector<512x1024xf32>
    %jit3A_90 = arith.constant 0.000000e+00 : f32
    %broadcast_in_dim3A_91 = vector.broadcast %jit3A_90 : f32 to vector<512x1024xf32>
    %select_n3A_92 = arith.select %eq3A_89, %convert_element_type3A, %broadcast_in_dim3A_91 : vector<512x1024xi1>, vector<512x1024xf32>
    %reduce_sum3A_93 = arith.constant dense<0.000000e+00> : vector<512xf32>
    %reduce_sum3A_94 = vector.multi_reduction <add>, %select_n3A_92, %reduce_sum3A_93 [1] : vector<512x1024xf32> to vector<512xf32>
    %broadcast_in_dim3A_95 = vector.shape_cast %reduce_sum3A_94 : vector<512xf32> to vector<512x1xf32>
    %jit3A_96 = arith.constant 0x7F800000 : f32
    %broadcast_in_dim3A_97 = vector.broadcast %jit3A_96 : f32 to vector<512x1024xf32>
    %select_n3A_98 = arith.select %eq3A_89, %broadcast_in_dim3A_97, %select_n3A_78 : vector<512x1024xi1>, vector<512x1024xf32>
    %eq3A_99 = arith.constant 3 : i32
    %eq3A_100 = vector.broadcast %eq3A_99 : i32 to vector<512x16xi32>
    %eq3A_101 = arith.cmpi eq, %iota3A_27, %eq3A_100 : vector<512x16xi32>
    %broadcast_in_dim3A_102 = vector.shape_cast %broadcast_in_dim3A_95 : vector<512x1xf32> to vector<512x1xf32>
    %broadcast_in_dim3A_103 = vector.broadcast %broadcast_in_dim3A_102 : vector<512x1xf32> to vector<512x16xf32>
    %select_n3A_104 = arith.select %eq3A_101, %broadcast_in_dim3A_103, %select_n3A_84 : vector<512x16xi1>, vector<512x16xf32>
    %reduce_min3A_105 = arith.constant dense<0x7F800000> : vector<512xf32>
    %reduce_min3A_106 = vector.multi_reduction <minimumf>, %select_n3A_98, %reduce_min3A_105 [1] : vector<512x1024xf32> to vector<512xf32>
    %broadcast_in_dim3A_107 = vector.shape_cast %reduce_min3A_106 : vector<512xf32> to vector<512x1xf32>
    %eq3A_108 = vector.broadcast %broadcast_in_dim3A_107 : vector<512x1xf32> to vector<512x1024xf32>
    %eq3A_109 = arith.cmpf oeq, %select_n3A_98, %eq3A_108 : vector<512x1024xf32>
    %jit3A_110 = arith.constant 0.000000e+00 : f32
    %broadcast_in_dim3A_111 = vector.broadcast %jit3A_110 : f32 to vector<512x1024xf32>
    %select_n3A_112 = arith.select %eq3A_109, %convert_element_type3A, %broadcast_in_dim3A_111 : vector<512x1024xi1>, vector<512x1024xf32>
    %reduce_sum3A_113 = arith.constant dense<0.000000e+00> : vector<512xf32>
    %reduce_sum3A_114 = vector.multi_reduction <add>, %select_n3A_112, %reduce_sum3A_113 [1] : vector<512x1024xf32> to vector<512xf32>
    %broadcast_in_dim3A_115 = vector.shape_cast %reduce_sum3A_114 : vector<512xf32> to vector<512x1xf32>
    %jit3A_116 = arith.constant 0x7F800000 : f32
    %broadcast_in_dim3A_117 = vector.broadcast %jit3A_116 : f32 to vector<512x1024xf32>
    %select_n3A_118 = arith.select %eq3A_109, %broadcast_in_dim3A_117, %select_n3A_98 : vector<512x1024xi1>, vector<512x1024xf32>
    %eq3A_119 = arith.constant 4 : i32
    %eq3A_120 = vector.broadcast %eq3A_119 : i32 to vector<512x16xi32>
    %eq3A_121 = arith.cmpi eq, %iota3A_27, %eq3A_120 : vector<512x16xi32>
    %broadcast_in_dim3A_122 = vector.shape_cast %broadcast_in_dim3A_115 : vector<512x1xf32> to vector<512x1xf32>
    %broadcast_in_dim3A_123 = vector.broadcast %broadcast_in_dim3A_122 : vector<512x1xf32> to vector<512x16xf32>
    %select_n3A_124 = arith.select %eq3A_121, %broadcast_in_dim3A_123, %select_n3A_104 : vector<512x16xi1>, vector<512x16xf32>
    %reduce_min3A_125 = arith.constant dense<0x7F800000> : vector<512xf32>
    %reduce_min3A_126 = vector.multi_reduction <minimumf>, %select_n3A_118, %reduce_min3A_125 [1] : vector<512x1024xf32> to vector<512xf32>
    %broadcast_in_dim3A_127 = vector.shape_cast %reduce_min3A_126 : vector<512xf32> to vector<512x1xf32>
    %eq3A_128 = vector.broadcast %broadcast_in_dim3A_127 : vector<512x1xf32> to vector<512x1024xf32>
    %eq3A_129 = arith.cmpf oeq, %select_n3A_118, %eq3A_128 : vector<512x1024xf32>
    %jit3A_130 = arith.constant 0.000000e+00 : f32
    %broadcast_in_dim3A_131 = vector.broadcast %jit3A_130 : f32 to vector<512x1024xf32>
    %select_n3A_132 = arith.select %eq3A_129, %convert_element_type3A, %broadcast_in_dim3A_131 : vector<512x1024xi1>, vector<512x1024xf32>
    %reduce_sum3A_133 = arith.constant dense<0.000000e+00> : vector<512xf32>
    %reduce_sum3A_134 = vector.multi_reduction <add>, %select_n3A_132, %reduce_sum3A_133 [1] : vector<512x1024xf32> to vector<512xf32>
    %broadcast_in_dim3A_135 = vector.shape_cast %reduce_sum3A_134 : vector<512xf32> to vector<512x1xf32>
    %jit3A_136 = arith.constant 0x7F800000 : f32
    %broadcast_in_dim3A_137 = vector.broadcast %jit3A_136 : f32 to vector<512x1024xf32>
    %select_n3A_138 = arith.select %eq3A_129, %broadcast_in_dim3A_137, %select_n3A_118 : vector<512x1024xi1>, vector<512x1024xf32>
    %eq3A_139 = arith.constant 5 : i32
    %eq3A_140 = vector.broadcast %eq3A_139 : i32 to vector<512x16xi32>
    %eq3A_141 = arith.cmpi eq, %iota3A_27, %eq3A_140 : vector<512x16xi32>
    %broadcast_in_dim3A_142 = vector.shape_cast %broadcast_in_dim3A_135 : vector<512x1xf32> to vector<512x1xf32>
    %broadcast_in_dim3A_143 = vector.broadcast %broadcast_in_dim3A_142 : vector<512x1xf32> to vector<512x16xf32>
    %select_n3A_144 = arith.select %eq3A_141, %broadcast_in_dim3A_143, %select_n3A_124 : vector<512x16xi1>, vector<512x16xf32>
    %reduce_min3A_145 = arith.constant dense<0x7F800000> : vector<512xf32>
    %reduce_min3A_146 = vector.multi_reduction <minimumf>, %select_n3A_138, %reduce_min3A_145 [1] : vector<512x1024xf32> to vector<512xf32>
    %broadcast_in_dim3A_147 = vector.shape_cast %reduce_min3A_146 : vector<512xf32> to vector<512x1xf32>
    %eq3A_148 = vector.broadcast %broadcast_in_dim3A_147 : vector<512x1xf32> to vector<512x1024xf32>
    %eq3A_149 = arith.cmpf oeq, %select_n3A_138, %eq3A_148 : vector<512x1024xf32>
    %jit3A_150 = arith.constant 0.000000e+00 : f32
    %broadcast_in_dim3A_151 = vector.broadcast %jit3A_150 : f32 to vector<512x1024xf32>
    %select_n3A_152 = arith.select %eq3A_149, %convert_element_type3A, %broadcast_in_dim3A_151 : vector<512x1024xi1>, vector<512x1024xf32>
    %reduce_sum3A_153 = arith.constant dense<0.000000e+00> : vector<512xf32>
    %reduce_sum3A_154 = vector.multi_reduction <add>, %select_n3A_152, %reduce_sum3A_153 [1] : vector<512x1024xf32> to vector<512xf32>
    %broadcast_in_dim3A_155 = vector.shape_cast %reduce_sum3A_154 : vector<512xf32> to vector<512x1xf32>
    %jit3A_156 = arith.constant 0x7F800000 : f32
    %broadcast_in_dim3A_157 = vector.broadcast %jit3A_156 : f32 to vector<512x1024xf32>
    %select_n3A_158 = arith.select %eq3A_149, %broadcast_in_dim3A_157, %select_n3A_138 : vector<512x1024xi1>, vector<512x1024xf32>
    %eq3A_159 = arith.constant 6 : i32
    %eq3A_160 = vector.broadcast %eq3A_159 : i32 to vector<512x16xi32>
    %eq3A_161 = arith.cmpi eq, %iota3A_27, %eq3A_160 : vector<512x16xi32>
    %broadcast_in_dim3A_162 = vector.shape_cast %broadcast_in_dim3A_155 : vector<512x1xf32> to vector<512x1xf32>
    %broadcast_in_dim3A_163 = vector.broadcast %broadcast_in_dim3A_162 : vector<512x1xf32> to vector<512x16xf32>
    %select_n3A_164 = arith.select %eq3A_161, %broadcast_in_dim3A_163, %select_n3A_144 : vector<512x16xi1>, vector<512x16xf32>
    %reduce_min3A_165 = arith.constant dense<0x7F800000> : vector<512xf32>
    %reduce_min3A_166 = vector.multi_reduction <minimumf>, %select_n3A_158, %reduce_min3A_165 [1] : vector<512x1024xf32> to vector<512xf32>
    %broadcast_in_dim3A_167 = vector.shape_cast %reduce_min3A_166 : vector<512xf32> to vector<512x1xf32>
    %eq3A_168 = vector.broadcast %broadcast_in_dim3A_167 : vector<512x1xf32> to vector<512x1024xf32>
    %eq3A_169 = arith.cmpf oeq, %select_n3A_158, %eq3A_168 : vector<512x1024xf32>
    %jit3A_170 = arith.constant 0.000000e+00 : f32
    %broadcast_in_dim3A_171 = vector.broadcast %jit3A_170 : f32 to vector<512x1024xf32>
    %select_n3A_172 = arith.select %eq3A_169, %convert_element_type3A, %broadcast_in_dim3A_171 : vector<512x1024xi1>, vector<512x1024xf32>
    %reduce_sum3A_173 = arith.constant dense<0.000000e+00> : vector<512xf32>
    %reduce_sum3A_174 = vector.multi_reduction <add>, %select_n3A_172, %reduce_sum3A_173 [1] : vector<512x1024xf32> to vector<512xf32>
    %broadcast_in_dim3A_175 = vector.shape_cast %reduce_sum3A_174 : vector<512xf32> to vector<512x1xf32>
    %jit3A_176 = arith.constant 0x7F800000 : f32
    %broadcast_in_dim3A_177 = vector.broadcast %jit3A_176 : f32 to vector<512x1024xf32>
    %select_n3A_178 = arith.select %eq3A_169, %broadcast_in_dim3A_177, %select_n3A_158 : vector<512x1024xi1>, vector<512x1024xf32>
    %eq3A_179 = arith.constant 7 : i32
    %eq3A_180 = vector.broadcast %eq3A_179 : i32 to vector<512x16xi32>
    %eq3A_181 = arith.cmpi eq, %iota3A_27, %eq3A_180 : vector<512x16xi32>
    %broadcast_in_dim3A_182 = vector.shape_cast %broadcast_in_dim3A_175 : vector<512x1xf32> to vector<512x1xf32>
    %broadcast_in_dim3A_183 = vector.broadcast %broadcast_in_dim3A_182 : vector<512x1xf32> to vector<512x16xf32>
    %select_n3A_184 = arith.select %eq3A_181, %broadcast_in_dim3A_183, %select_n3A_164 : vector<512x16xi1>, vector<512x16xf32>
    %reduce_min3A_185 = arith.constant dense<0x7F800000> : vector<512xf32>
    %reduce_min3A_186 = vector.multi_reduction <minimumf>, %select_n3A_178, %reduce_min3A_185 [1] : vector<512x1024xf32> to vector<512xf32>
    %broadcast_in_dim3A_187 = vector.shape_cast %reduce_min3A_186 : vector<512xf32> to vector<512x1xf32>
    %eq3A_188 = vector.broadcast %broadcast_in_dim3A_187 : vector<512x1xf32> to vector<512x1024xf32>
    %eq3A_189 = arith.cmpf oeq, %select_n3A_178, %eq3A_188 : vector<512x1024xf32>
    %jit3A_190 = arith.constant 0.000000e+00 : f32
    %broadcast_in_dim3A_191 = vector.broadcast %jit3A_190 : f32 to vector<512x1024xf32>
    %select_n3A_192 = arith.select %eq3A_189, %convert_element_type3A, %broadcast_in_dim3A_191 : vector<512x1024xi1>, vector<512x1024xf32>
    %reduce_sum3A_193 = arith.constant dense<0.000000e+00> : vector<512xf32>
    %reduce_sum3A_194 = vector.multi_reduction <add>, %select_n3A_192, %reduce_sum3A_193 [1] : vector<512x1024xf32> to vector<512xf32>
    %broadcast_in_dim3A_195 = vector.shape_cast %reduce_sum3A_194 : vector<512xf32> to vector<512x1xf32>
    %jit3A_196 = arith.constant 0x7F800000 : f32
    %broadcast_in_dim3A_197 = vector.broadcast %jit3A_196 : f32 to vector<512x1024xf32>
    %select_n3A_198 = arith.select %eq3A_189, %broadcast_in_dim3A_197, %select_n3A_178 : vector<512x1024xi1>, vector<512x1024xf32>
    %eq3A_199 = arith.constant 8 : i32
    %eq3A_200 = vector.broadcast %eq3A_199 : i32 to vector<512x16xi32>
    %eq3A_201 = arith.cmpi eq, %iota3A_27, %eq3A_200 : vector<512x16xi32>
    %broadcast_in_dim3A_202 = vector.shape_cast %broadcast_in_dim3A_195 : vector<512x1xf32> to vector<512x1xf32>
    %broadcast_in_dim3A_203 = vector.broadcast %broadcast_in_dim3A_202 : vector<512x1xf32> to vector<512x16xf32>
    %select_n3A_204 = arith.select %eq3A_201, %broadcast_in_dim3A_203, %select_n3A_184 : vector<512x16xi1>, vector<512x16xf32>
    %reduce_min3A_205 = arith.constant dense<0x7F800000> : vector<512xf32>
    %reduce_min3A_206 = vector.multi_reduction <minimumf>, %select_n3A_198, %reduce_min3A_205 [1] : vector<512x1024xf32> to vector<512xf32>
    %broadcast_in_dim3A_207 = vector.shape_cast %reduce_min3A_206 : vector<512xf32> to vector<512x1xf32>
    %eq3A_208 = vector.broadcast %broadcast_in_dim3A_207 : vector<512x1xf32> to vector<512x1024xf32>
    %eq3A_209 = arith.cmpf oeq, %select_n3A_198, %eq3A_208 : vector<512x1024xf32>
    %jit3A_210 = arith.constant 0.000000e+00 : f32
    %broadcast_in_dim3A_211 = vector.broadcast %jit3A_210 : f32 to vector<512x1024xf32>
    %select_n3A_212 = arith.select %eq3A_209, %convert_element_type3A, %broadcast_in_dim3A_211 : vector<512x1024xi1>, vector<512x1024xf32>
    %reduce_sum3A_213 = arith.constant dense<0.000000e+00> : vector<512xf32>
    %reduce_sum3A_214 = vector.multi_reduction <add>, %select_n3A_212, %reduce_sum3A_213 [1] : vector<512x1024xf32> to vector<512xf32>
    %broadcast_in_dim3A_215 = vector.shape_cast %reduce_sum3A_214 : vector<512xf32> to vector<512x1xf32>
    %jit3A_216 = arith.constant 0x7F800000 : f32
    %broadcast_in_dim3A_217 = vector.broadcast %jit3A_216 : f32 to vector<512x1024xf32>
    %select_n3A_218 = arith.select %eq3A_209, %broadcast_in_dim3A_217, %select_n3A_198 : vector<512x1024xi1>, vector<512x1024xf32>
    %eq3A_219 = arith.constant 9 : i32
    %eq3A_220 = vector.broadcast %eq3A_219 : i32 to vector<512x16xi32>
    %eq3A_221 = arith.cmpi eq, %iota3A_27, %eq3A_220 : vector<512x16xi32>
    %broadcast_in_dim3A_222 = vector.shape_cast %broadcast_in_dim3A_215 : vector<512x1xf32> to vector<512x1xf32>
    %broadcast_in_dim3A_223 = vector.broadcast %broadcast_in_dim3A_222 : vector<512x1xf32> to vector<512x16xf32>
    %select_n3A_224 = arith.select %eq3A_221, %broadcast_in_dim3A_223, %select_n3A_204 : vector<512x16xi1>, vector<512x16xf32>
    %reduce_min3A_225 = arith.constant dense<0x7F800000> : vector<512xf32>
    %reduce_min3A_226 = vector.multi_reduction <minimumf>, %select_n3A_218, %reduce_min3A_225 [1] : vector<512x1024xf32> to vector<512xf32>
    %broadcast_in_dim3A_227 = vector.shape_cast %reduce_min3A_226 : vector<512xf32> to vector<512x1xf32>
    %eq3A_228 = vector.broadcast %broadcast_in_dim3A_227 : vector<512x1xf32> to vector<512x1024xf32>
    %eq3A_229 = arith.cmpf oeq, %select_n3A_218, %eq3A_228 : vector<512x1024xf32>
    %jit3A_230 = arith.constant 0.000000e+00 : f32
    %broadcast_in_dim3A_231 = vector.broadcast %jit3A_230 : f32 to vector<512x1024xf32>
    %select_n3A_232 = arith.select %eq3A_229, %convert_element_type3A, %broadcast_in_dim3A_231 : vector<512x1024xi1>, vector<512x1024xf32>
    %reduce_sum3A_233 = arith.constant dense<0.000000e+00> : vector<512xf32>
    %reduce_sum3A_234 = vector.multi_reduction <add>, %select_n3A_232, %reduce_sum3A_233 [1] : vector<512x1024xf32> to vector<512xf32>
    %broadcast_in_dim3A_235 = vector.shape_cast %reduce_sum3A_234 : vector<512xf32> to vector<512x1xf32>
    %jit3A_236 = arith.constant 0x7F800000 : f32
    %broadcast_in_dim3A_237 = vector.broadcast %jit3A_236 : f32 to vector<512x1024xf32>
    %select_n3A_238 = arith.select %eq3A_229, %broadcast_in_dim3A_237, %select_n3A_218 : vector<512x1024xi1>, vector<512x1024xf32>
    %eq3A_239 = arith.constant 10 : i32
    %eq3A_240 = vector.broadcast %eq3A_239 : i32 to vector<512x16xi32>
    %eq3A_241 = arith.cmpi eq, %iota3A_27, %eq3A_240 : vector<512x16xi32>
    %broadcast_in_dim3A_242 = vector.shape_cast %broadcast_in_dim3A_235 : vector<512x1xf32> to vector<512x1xf32>
    %broadcast_in_dim3A_243 = vector.broadcast %broadcast_in_dim3A_242 : vector<512x1xf32> to vector<512x16xf32>
    %select_n3A_244 = arith.select %eq3A_241, %broadcast_in_dim3A_243, %select_n3A_224 : vector<512x16xi1>, vector<512x16xf32>
    %reduce_min3A_245 = arith.constant dense<0x7F800000> : vector<512xf32>
    %reduce_min3A_246 = vector.multi_reduction <minimumf>, %select_n3A_238, %reduce_min3A_245 [1] : vector<512x1024xf32> to vector<512xf32>
    %broadcast_in_dim3A_247 = vector.shape_cast %reduce_min3A_246 : vector<512xf32> to vector<512x1xf32>
    %eq3A_248 = vector.broadcast %broadcast_in_dim3A_247 : vector<512x1xf32> to vector<512x1024xf32>
    %eq3A_249 = arith.cmpf oeq, %select_n3A_238, %eq3A_248 : vector<512x1024xf32>
    %jit3A_250 = arith.constant 0.000000e+00 : f32
    %broadcast_in_dim3A_251 = vector.broadcast %jit3A_250 : f32 to vector<512x1024xf32>
    %select_n3A_252 = arith.select %eq3A_249, %convert_element_type3A, %broadcast_in_dim3A_251 : vector<512x1024xi1>, vector<512x1024xf32>
    %reduce_sum3A_253 = arith.constant dense<0.000000e+00> : vector<512xf32>
    %reduce_sum3A_254 = vector.multi_reduction <add>, %select_n3A_252, %reduce_sum3A_253 [1] : vector<512x1024xf32> to vector<512xf32>
    %broadcast_in_dim3A_255 = vector.shape_cast %reduce_sum3A_254 : vector<512xf32> to vector<512x1xf32>
    %jit3A_256 = arith.constant 0x7F800000 : f32
    %broadcast_in_dim3A_257 = vector.broadcast %jit3A_256 : f32 to vector<512x1024xf32>
    %select_n3A_258 = arith.select %eq3A_249, %broadcast_in_dim3A_257, %select_n3A_238 : vector<512x1024xi1>, vector<512x1024xf32>
    %eq3A_259 = arith.constant 11 : i32
    %eq3A_260 = vector.broadcast %eq3A_259 : i32 to vector<512x16xi32>
    %eq3A_261 = arith.cmpi eq, %iota3A_27, %eq3A_260 : vector<512x16xi32>
    %broadcast_in_dim3A_262 = vector.shape_cast %broadcast_in_dim3A_255 : vector<512x1xf32> to vector<512x1xf32>
    %broadcast_in_dim3A_263 = vector.broadcast %broadcast_in_dim3A_262 : vector<512x1xf32> to vector<512x16xf32>
    %select_n3A_264 = arith.select %eq3A_261, %broadcast_in_dim3A_263, %select_n3A_244 : vector<512x16xi1>, vector<512x16xf32>
    %reduce_min3A_265 = arith.constant dense<0x7F800000> : vector<512xf32>
    %reduce_min3A_266 = vector.multi_reduction <minimumf>, %select_n3A_258, %reduce_min3A_265 [1] : vector<512x1024xf32> to vector<512xf32>
    %broadcast_in_dim3A_267 = vector.shape_cast %reduce_min3A_266 : vector<512xf32> to vector<512x1xf32>
    %eq3A_268 = vector.broadcast %broadcast_in_dim3A_267 : vector<512x1xf32> to vector<512x1024xf32>
    %eq3A_269 = arith.cmpf oeq, %select_n3A_258, %eq3A_268 : vector<512x1024xf32>
    %jit3A_270 = arith.constant 0.000000e+00 : f32
    %broadcast_in_dim3A_271 = vector.broadcast %jit3A_270 : f32 to vector<512x1024xf32>
    %select_n3A_272 = arith.select %eq3A_269, %convert_element_type3A, %broadcast_in_dim3A_271 : vector<512x1024xi1>, vector<512x1024xf32>
    %reduce_sum3A_273 = arith.constant dense<0.000000e+00> : vector<512xf32>
    %reduce_sum3A_274 = vector.multi_reduction <add>, %select_n3A_272, %reduce_sum3A_273 [1] : vector<512x1024xf32> to vector<512xf32>
    %broadcast_in_dim3A_275 = vector.shape_cast %reduce_sum3A_274 : vector<512xf32> to vector<512x1xf32>
    %jit3A_276 = arith.constant 0x7F800000 : f32
    %broadcast_in_dim3A_277 = vector.broadcast %jit3A_276 : f32 to vector<512x1024xf32>
    %select_n3A_278 = arith.select %eq3A_269, %broadcast_in_dim3A_277, %select_n3A_258 : vector<512x1024xi1>, vector<512x1024xf32>
    %eq3A_279 = arith.constant 12 : i32
    %eq3A_280 = vector.broadcast %eq3A_279 : i32 to vector<512x16xi32>
    %eq3A_281 = arith.cmpi eq, %iota3A_27, %eq3A_280 : vector<512x16xi32>
    %broadcast_in_dim3A_282 = vector.shape_cast %broadcast_in_dim3A_275 : vector<512x1xf32> to vector<512x1xf32>
    %broadcast_in_dim3A_283 = vector.broadcast %broadcast_in_dim3A_282 : vector<512x1xf32> to vector<512x16xf32>
    %select_n3A_284 = arith.select %eq3A_281, %broadcast_in_dim3A_283, %select_n3A_264 : vector<512x16xi1>, vector<512x16xf32>
    %reduce_min3A_285 = arith.constant dense<0x7F800000> : vector<512xf32>
    %reduce_min3A_286 = vector.multi_reduction <minimumf>, %select_n3A_278, %reduce_min3A_285 [1] : vector<512x1024xf32> to vector<512xf32>
    %broadcast_in_dim3A_287 = vector.shape_cast %reduce_min3A_286 : vector<512xf32> to vector<512x1xf32>
    %eq3A_288 = vector.broadcast %broadcast_in_dim3A_287 : vector<512x1xf32> to vector<512x1024xf32>
    %eq3A_289 = arith.cmpf oeq, %select_n3A_278, %eq3A_288 : vector<512x1024xf32>
    %jit3A_290 = arith.constant 0.000000e+00 : f32
    %broadcast_in_dim3A_291 = vector.broadcast %jit3A_290 : f32 to vector<512x1024xf32>
    %select_n3A_292 = arith.select %eq3A_289, %convert_element_type3A, %broadcast_in_dim3A_291 : vector<512x1024xi1>, vector<512x1024xf32>
    %reduce_sum3A_293 = arith.constant dense<0.000000e+00> : vector<512xf32>
    %reduce_sum3A_294 = vector.multi_reduction <add>, %select_n3A_292, %reduce_sum3A_293 [1] : vector<512x1024xf32> to vector<512xf32>
    %broadcast_in_dim3A_295 = vector.shape_cast %reduce_sum3A_294 : vector<512xf32> to vector<512x1xf32>
    %jit3A_296 = arith.constant 0x7F800000 : f32
    %broadcast_in_dim3A_297 = vector.broadcast %jit3A_296 : f32 to vector<512x1024xf32>
    %select_n3A_298 = arith.select %eq3A_289, %broadcast_in_dim3A_297, %select_n3A_278 : vector<512x1024xi1>, vector<512x1024xf32>
    %eq3A_299 = arith.constant 13 : i32
    %eq3A_300 = vector.broadcast %eq3A_299 : i32 to vector<512x16xi32>
    %eq3A_301 = arith.cmpi eq, %iota3A_27, %eq3A_300 : vector<512x16xi32>
    %broadcast_in_dim3A_302 = vector.shape_cast %broadcast_in_dim3A_295 : vector<512x1xf32> to vector<512x1xf32>
    %broadcast_in_dim3A_303 = vector.broadcast %broadcast_in_dim3A_302 : vector<512x1xf32> to vector<512x16xf32>
    %select_n3A_304 = arith.select %eq3A_301, %broadcast_in_dim3A_303, %select_n3A_284 : vector<512x16xi1>, vector<512x16xf32>
    %reduce_min3A_305 = arith.constant dense<0x7F800000> : vector<512xf32>
    %reduce_min3A_306 = vector.multi_reduction <minimumf>, %select_n3A_298, %reduce_min3A_305 [1] : vector<512x1024xf32> to vector<512xf32>
    %broadcast_in_dim3A_307 = vector.shape_cast %reduce_min3A_306 : vector<512xf32> to vector<512x1xf32>
    %eq3A_308 = vector.broadcast %broadcast_in_dim3A_307 : vector<512x1xf32> to vector<512x1024xf32>
    %eq3A_309 = arith.cmpf oeq, %select_n3A_298, %eq3A_308 : vector<512x1024xf32>
    %jit3A_310 = arith.constant 0.000000e+00 : f32
    %broadcast_in_dim3A_311 = vector.broadcast %jit3A_310 : f32 to vector<512x1024xf32>
    %select_n3A_312 = arith.select %eq3A_309, %convert_element_type3A, %broadcast_in_dim3A_311 : vector<512x1024xi1>, vector<512x1024xf32>
    %reduce_sum3A_313 = arith.constant dense<0.000000e+00> : vector<512xf32>
    %reduce_sum3A_314 = vector.multi_reduction <add>, %select_n3A_312, %reduce_sum3A_313 [1] : vector<512x1024xf32> to vector<512xf32>
    %broadcast_in_dim3A_315 = vector.shape_cast %reduce_sum3A_314 : vector<512xf32> to vector<512x1xf32>
    %jit3A_316 = arith.constant 0x7F800000 : f32
    %broadcast_in_dim3A_317 = vector.broadcast %jit3A_316 : f32 to vector<512x1024xf32>
    %select_n3A_318 = arith.select %eq3A_309, %broadcast_in_dim3A_317, %select_n3A_298 : vector<512x1024xi1>, vector<512x1024xf32>
    %eq3A_319 = arith.constant 14 : i32
    %eq3A_320 = vector.broadcast %eq3A_319 : i32 to vector<512x16xi32>
    %eq3A_321 = arith.cmpi eq, %iota3A_27, %eq3A_320 : vector<512x16xi32>
    %broadcast_in_dim3A_322 = vector.shape_cast %broadcast_in_dim3A_315 : vector<512x1xf32> to vector<512x1xf32>
    %broadcast_in_dim3A_323 = vector.broadcast %broadcast_in_dim3A_322 : vector<512x1xf32> to vector<512x16xf32>
    %select_n3A_324 = arith.select %eq3A_321, %broadcast_in_dim3A_323, %select_n3A_304 : vector<512x16xi1>, vector<512x16xf32>
    %reduce_min3A_325 = arith.constant dense<0x7F800000> : vector<512xf32>
    %reduce_min3A_326 = vector.multi_reduction <minimumf>, %select_n3A_318, %reduce_min3A_325 [1] : vector<512x1024xf32> to vector<512xf32>
    %broadcast_in_dim3A_327 = vector.shape_cast %reduce_min3A_326 : vector<512xf32> to vector<512x1xf32>
    %eq3A_328 = vector.broadcast %broadcast_in_dim3A_327 : vector<512x1xf32> to vector<512x1024xf32>
    %eq3A_329 = arith.cmpf oeq, %select_n3A_318, %eq3A_328 : vector<512x1024xf32>
    %jit3A_330 = arith.constant 0.000000e+00 : f32
    %broadcast_in_dim3A_331 = vector.broadcast %jit3A_330 : f32 to vector<512x1024xf32>
    %select_n3A_332 = arith.select %eq3A_329, %convert_element_type3A, %broadcast_in_dim3A_331 : vector<512x1024xi1>, vector<512x1024xf32>
    %reduce_sum3A_333 = arith.constant dense<0.000000e+00> : vector<512xf32>
    %reduce_sum3A_334 = vector.multi_reduction <add>, %select_n3A_332, %reduce_sum3A_333 [1] : vector<512x1024xf32> to vector<512xf32>
    %broadcast_in_dim3A_335 = vector.shape_cast %reduce_sum3A_334 : vector<512xf32> to vector<512x1xf32>
    %eq3A_336 = arith.constant 15 : i32
    %eq3A_337 = vector.broadcast %eq3A_336 : i32 to vector<512x16xi32>
    %eq3A_338 = arith.cmpi eq, %iota3A_27, %eq3A_337 : vector<512x16xi32>
    %broadcast_in_dim3A_339 = vector.shape_cast %broadcast_in_dim3A_335 : vector<512x1xf32> to vector<512x1xf32>
    %broadcast_in_dim3A_340 = vector.broadcast %broadcast_in_dim3A_339 : vector<512x1xf32> to vector<512x16xf32>
    %select_n3A_341 = arith.select %eq3A_338, %broadcast_in_dim3A_340, %select_n3A_324 : vector<512x16xi1>, vector<512x16xf32>
    %transpose3A = tpu.transpose %select_n3A_341, [1, 0] : vector<512x16xf32> -> vector<16x512xf32>
    %convert_element_type3A_342 = arith.fptosi %transpose3A : vector<16x512xf32> to vector<16x512xi32>
    %swap3A = arith.constant 0 : index
    %swap3A_343 = arith.constant 0 : index
    %swap3A_344 = arith.constant 0 : index
    %swap3A_345 = vector.load %arg4[%swap3A, %swap3A_343, %swap3A_344] : memref<1x16x512xi32, #tpu.memory_space<vmem>>, vector<1x16x512xi32>
    %swap3A_346 = vector.shape_cast %swap3A_345 : vector<1x16x512xi32> to vector<16x512xi32>
    %swap3A_347 = vector.shape_cast %convert_element_type3A_342 : vector<16x512xi32> to vector<1x16x512xi32>
    tpu.vector_store %arg4[%swap3A, %swap3A_343, %swap3A_344], %swap3A_347 {strides = array<i32>} : memref<1x16x512xi32, #tpu.memory_space<vmem>>, vector<1x16x512xi32>,
    return
  }
  func.func @transform_0(%arg0: i32, %arg1: i32) -> (i32, i32, i32) {
    %c0_i32 = arith.constant 0 : i32
    %c0_i32_0 = arith.constant 0 : i32
    %c0_i32_1 = arith.constant 0 : i32
    return %arg0, %c0_i32, %c0_i32_0 : i32, i32, i32
  }
  func.func @transform_1(%arg0: i32, %arg1: i32) -> (i32, i32, i32) {
    %c0_i32 = arith.constant 0 : i32
    %c0_i32_0 = arith.constant 0 : i32
    return %arg0, %arg1, %c0_i32 : i32, i32, i32
  }
  func.func @transform_2(%arg0: i32, %arg1: i32) -> (i32, i32, i32) {
    %c0_i32 = arith.constant 0 : i32
    %c0_i32_0 = arith.constant 0 : i32
    return %arg0, %c0_i32, %arg1 : i32, i32, i32
  }
}

module attributes {stable_mosaic.version = 14 : i64} {
  func.func @_prep_body(%arg0: i32, %arg1: memref<1x256x1024xf32, #tpu.memory_space<vmem>>, %arg2: memref<1x256x4096xf32, #tpu.memory_space<vmem>>, %arg3: memref<1x256x1024xf32, #tpu.memory_space<vmem>>, %arg4: memref<1x1024x8xf32, #tpu.memory_space<vmem>>, %arg5: memref<1x4096x8xf32, #tpu.memory_space<vmem>>, %arg6: memref<256x256xf32, #tpu.memory_space<vmem>>, %arg7: memref<256x256xf32, #tpu.memory_space<vmem>>, %arg8: memref<8x256xf32, #tpu.memory_space<vmem>>, %arg9: memref<1x256xf32, #tpu.memory_space<vmem>>, %arg10: memref<1x1024x256xi32, #tpu.memory_space<vmem>>, %arg11: memref<1x4096x256xf32, #tpu.memory_space<vmem>>) attributes {dimension_semantics = [#tpu.dimension_semantics<arbitrary>], iteration_bounds = array<i64: 4>, scalar_prefetch = 0 : i64, scratch_operands = 0 : i64, tpu.core_type = #tpu.core_type<tc>, window_params = [{transform_indices = @transform_0, window_bounds = array<i64: 1, 256, 1024>}, {transform_indices = @transform_1, window_bounds = array<i64: 1, 256, 4096>}, {transform_indices = @transform_2, window_bounds = array<i64: 1, 256, 1024>}, {transform_indices = @transform_3, window_bounds = array<i64: 1, 1024, 8>}, {transform_indices = @transform_4, window_bounds = array<i64: 1, 4096, 8>}, {pipeline_mode = #tpu.pipeline_mode<synchronous>, transform_indices = @transform_5, window_bounds = array<i64: 256, 256>}, {pipeline_mode = #tpu.pipeline_mode<synchronous>, transform_indices = @transform_6, window_bounds = array<i64: 256, 256>}, {pipeline_mode = #tpu.pipeline_mode<synchronous>, transform_indices = @transform_7, window_bounds = array<i64: 8, 256>}, {pipeline_mode = #tpu.pipeline_mode<synchronous>, transform_indices = @transform_8, window_bounds = array<i64: 1, 256>}, {transform_indices = @transform_9, window_bounds = array<i64: 1, 1024, 256>}, {transform_indices = @transform_10, window_bounds = array<i64: 1, 4096, 256>}]} {
    %get3A = arith.constant 0 : index
    %get3A_0 = arith.constant 0 : index
    %get3A_1 = arith.constant 0 : index
    %get3A_2 = vector.load %arg1[%get3A, %get3A_0, %get3A_1] : memref<1x256x1024xf32, #tpu.memory_space<vmem>>, vector<1x256x1024xf32>
    %get3A_3 = vector.shape_cast %get3A_2 : vector<1x256x1024xf32> to vector<256x1024xf32>
    %get3A_4 = arith.constant 0 : index
    %get3A_5 = arith.constant 0 : index
    %get3A_6 = arith.constant 0 : index
    %get3A_7 = vector.load %arg2[%get3A_4, %get3A_5, %get3A_6] : memref<1x256x4096xf32, #tpu.memory_space<vmem>>, vector<1x256x4096xf32>
    %get3A_8 = vector.shape_cast %get3A_7 : vector<1x256x4096xf32> to vector<256x4096xf32>
    %get3A_9 = arith.constant 0 : index
    %get3A_10 = arith.constant 0 : index
    %get3A_11 = vector.load %arg8[%get3A_9, %get3A_10] : memref<8x256xf32, #tpu.memory_space<vmem>>, vector<8x256xf32>
    %get3A_12 = arith.constant 0 : index
    %get3A_13 = arith.constant 0 : index
    %get3A_14 = vector.load %arg6[%get3A_12, %get3A_13] : memref<256x256xf32, #tpu.memory_space<vmem>>, vector<256x256xf32>
    %dot_general3A = arith.constant dense<0.000000e+00> : vector<1024x256xf32>
    %dot_general3A_15 = tpu.matmul %get3A_3, %get3A_14, %dot_general3A {dimension_numbers = #tpu.dot_dimension_numbers<[0], [1], [1], [0], [0, 1, 1, 0], [], []>, transpose_lhs_hint = false} : vector<256x1024xf32>, vector<256x256xf32>, vector<1024x256xf32> -> vector<1024x256xf32>
    %get3A_16 = arith.constant 0 : index
    %get3A_17 = arith.constant 0 : index
    %get3A_18 = arith.constant 0 : index
    %get3A_19 = vector.load %arg4[%get3A_16, %get3A_17, %get3A_18] : memref<1x1024x8xf32, #tpu.memory_space<vmem>>, vector<1x1024x8xf32>
    %get3A_20 = vector.shape_cast %get3A_19 : vector<1x1024x8xf32> to vector<1024x8xf32>
    %dot_general3A_21 = arith.constant dense<0.000000e+00> : vector<1024x256xf32>
    %dot_general3A_22 = tpu.matmul %get3A_20, %get3A_11, %dot_general3A_21 {dimension_numbers = #tpu.dot_dimension_numbers<[1], [0], [0], [1], [0, 0, 1, 1], [], []>, transpose_lhs_hint = false} : vector<1024x8xf32>, vector<8x256xf32>, vector<1024x256xf32> -> vector<1024x256xf32>
    %add3A = arith.addf %dot_general3A_15, %dot_general3A_22 : vector<1024x256xf32>
    %get3A_23 = arith.constant 0 : index
    %get3A_24 = arith.constant 0 : index
    %get3A_25 = arith.constant 0 : index
    %get3A_26 = vector.load %arg3[%get3A_23, %get3A_24, %get3A_25] : memref<1x256x1024xf32, #tpu.memory_space<vmem>>, vector<1x256x1024xf32>
    %get3A_27 = vector.shape_cast %get3A_26 : vector<1x256x1024xf32> to vector<256x1024xf32>
    %transpose3A = tpu.transpose %get3A_27, [1, 0] : vector<256x1024xf32> -> vector<1024x256xf32>
    %convert_element_type3A = arith.truncf %add3A : vector<1024x256xf32> to vector<1024x256xbf16>
    %convert_element_type3A_28 = arith.extf %convert_element_type3A : vector<1024x256xbf16> to vector<1024x256xf32>
    %bitcast_convert_type3A = tpu.bitcast %convert_element_type3A_28 : vector<1024x256xf32> -> vector<1024x256xi32>
    %convert_element_type3A_29 = arith.truncf %transpose3A : vector<1024x256xf32> to vector<1024x256xbf16>
    %convert_element_type3A_30 = arith.extf %convert_element_type3A_29 : vector<1024x256xbf16> to vector<1024x256xf32>
    %bitcast_convert_type3A_31 = tpu.bitcast %convert_element_type3A_30 : vector<1024x256xf32> -> vector<1024x256xi32>
    %shift_right_logical3A = arith.constant 16 : i32
    %shift_right_logical3A_32 = vector.broadcast %shift_right_logical3A : i32 to vector<1024x256xi32>
    %shift_right_logical3A_33 = arith.shrui %bitcast_convert_type3A, %shift_right_logical3A_32 : vector<1024x256xi32>
    %and3A = arith.constant -65536 : i32
    %and3A_34 = vector.broadcast %and3A : i32 to vector<1024x256xi32>
    %and3A_35 = arith.andi %bitcast_convert_type3A_31, %and3A_34 : vector<1024x256xi32>
    %or3A = arith.ori %shift_right_logical3A_33, %and3A_35 : vector<1024x256xi32>
    %bitcast_convert_type3A_36 = tpu.bitcast %or3A : vector<1024x256xi32> -> vector<1024x256xi32>
    %swap3A = arith.constant 0 : index
    %swap3A_37 = arith.constant 0 : index
    %swap3A_38 = arith.constant 0 : index
    %swap3A_39 = vector.load %arg10[%swap3A, %swap3A_37, %swap3A_38] : memref<1x1024x256xi32, #tpu.memory_space<vmem>>, vector<1x1024x256xi32>
    %swap3A_40 = vector.shape_cast %swap3A_39 : vector<1x1024x256xi32> to vector<1024x256xi32>
    %swap3A_41 = vector.shape_cast %bitcast_convert_type3A_36 : vector<1024x256xi32> to vector<1x1024x256xi32>
    tpu.vector_store %arg10[%swap3A, %swap3A_37, %swap3A_38], %swap3A_41 {strides = array<i32>} : memref<1x1024x256xi32, #tpu.memory_space<vmem>>, vector<1x1024x256xi32>,
    %get3A_42 = arith.constant 0 : index
    %get3A_43 = arith.constant 0 : index
    %get3A_44 = vector.load %arg7[%get3A_42, %get3A_43] : memref<256x256xf32, #tpu.memory_space<vmem>>, vector<256x256xf32>
    %dot_general3A_45 = arith.constant dense<0.000000e+00> : vector<4096x256xf32>
    %dot_general3A_46 = tpu.matmul %get3A_8, %get3A_44, %dot_general3A_45 {dimension_numbers = #tpu.dot_dimension_numbers<[0], [1], [1], [0], [0, 1, 1, 0], [], []>, transpose_lhs_hint = false} : vector<256x4096xf32>, vector<256x256xf32>, vector<4096x256xf32> -> vector<4096x256xf32>
    %get3A_47 = arith.constant 0 : index
    %get3A_48 = arith.constant 0 : index
    %get3A_49 = vector.load %arg9[%get3A_47, %get3A_48] : memref<1x256xf32, #tpu.memory_space<vmem>>, vector<1x256xf32>
    %add3A_50 = vector.broadcast %get3A_49 : vector<1x256xf32> to vector<4096x256xf32>
    %add3A_51 = arith.addf %dot_general3A_46, %add3A_50 : vector<4096x256xf32>
    %get3A_52 = arith.constant 0 : index
    %get3A_53 = arith.constant 0 : index
    %get3A_54 = arith.constant 0 : index
    %get3A_55 = vector.load %arg5[%get3A_52, %get3A_53, %get3A_54] : memref<1x4096x8xf32, #tpu.memory_space<vmem>>, vector<1x4096x8xf32>
    %get3A_56 = vector.shape_cast %get3A_55 : vector<1x4096x8xf32> to vector<4096x8xf32>
    %dot_general3A_57 = arith.constant dense<0.000000e+00> : vector<4096x256xf32>
    %dot_general3A_58 = tpu.matmul %get3A_56, %get3A_11, %dot_general3A_57 {dimension_numbers = #tpu.dot_dimension_numbers<[1], [0], [0], [1], [0, 0, 1, 1], [], []>, transpose_lhs_hint = false} : vector<4096x8xf32>, vector<8x256xf32>, vector<4096x256xf32> -> vector<4096x256xf32>
    %sub3A = arith.subf %add3A_51, %dot_general3A_58 : vector<4096x256xf32>
    %swap3A_59 = arith.constant 0 : index
    %swap3A_60 = arith.constant 0 : index
    %swap3A_61 = arith.constant 0 : index
    %swap3A_62 = vector.load %arg11[%swap3A_59, %swap3A_60, %swap3A_61] : memref<1x4096x256xf32, #tpu.memory_space<vmem>>, vector<1x4096x256xf32>
    %swap3A_63 = vector.shape_cast %swap3A_62 : vector<1x4096x256xf32> to vector<4096x256xf32>
    %swap3A_64 = vector.shape_cast %sub3A : vector<4096x256xf32> to vector<1x4096x256xf32>
    tpu.vector_store %arg11[%swap3A_59, %swap3A_60, %swap3A_61], %swap3A_64 {strides = array<i32>} : memref<1x4096x256xf32, #tpu.memory_space<vmem>>, vector<1x4096x256xf32>,
    return
  }
  func.func @transform_0(%arg0: i32) -> (i32, i32, i32) {
    %c0_i32 = arith.constant 0 : i32
    %c0_i32_0 = arith.constant 0 : i32
    %c0_i32_1 = arith.constant 0 : i32
    return %arg0, %c0_i32, %c0_i32_0 : i32, i32, i32
  }
  func.func @transform_1(%arg0: i32) -> (i32, i32, i32) {
    %c0_i32 = arith.constant 0 : i32
    %c0_i32_0 = arith.constant 0 : i32
    %c0_i32_1 = arith.constant 0 : i32
    return %arg0, %c0_i32, %c0_i32_0 : i32, i32, i32
  }
  func.func @transform_2(%arg0: i32) -> (i32, i32, i32) {
    %c0_i32 = arith.constant 0 : i32
    %c0_i32_0 = arith.constant 0 : i32
    %c0_i32_1 = arith.constant 0 : i32
    return %arg0, %c0_i32, %c0_i32_0 : i32, i32, i32
  }
  func.func @transform_3(%arg0: i32) -> (i32, i32, i32) {
    %c0_i32 = arith.constant 0 : i32
    %c0_i32_0 = arith.constant 0 : i32
    %c0_i32_1 = arith.constant 0 : i32
    return %arg0, %c0_i32, %c0_i32_0 : i32, i32, i32
  }
  func.func @transform_4(%arg0: i32) -> (i32, i32, i32) {
    %c0_i32 = arith.constant 0 : i32
    %c0_i32_0 = arith.constant 0 : i32
    %c0_i32_1 = arith.constant 0 : i32
    return %arg0, %c0_i32, %c0_i32_0 : i32, i32, i32
  }
  func.func @transform_5(%arg0: i32) -> (i32, i32) {
    %c0_i32 = arith.constant 0 : i32
    %c0_i32_0 = arith.constant 0 : i32
    %c0_i32_1 = arith.constant 0 : i32
    return %c0_i32, %c0_i32_0 : i32, i32
  }
  func.func @transform_6(%arg0: i32) -> (i32, i32) {
    %c0_i32 = arith.constant 0 : i32
    %c0_i32_0 = arith.constant 0 : i32
    %c0_i32_1 = arith.constant 0 : i32
    return %c0_i32, %c0_i32_0 : i32, i32
  }
  func.func @transform_7(%arg0: i32) -> (i32, i32) {
    %c0_i32 = arith.constant 0 : i32
    %c0_i32_0 = arith.constant 0 : i32
    %c0_i32_1 = arith.constant 0 : i32
    return %c0_i32, %c0_i32_0 : i32, i32
  }
  func.func @transform_8(%arg0: i32) -> (i32, i32) {
    %c0_i32 = arith.constant 0 : i32
    %c0_i32_0 = arith.constant 0 : i32
    %c0_i32_1 = arith.constant 0 : i32
    return %c0_i32, %c0_i32_0 : i32, i32
  }
  func.func @transform_9(%arg0: i32) -> (i32, i32, i32) {
    %c0_i32 = arith.constant 0 : i32
    %c0_i32_0 = arith.constant 0 : i32
    %c0_i32_1 = arith.constant 0 : i32
    return %arg0, %c0_i32, %c0_i32_0 : i32, i32, i32
  }
  func.func @transform_10(%arg0: i32) -> (i32, i32, i32) {
    %c0_i32 = arith.constant 0 : i32
    %c0_i32_0 = arith.constant 0 : i32
    %c0_i32_1 = arith.constant 0 : i32
    return %arg0, %c0_i32, %c0_i32_0 : i32, i32, i32
  }
}

module attributes {stable_mosaic.version = 14 : i64} {
  func.func @_mlp_body(%arg0: i32, %arg1: i32, %arg2: memref<1x16x512x256xi32, #tpu.memory_space<vmem>>, %arg3: memref<1x512x256xf32, #tpu.memory_space<vmem>>, %arg4: memref<256x256xbf16, #tpu.memory_space<vmem>>, %arg5: memref<1x256xf32, #tpu.memory_space<vmem>>, %arg6: memref<1x256x512xf32, #tpu.memory_space<vmem>>) attributes {dimension_semantics = [#tpu.dimension_semantics<arbitrary>, #tpu.dimension_semantics<arbitrary>], iteration_bounds = array<i64: 1, 8>, scalar_prefetch = 0 : i64, scratch_operands = 0 : i64, tpu.core_type = #tpu.core_type<tc>, window_params = [{transform_indices = @transform_0, window_bounds = array<i64: 1, 16, 512, 256>}, {transform_indices = @transform_1, window_bounds = array<i64: 1, 512, 256>}, {pipeline_mode = #tpu.pipeline_mode<synchronous>, transform_indices = @transform_2, window_bounds = array<i64: 256, 256>}, {pipeline_mode = #tpu.pipeline_mode<synchronous>, transform_indices = @transform_3, window_bounds = array<i64: 1, 256>}, {transform_indices = @transform_4, window_bounds = array<i64: 1, 256, 512>}]} {
    %get3A = arith.constant 0 : index
    %get3A_0 = arith.constant 0 : index
    %get3A_1 = arith.constant 0 : index
    %get3A_2 = vector.load %arg3[%get3A, %get3A_0, %get3A_1] : memref<1x512x256xf32, #tpu.memory_space<vmem>>, vector<1x512x256xf32>
    %get3A_3 = vector.shape_cast %get3A_2 : vector<1x512x256xf32> to vector<512x256xf32>
    %get3A_4 = arith.constant 0 : index
    %get3A_5 = arith.constant 0 : index
    %get3A_6 = vector.load %arg4[%get3A_4, %get3A_5] : memref<256x256xbf16, #tpu.memory_space<vmem>>, vector<256x256xbf16>
    %get3A_7 = arith.constant 0 : index
    %get3A_8 = arith.constant 0 : index
    %get3A_9 = vector.load %arg5[%get3A_7, %get3A_8] : memref<1x256xf32, #tpu.memory_space<vmem>>, vector<1x256xf32>
    %broadcast_in_dim3A = arith.constant 0.000000e+00 : f32
    %broadcast_in_dim3A_10 = vector.broadcast %broadcast_in_dim3A : f32 to vector<512x256xf32>
    %broadcast_in_dim3A_11 = arith.constant 0.000000e+00 : f32
    %broadcast_in_dim3A_12 = vector.broadcast %broadcast_in_dim3A_11 : f32 to vector<512x256xf32>
    %get3A_13 = arith.constant 0 : index
    %get3A_14 = arith.constant 0 : index
    %get3A_15 = arith.constant 0 : index
    %get3A_16 = arith.constant 0 : index
    %get3A_17 = vector.load %arg2[%get3A_13, %get3A_14, %get3A_15, %get3A_16] : memref<1x16x512x256xi32, #tpu.memory_space<vmem>>, vector<1x1x512x256xi32>
    %get3A_18 = vector.shape_cast %get3A_17 : vector<1x1x512x256xi32> to vector<512x256xi32>
    %shift_left3A = arith.constant 16 : i32
    %shift_left3A_19 = vector.broadcast %shift_left3A : i32 to vector<512x256xi32>
    %shift_left3A_20 = arith.shli %get3A_18, %shift_left3A_19 : vector<512x256xi32>
    %bitcast_convert_type3A = tpu.bitcast %shift_left3A_20 : vector<512x256xi32> -> vector<512x256xf32>
    %and3A = arith.constant -65536 : i32
    %and3A_21 = vector.broadcast %and3A : i32 to vector<512x256xi32>
    %and3A_22 = arith.andi %get3A_18, %and3A_21 : vector<512x256xi32>
    %bitcast_convert_type3A_23 = tpu.bitcast %and3A_22 : vector<512x256xi32> -> vector<512x256xf32>
    %add3A = arith.addf %bitcast_convert_type3A, %get3A_3 : vector<512x256xf32>
    %mul3A = arith.constant 1.000000e-01 : f32
    %mul3A_24 = vector.broadcast %mul3A : f32 to vector<512x256xf32>
    %mul3A_25 = arith.mulf %mul3A_24, %add3A : vector<512x256xf32>
    %max3A = arith.maximumf %add3A, %mul3A_25 : vector<512x256xf32>
    %convert_element_type3A = arith.truncf %max3A : vector<512x256xf32> to vector<512x256xbf16>
    %dot_general3A = arith.constant dense<0.000000e+00> : vector<512x256xf32>
    %dot_general3A_26 = tpu.matmul %convert_element_type3A, %get3A_6, %dot_general3A {dimension_numbers = #tpu.dot_dimension_numbers<[1], [0], [0], [1], [0, 0, 1, 1], [], []>, transpose_lhs_hint = false} : vector<512x256xbf16>, vector<256x256xbf16>, vector<512x256xf32> -> vector<512x256xf32>
    %add3A_27 = vector.broadcast %get3A_9 : vector<1x256xf32> to vector<512x256xf32>
    %add3A_28 = arith.addf %dot_general3A_26, %add3A_27 : vector<512x256xf32>
    %exp3A = math.exp %add3A_28 : vector<512x256xf32>
    %mul3A_29 = arith.mulf %exp3A, %bitcast_convert_type3A_23 : vector<512x256xf32>
    %add3A_30 = arith.addf %broadcast_in_dim3A_10, %mul3A_29 : vector<512x256xf32>
    %add3A_31 = arith.addf %broadcast_in_dim3A_12, %exp3A : vector<512x256xf32>
    %get3A_32 = arith.constant 0 : index
    %get3A_33 = arith.constant 1 : index
    %get3A_34 = arith.constant 0 : index
    %get3A_35 = arith.constant 0 : index
    %get3A_36 = vector.load %arg2[%get3A_32, %get3A_33, %get3A_34, %get3A_35] : memref<1x16x512x256xi32, #tpu.memory_space<vmem>>, vector<1x1x512x256xi32>
    %get3A_37 = vector.shape_cast %get3A_36 : vector<1x1x512x256xi32> to vector<512x256xi32>
    %shift_left3A_38 = arith.constant 16 : i32
    %shift_left3A_39 = vector.broadcast %shift_left3A_38 : i32 to vector<512x256xi32>
    %shift_left3A_40 = arith.shli %get3A_37, %shift_left3A_39 : vector<512x256xi32>
    %bitcast_convert_type3A_41 = tpu.bitcast %shift_left3A_40 : vector<512x256xi32> -> vector<512x256xf32>
    %and3A_42 = arith.constant -65536 : i32
    %and3A_43 = vector.broadcast %and3A_42 : i32 to vector<512x256xi32>
    %and3A_44 = arith.andi %get3A_37, %and3A_43 : vector<512x256xi32>
    %bitcast_convert_type3A_45 = tpu.bitcast %and3A_44 : vector<512x256xi32> -> vector<512x256xf32>
    %add3A_46 = arith.addf %bitcast_convert_type3A_41, %get3A_3 : vector<512x256xf32>
    %mul3A_47 = arith.constant 1.000000e-01 : f32
    %mul3A_48 = vector.broadcast %mul3A_47 : f32 to vector<512x256xf32>
    %mul3A_49 = arith.mulf %mul3A_48, %add3A_46 : vector<512x256xf32>
    %max3A_50 = arith.maximumf %add3A_46, %mul3A_49 : vector<512x256xf32>
    %convert_element_type3A_51 = arith.truncf %max3A_50 : vector<512x256xf32> to vector<512x256xbf16>
    %dot_general3A_52 = arith.constant dense<0.000000e+00> : vector<512x256xf32>
    %dot_general3A_53 = tpu.matmul %convert_element_type3A_51, %get3A_6, %dot_general3A_52 {dimension_numbers = #tpu.dot_dimension_numbers<[1], [0], [0], [1], [0, 0, 1, 1], [], []>, transpose_lhs_hint = false} : vector<512x256xbf16>, vector<256x256xbf16>, vector<512x256xf32> -> vector<512x256xf32>
    %add3A_54 = vector.broadcast %get3A_9 : vector<1x256xf32> to vector<512x256xf32>
    %add3A_55 = arith.addf %dot_general3A_53, %add3A_54 : vector<512x256xf32>
    %exp3A_56 = math.exp %add3A_55 : vector<512x256xf32>
    %mul3A_57 = arith.mulf %exp3A_56, %bitcast_convert_type3A_45 : vector<512x256xf32>
    %add3A_58 = arith.addf %add3A_30, %mul3A_57 : vector<512x256xf32>
    %add3A_59 = arith.addf %add3A_31, %exp3A_56 : vector<512x256xf32>
    %get3A_60 = arith.constant 0 : index
    %get3A_61 = arith.constant 2 : index
    %get3A_62 = arith.constant 0 : index
    %get3A_63 = arith.constant 0 : index
    %get3A_64 = vector.load %arg2[%get3A_60, %get3A_61, %get3A_62, %get3A_63] : memref<1x16x512x256xi32, #tpu.memory_space<vmem>>, vector<1x1x512x256xi32>
    %get3A_65 = vector.shape_cast %get3A_64 : vector<1x1x512x256xi32> to vector<512x256xi32>
    %shift_left3A_66 = arith.constant 16 : i32
    %shift_left3A_67 = vector.broadcast %shift_left3A_66 : i32 to vector<512x256xi32>
    %shift_left3A_68 = arith.shli %get3A_65, %shift_left3A_67 : vector<512x256xi32>
    %bitcast_convert_type3A_69 = tpu.bitcast %shift_left3A_68 : vector<512x256xi32> -> vector<512x256xf32>
    %and3A_70 = arith.constant -65536 : i32
    %and3A_71 = vector.broadcast %and3A_70 : i32 to vector<512x256xi32>
    %and3A_72 = arith.andi %get3A_65, %and3A_71 : vector<512x256xi32>
    %bitcast_convert_type3A_73 = tpu.bitcast %and3A_72 : vector<512x256xi32> -> vector<512x256xf32>
    %add3A_74 = arith.addf %bitcast_convert_type3A_69, %get3A_3 : vector<512x256xf32>
    %mul3A_75 = arith.constant 1.000000e-01 : f32
    %mul3A_76 = vector.broadcast %mul3A_75 : f32 to vector<512x256xf32>
    %mul3A_77 = arith.mulf %mul3A_76, %add3A_74 : vector<512x256xf32>
    %max3A_78 = arith.maximumf %add3A_74, %mul3A_77 : vector<512x256xf32>
    %convert_element_type3A_79 = arith.truncf %max3A_78 : vector<512x256xf32> to vector<512x256xbf16>
    %dot_general3A_80 = arith.constant dense<0.000000e+00> : vector<512x256xf32>
    %dot_general3A_81 = tpu.matmul %convert_element_type3A_79, %get3A_6, %dot_general3A_80 {dimension_numbers = #tpu.dot_dimension_numbers<[1], [0], [0], [1], [0, 0, 1, 1], [], []>, transpose_lhs_hint = false} : vector<512x256xbf16>, vector<256x256xbf16>, vector<512x256xf32> -> vector<512x256xf32>
    %add3A_82 = vector.broadcast %get3A_9 : vector<1x256xf32> to vector<512x256xf32>
    %add3A_83 = arith.addf %dot_general3A_81, %add3A_82 : vector<512x256xf32>
    %exp3A_84 = math.exp %add3A_83 : vector<512x256xf32>
    %mul3A_85 = arith.mulf %exp3A_84, %bitcast_convert_type3A_73 : vector<512x256xf32>
    %add3A_86 = arith.addf %add3A_58, %mul3A_85 : vector<512x256xf32>
    %add3A_87 = arith.addf %add3A_59, %exp3A_84 : vector<512x256xf32>
    %get3A_88 = arith.constant 0 : index
    %get3A_89 = arith.constant 3 : index
    %get3A_90 = arith.constant 0 : index
    %get3A_91 = arith.constant 0 : index
    %get3A_92 = vector.load %arg2[%get3A_88, %get3A_89, %get3A_90, %get3A_91] : memref<1x16x512x256xi32, #tpu.memory_space<vmem>>, vector<1x1x512x256xi32>
    %get3A_93 = vector.shape_cast %get3A_92 : vector<1x1x512x256xi32> to vector<512x256xi32>
    %shift_left3A_94 = arith.constant 16 : i32
    %shift_left3A_95 = vector.broadcast %shift_left3A_94 : i32 to vector<512x256xi32>
    %shift_left3A_96 = arith.shli %get3A_93, %shift_left3A_95 : vector<512x256xi32>
    %bitcast_convert_type3A_97 = tpu.bitcast %shift_left3A_96 : vector<512x256xi32> -> vector<512x256xf32>
    %and3A_98 = arith.constant -65536 : i32
    %and3A_99 = vector.broadcast %and3A_98 : i32 to vector<512x256xi32>
    %and3A_100 = arith.andi %get3A_93, %and3A_99 : vector<512x256xi32>
    %bitcast_convert_type3A_101 = tpu.bitcast %and3A_100 : vector<512x256xi32> -> vector<512x256xf32>
    %add3A_102 = arith.addf %bitcast_convert_type3A_97, %get3A_3 : vector<512x256xf32>
    %mul3A_103 = arith.constant 1.000000e-01 : f32
    %mul3A_104 = vector.broadcast %mul3A_103 : f32 to vector<512x256xf32>
    %mul3A_105 = arith.mulf %mul3A_104, %add3A_102 : vector<512x256xf32>
    %max3A_106 = arith.maximumf %add3A_102, %mul3A_105 : vector<512x256xf32>
    %convert_element_type3A_107 = arith.truncf %max3A_106 : vector<512x256xf32> to vector<512x256xbf16>
    %dot_general3A_108 = arith.constant dense<0.000000e+00> : vector<512x256xf32>
    %dot_general3A_109 = tpu.matmul %convert_element_type3A_107, %get3A_6, %dot_general3A_108 {dimension_numbers = #tpu.dot_dimension_numbers<[1], [0], [0], [1], [0, 0, 1, 1], [], []>, transpose_lhs_hint = false} : vector<512x256xbf16>, vector<256x256xbf16>, vector<512x256xf32> -> vector<512x256xf32>
    %add3A_110 = vector.broadcast %get3A_9 : vector<1x256xf32> to vector<512x256xf32>
    %add3A_111 = arith.addf %dot_general3A_109, %add3A_110 : vector<512x256xf32>
    %exp3A_112 = math.exp %add3A_111 : vector<512x256xf32>
    %mul3A_113 = arith.mulf %exp3A_112, %bitcast_convert_type3A_101 : vector<512x256xf32>
    %add3A_114 = arith.addf %add3A_86, %mul3A_113 : vector<512x256xf32>
    %add3A_115 = arith.addf %add3A_87, %exp3A_112 : vector<512x256xf32>
    %get3A_116 = arith.constant 0 : index
    %get3A_117 = arith.constant 4 : index
    %get3A_118 = arith.constant 0 : index
    %get3A_119 = arith.constant 0 : index
    %get3A_120 = vector.load %arg2[%get3A_116, %get3A_117, %get3A_118, %get3A_119] : memref<1x16x512x256xi32, #tpu.memory_space<vmem>>, vector<1x1x512x256xi32>
    %get3A_121 = vector.shape_cast %get3A_120 : vector<1x1x512x256xi32> to vector<512x256xi32>
    %shift_left3A_122 = arith.constant 16 : i32
    %shift_left3A_123 = vector.broadcast %shift_left3A_122 : i32 to vector<512x256xi32>
    %shift_left3A_124 = arith.shli %get3A_121, %shift_left3A_123 : vector<512x256xi32>
    %bitcast_convert_type3A_125 = tpu.bitcast %shift_left3A_124 : vector<512x256xi32> -> vector<512x256xf32>
    %and3A_126 = arith.constant -65536 : i32
    %and3A_127 = vector.broadcast %and3A_126 : i32 to vector<512x256xi32>
    %and3A_128 = arith.andi %get3A_121, %and3A_127 : vector<512x256xi32>
    %bitcast_convert_type3A_129 = tpu.bitcast %and3A_128 : vector<512x256xi32> -> vector<512x256xf32>
    %add3A_130 = arith.addf %bitcast_convert_type3A_125, %get3A_3 : vector<512x256xf32>
    %mul3A_131 = arith.constant 1.000000e-01 : f32
    %mul3A_132 = vector.broadcast %mul3A_131 : f32 to vector<512x256xf32>
    %mul3A_133 = arith.mulf %mul3A_132, %add3A_130 : vector<512x256xf32>
    %max3A_134 = arith.maximumf %add3A_130, %mul3A_133 : vector<512x256xf32>
    %convert_element_type3A_135 = arith.truncf %max3A_134 : vector<512x256xf32> to vector<512x256xbf16>
    %dot_general3A_136 = arith.constant dense<0.000000e+00> : vector<512x256xf32>
    %dot_general3A_137 = tpu.matmul %convert_element_type3A_135, %get3A_6, %dot_general3A_136 {dimension_numbers = #tpu.dot_dimension_numbers<[1], [0], [0], [1], [0, 0, 1, 1], [], []>, transpose_lhs_hint = false} : vector<512x256xbf16>, vector<256x256xbf16>, vector<512x256xf32> -> vector<512x256xf32>
    %add3A_138 = vector.broadcast %get3A_9 : vector<1x256xf32> to vector<512x256xf32>
    %add3A_139 = arith.addf %dot_general3A_137, %add3A_138 : vector<512x256xf32>
    %exp3A_140 = math.exp %add3A_139 : vector<512x256xf32>
    %mul3A_141 = arith.mulf %exp3A_140, %bitcast_convert_type3A_129 : vector<512x256xf32>
    %add3A_142 = arith.addf %add3A_114, %mul3A_141 : vector<512x256xf32>
    %add3A_143 = arith.addf %add3A_115, %exp3A_140 : vector<512x256xf32>
    %get3A_144 = arith.constant 0 : index
    %get3A_145 = arith.constant 5 : index
    %get3A_146 = arith.constant 0 : index
    %get3A_147 = arith.constant 0 : index
    %get3A_148 = vector.load %arg2[%get3A_144, %get3A_145, %get3A_146, %get3A_147] : memref<1x16x512x256xi32, #tpu.memory_space<vmem>>, vector<1x1x512x256xi32>
    %get3A_149 = vector.shape_cast %get3A_148 : vector<1x1x512x256xi32> to vector<512x256xi32>
    %shift_left3A_150 = arith.constant 16 : i32
    %shift_left3A_151 = vector.broadcast %shift_left3A_150 : i32 to vector<512x256xi32>
    %shift_left3A_152 = arith.shli %get3A_149, %shift_left3A_151 : vector<512x256xi32>
    %bitcast_convert_type3A_153 = tpu.bitcast %shift_left3A_152 : vector<512x256xi32> -> vector<512x256xf32>
    %and3A_154 = arith.constant -65536 : i32
    %and3A_155 = vector.broadcast %and3A_154 : i32 to vector<512x256xi32>
    %and3A_156 = arith.andi %get3A_149, %and3A_155 : vector<512x256xi32>
    %bitcast_convert_type3A_157 = tpu.bitcast %and3A_156 : vector<512x256xi32> -> vector<512x256xf32>
    %add3A_158 = arith.addf %bitcast_convert_type3A_153, %get3A_3 : vector<512x256xf32>
    %mul3A_159 = arith.constant 1.000000e-01 : f32
    %mul3A_160 = vector.broadcast %mul3A_159 : f32 to vector<512x256xf32>
    %mul3A_161 = arith.mulf %mul3A_160, %add3A_158 : vector<512x256xf32>
    %max3A_162 = arith.maximumf %add3A_158, %mul3A_161 : vector<512x256xf32>
    %convert_element_type3A_163 = arith.truncf %max3A_162 : vector<512x256xf32> to vector<512x256xbf16>
    %dot_general3A_164 = arith.constant dense<0.000000e+00> : vector<512x256xf32>
    %dot_general3A_165 = tpu.matmul %convert_element_type3A_163, %get3A_6, %dot_general3A_164 {dimension_numbers = #tpu.dot_dimension_numbers<[1], [0], [0], [1], [0, 0, 1, 1], [], []>, transpose_lhs_hint = false} : vector<512x256xbf16>, vector<256x256xbf16>, vector<512x256xf32> -> vector<512x256xf32>
    %add3A_166 = vector.broadcast %get3A_9 : vector<1x256xf32> to vector<512x256xf32>
    %add3A_167 = arith.addf %dot_general3A_165, %add3A_166 : vector<512x256xf32>
    %exp3A_168 = math.exp %add3A_167 : vector<512x256xf32>
    %mul3A_169 = arith.mulf %exp3A_168, %bitcast_convert_type3A_157 : vector<512x256xf32>
    %add3A_170 = arith.addf %add3A_142, %mul3A_169 : vector<512x256xf32>
    %add3A_171 = arith.addf %add3A_143, %exp3A_168 : vector<512x256xf32>
    %get3A_172 = arith.constant 0 : index
    %get3A_173 = arith.constant 6 : index
    %get3A_174 = arith.constant 0 : index
    %get3A_175 = arith.constant 0 : index
    %get3A_176 = vector.load %arg2[%get3A_172, %get3A_173, %get3A_174, %get3A_175] : memref<1x16x512x256xi32, #tpu.memory_space<vmem>>, vector<1x1x512x256xi32>
    %get3A_177 = vector.shape_cast %get3A_176 : vector<1x1x512x256xi32> to vector<512x256xi32>
    %shift_left3A_178 = arith.constant 16 : i32
    %shift_left3A_179 = vector.broadcast %shift_left3A_178 : i32 to vector<512x256xi32>
    %shift_left3A_180 = arith.shli %get3A_177, %shift_left3A_179 : vector<512x256xi32>
    %bitcast_convert_type3A_181 = tpu.bitcast %shift_left3A_180 : vector<512x256xi32> -> vector<512x256xf32>
    %and3A_182 = arith.constant -65536 : i32
    %and3A_183 = vector.broadcast %and3A_182 : i32 to vector<512x256xi32>
    %and3A_184 = arith.andi %get3A_177, %and3A_183 : vector<512x256xi32>
    %bitcast_convert_type3A_185 = tpu.bitcast %and3A_184 : vector<512x256xi32> -> vector<512x256xf32>
    %add3A_186 = arith.addf %bitcast_convert_type3A_181, %get3A_3 : vector<512x256xf32>
    %mul3A_187 = arith.constant 1.000000e-01 : f32
    %mul3A_188 = vector.broadcast %mul3A_187 : f32 to vector<512x256xf32>
    %mul3A_189 = arith.mulf %mul3A_188, %add3A_186 : vector<512x256xf32>
    %max3A_190 = arith.maximumf %add3A_186, %mul3A_189 : vector<512x256xf32>
    %convert_element_type3A_191 = arith.truncf %max3A_190 : vector<512x256xf32> to vector<512x256xbf16>
    %dot_general3A_192 = arith.constant dense<0.000000e+00> : vector<512x256xf32>
    %dot_general3A_193 = tpu.matmul %convert_element_type3A_191, %get3A_6, %dot_general3A_192 {dimension_numbers = #tpu.dot_dimension_numbers<[1], [0], [0], [1], [0, 0, 1, 1], [], []>, transpose_lhs_hint = false} : vector<512x256xbf16>, vector<256x256xbf16>, vector<512x256xf32> -> vector<512x256xf32>
    %add3A_194 = vector.broadcast %get3A_9 : vector<1x256xf32> to vector<512x256xf32>
    %add3A_195 = arith.addf %dot_general3A_193, %add3A_194 : vector<512x256xf32>
    %exp3A_196 = math.exp %add3A_195 : vector<512x256xf32>
    %mul3A_197 = arith.mulf %exp3A_196, %bitcast_convert_type3A_185 : vector<512x256xf32>
    %add3A_198 = arith.addf %add3A_170, %mul3A_197 : vector<512x256xf32>
    %add3A_199 = arith.addf %add3A_171, %exp3A_196 : vector<512x256xf32>
    %get3A_200 = arith.constant 0 : index
    %get3A_201 = arith.constant 7 : index
    %get3A_202 = arith.constant 0 : index
    %get3A_203 = arith.constant 0 : index
    %get3A_204 = vector.load %arg2[%get3A_200, %get3A_201, %get3A_202, %get3A_203] : memref<1x16x512x256xi32, #tpu.memory_space<vmem>>, vector<1x1x512x256xi32>
    %get3A_205 = vector.shape_cast %get3A_204 : vector<1x1x512x256xi32> to vector<512x256xi32>
    %shift_left3A_206 = arith.constant 16 : i32
    %shift_left3A_207 = vector.broadcast %shift_left3A_206 : i32 to vector<512x256xi32>
    %shift_left3A_208 = arith.shli %get3A_205, %shift_left3A_207 : vector<512x256xi32>
    %bitcast_convert_type3A_209 = tpu.bitcast %shift_left3A_208 : vector<512x256xi32> -> vector<512x256xf32>
    %and3A_210 = arith.constant -65536 : i32
    %and3A_211 = vector.broadcast %and3A_210 : i32 to vector<512x256xi32>
    %and3A_212 = arith.andi %get3A_205, %and3A_211 : vector<512x256xi32>
    %bitcast_convert_type3A_213 = tpu.bitcast %and3A_212 : vector<512x256xi32> -> vector<512x256xf32>
    %add3A_214 = arith.addf %bitcast_convert_type3A_209, %get3A_3 : vector<512x256xf32>
    %mul3A_215 = arith.constant 1.000000e-01 : f32
    %mul3A_216 = vector.broadcast %mul3A_215 : f32 to vector<512x256xf32>
    %mul3A_217 = arith.mulf %mul3A_216, %add3A_214 : vector<512x256xf32>
    %max3A_218 = arith.maximumf %add3A_214, %mul3A_217 : vector<512x256xf32>
    %convert_element_type3A_219 = arith.truncf %max3A_218 : vector<512x256xf32> to vector<512x256xbf16>
    %dot_general3A_220 = arith.constant dense<0.000000e+00> : vector<512x256xf32>
    %dot_general3A_221 = tpu.matmul %convert_element_type3A_219, %get3A_6, %dot_general3A_220 {dimension_numbers = #tpu.dot_dimension_numbers<[1], [0], [0], [1], [0, 0, 1, 1], [], []>, transpose_lhs_hint = false} : vector<512x256xbf16>, vector<256x256xbf16>, vector<512x256xf32> -> vector<512x256xf32>
    %add3A_222 = vector.broadcast %get3A_9 : vector<1x256xf32> to vector<512x256xf32>
    %add3A_223 = arith.addf %dot_general3A_221, %add3A_222 : vector<512x256xf32>
    %exp3A_224 = math.exp %add3A_223 : vector<512x256xf32>
    %mul3A_225 = arith.mulf %exp3A_224, %bitcast_convert_type3A_213 : vector<512x256xf32>
    %add3A_226 = arith.addf %add3A_198, %mul3A_225 : vector<512x256xf32>
    %add3A_227 = arith.addf %add3A_199, %exp3A_224 : vector<512x256xf32>
    %get3A_228 = arith.constant 0 : index
    %get3A_229 = arith.constant 8 : index
    %get3A_230 = arith.constant 0 : index
    %get3A_231 = arith.constant 0 : index
    %get3A_232 = vector.load %arg2[%get3A_228, %get3A_229, %get3A_230, %get3A_231] : memref<1x16x512x256xi32, #tpu.memory_space<vmem>>, vector<1x1x512x256xi32>
    %get3A_233 = vector.shape_cast %get3A_232 : vector<1x1x512x256xi32> to vector<512x256xi32>
    %shift_left3A_234 = arith.constant 16 : i32
    %shift_left3A_235 = vector.broadcast %shift_left3A_234 : i32 to vector<512x256xi32>
    %shift_left3A_236 = arith.shli %get3A_233, %shift_left3A_235 : vector<512x256xi32>
    %bitcast_convert_type3A_237 = tpu.bitcast %shift_left3A_236 : vector<512x256xi32> -> vector<512x256xf32>
    %and3A_238 = arith.constant -65536 : i32
    %and3A_239 = vector.broadcast %and3A_238 : i32 to vector<512x256xi32>
    %and3A_240 = arith.andi %get3A_233, %and3A_239 : vector<512x256xi32>
    %bitcast_convert_type3A_241 = tpu.bitcast %and3A_240 : vector<512x256xi32> -> vector<512x256xf32>
    %add3A_242 = arith.addf %bitcast_convert_type3A_237, %get3A_3 : vector<512x256xf32>
    %mul3A_243 = arith.constant 1.000000e-01 : f32
    %mul3A_244 = vector.broadcast %mul3A_243 : f32 to vector<512x256xf32>
    %mul3A_245 = arith.mulf %mul3A_244, %add3A_242 : vector<512x256xf32>
    %max3A_246 = arith.maximumf %add3A_242, %mul3A_245 : vector<512x256xf32>
    %convert_element_type3A_247 = arith.truncf %max3A_246 : vector<512x256xf32> to vector<512x256xbf16>
    %dot_general3A_248 = arith.constant dense<0.000000e+00> : vector<512x256xf32>
    %dot_general3A_249 = tpu.matmul %convert_element_type3A_247, %get3A_6, %dot_general3A_248 {dimension_numbers = #tpu.dot_dimension_numbers<[1], [0], [0], [1], [0, 0, 1, 1], [], []>, transpose_lhs_hint = false} : vector<512x256xbf16>, vector<256x256xbf16>, vector<512x256xf32> -> vector<512x256xf32>
    %add3A_250 = vector.broadcast %get3A_9 : vector<1x256xf32> to vector<512x256xf32>
    %add3A_251 = arith.addf %dot_general3A_249, %add3A_250 : vector<512x256xf32>
    %exp3A_252 = math.exp %add3A_251 : vector<512x256xf32>
    %mul3A_253 = arith.mulf %exp3A_252, %bitcast_convert_type3A_241 : vector<512x256xf32>
    %add3A_254 = arith.addf %add3A_226, %mul3A_253 : vector<512x256xf32>
    %add3A_255 = arith.addf %add3A_227, %exp3A_252 : vector<512x256xf32>
    %get3A_256 = arith.constant 0 : index
    %get3A_257 = arith.constant 9 : index
    %get3A_258 = arith.constant 0 : index
    %get3A_259 = arith.constant 0 : index
    %get3A_260 = vector.load %arg2[%get3A_256, %get3A_257, %get3A_258, %get3A_259] : memref<1x16x512x256xi32, #tpu.memory_space<vmem>>, vector<1x1x512x256xi32>
    %get3A_261 = vector.shape_cast %get3A_260 : vector<1x1x512x256xi32> to vector<512x256xi32>
    %shift_left3A_262 = arith.constant 16 : i32
    %shift_left3A_263 = vector.broadcast %shift_left3A_262 : i32 to vector<512x256xi32>
    %shift_left3A_264 = arith.shli %get3A_261, %shift_left3A_263 : vector<512x256xi32>
    %bitcast_convert_type3A_265 = tpu.bitcast %shift_left3A_264 : vector<512x256xi32> -> vector<512x256xf32>
    %and3A_266 = arith.constant -65536 : i32
    %and3A_267 = vector.broadcast %and3A_266 : i32 to vector<512x256xi32>
    %and3A_268 = arith.andi %get3A_261, %and3A_267 : vector<512x256xi32>
    %bitcast_convert_type3A_269 = tpu.bitcast %and3A_268 : vector<512x256xi32> -> vector<512x256xf32>
    %add3A_270 = arith.addf %bitcast_convert_type3A_265, %get3A_3 : vector<512x256xf32>
    %mul3A_271 = arith.constant 1.000000e-01 : f32
    %mul3A_272 = vector.broadcast %mul3A_271 : f32 to vector<512x256xf32>
    %mul3A_273 = arith.mulf %mul3A_272, %add3A_270 : vector<512x256xf32>
    %max3A_274 = arith.maximumf %add3A_270, %mul3A_273 : vector<512x256xf32>
    %convert_element_type3A_275 = arith.truncf %max3A_274 : vector<512x256xf32> to vector<512x256xbf16>
    %dot_general3A_276 = arith.constant dense<0.000000e+00> : vector<512x256xf32>
    %dot_general3A_277 = tpu.matmul %convert_element_type3A_275, %get3A_6, %dot_general3A_276 {dimension_numbers = #tpu.dot_dimension_numbers<[1], [0], [0], [1], [0, 0, 1, 1], [], []>, transpose_lhs_hint = false} : vector<512x256xbf16>, vector<256x256xbf16>, vector<512x256xf32> -> vector<512x256xf32>
    %add3A_278 = vector.broadcast %get3A_9 : vector<1x256xf32> to vector<512x256xf32>
    %add3A_279 = arith.addf %dot_general3A_277, %add3A_278 : vector<512x256xf32>
    %exp3A_280 = math.exp %add3A_279 : vector<512x256xf32>
    %mul3A_281 = arith.mulf %exp3A_280, %bitcast_convert_type3A_269 : vector<512x256xf32>
    %add3A_282 = arith.addf %add3A_254, %mul3A_281 : vector<512x256xf32>
    %add3A_283 = arith.addf %add3A_255, %exp3A_280 : vector<512x256xf32>
    %get3A_284 = arith.constant 0 : index
    %get3A_285 = arith.constant 10 : index
    %get3A_286 = arith.constant 0 : index
    %get3A_287 = arith.constant 0 : index
    %get3A_288 = vector.load %arg2[%get3A_284, %get3A_285, %get3A_286, %get3A_287] : memref<1x16x512x256xi32, #tpu.memory_space<vmem>>, vector<1x1x512x256xi32>
    %get3A_289 = vector.shape_cast %get3A_288 : vector<1x1x512x256xi32> to vector<512x256xi32>
    %shift_left3A_290 = arith.constant 16 : i32
    %shift_left3A_291 = vector.broadcast %shift_left3A_290 : i32 to vector<512x256xi32>
    %shift_left3A_292 = arith.shli %get3A_289, %shift_left3A_291 : vector<512x256xi32>
    %bitcast_convert_type3A_293 = tpu.bitcast %shift_left3A_292 : vector<512x256xi32> -> vector<512x256xf32>
    %and3A_294 = arith.constant -65536 : i32
    %and3A_295 = vector.broadcast %and3A_294 : i32 to vector<512x256xi32>
    %and3A_296 = arith.andi %get3A_289, %and3A_295 : vector<512x256xi32>
    %bitcast_convert_type3A_297 = tpu.bitcast %and3A_296 : vector<512x256xi32> -> vector<512x256xf32>
    %add3A_298 = arith.addf %bitcast_convert_type3A_293, %get3A_3 : vector<512x256xf32>
    %mul3A_299 = arith.constant 1.000000e-01 : f32
    %mul3A_300 = vector.broadcast %mul3A_299 : f32 to vector<512x256xf32>
    %mul3A_301 = arith.mulf %mul3A_300, %add3A_298 : vector<512x256xf32>
    %max3A_302 = arith.maximumf %add3A_298, %mul3A_301 : vector<512x256xf32>
    %convert_element_type3A_303 = arith.truncf %max3A_302 : vector<512x256xf32> to vector<512x256xbf16>
    %dot_general3A_304 = arith.constant dense<0.000000e+00> : vector<512x256xf32>
    %dot_general3A_305 = tpu.matmul %convert_element_type3A_303, %get3A_6, %dot_general3A_304 {dimension_numbers = #tpu.dot_dimension_numbers<[1], [0], [0], [1], [0, 0, 1, 1], [], []>, transpose_lhs_hint = false} : vector<512x256xbf16>, vector<256x256xbf16>, vector<512x256xf32> -> vector<512x256xf32>
    %add3A_306 = vector.broadcast %get3A_9 : vector<1x256xf32> to vector<512x256xf32>
    %add3A_307 = arith.addf %dot_general3A_305, %add3A_306 : vector<512x256xf32>
    %exp3A_308 = math.exp %add3A_307 : vector<512x256xf32>
    %mul3A_309 = arith.mulf %exp3A_308, %bitcast_convert_type3A_297 : vector<512x256xf32>
    %add3A_310 = arith.addf %add3A_282, %mul3A_309 : vector<512x256xf32>
    %add3A_311 = arith.addf %add3A_283, %exp3A_308 : vector<512x256xf32>
    %get3A_312 = arith.constant 0 : index
    %get3A_313 = arith.constant 11 : index
    %get3A_314 = arith.constant 0 : index
    %get3A_315 = arith.constant 0 : index
    %get3A_316 = vector.load %arg2[%get3A_312, %get3A_313, %get3A_314, %get3A_315] : memref<1x16x512x256xi32, #tpu.memory_space<vmem>>, vector<1x1x512x256xi32>
    %get3A_317 = vector.shape_cast %get3A_316 : vector<1x1x512x256xi32> to vector<512x256xi32>
    %shift_left3A_318 = arith.constant 16 : i32
    %shift_left3A_319 = vector.broadcast %shift_left3A_318 : i32 to vector<512x256xi32>
    %shift_left3A_320 = arith.shli %get3A_317, %shift_left3A_319 : vector<512x256xi32>
    %bitcast_convert_type3A_321 = tpu.bitcast %shift_left3A_320 : vector<512x256xi32> -> vector<512x256xf32>
    %and3A_322 = arith.constant -65536 : i32
    %and3A_323 = vector.broadcast %and3A_322 : i32 to vector<512x256xi32>
    %and3A_324 = arith.andi %get3A_317, %and3A_323 : vector<512x256xi32>
    %bitcast_convert_type3A_325 = tpu.bitcast %and3A_324 : vector<512x256xi32> -> vector<512x256xf32>
    %add3A_326 = arith.addf %bitcast_convert_type3A_321, %get3A_3 : vector<512x256xf32>
    %mul3A_327 = arith.constant 1.000000e-01 : f32
    %mul3A_328 = vector.broadcast %mul3A_327 : f32 to vector<512x256xf32>
    %mul3A_329 = arith.mulf %mul3A_328, %add3A_326 : vector<512x256xf32>
    %max3A_330 = arith.maximumf %add3A_326, %mul3A_329 : vector<512x256xf32>
    %convert_element_type3A_331 = arith.truncf %max3A_330 : vector<512x256xf32> to vector<512x256xbf16>
    %dot_general3A_332 = arith.constant dense<0.000000e+00> : vector<512x256xf32>
    %dot_general3A_333 = tpu.matmul %convert_element_type3A_331, %get3A_6, %dot_general3A_332 {dimension_numbers = #tpu.dot_dimension_numbers<[1], [0], [0], [1], [0, 0, 1, 1], [], []>, transpose_lhs_hint = false} : vector<512x256xbf16>, vector<256x256xbf16>, vector<512x256xf32> -> vector<512x256xf32>
    %add3A_334 = vector.broadcast %get3A_9 : vector<1x256xf32> to vector<512x256xf32>
    %add3A_335 = arith.addf %dot_general3A_333, %add3A_334 : vector<512x256xf32>
    %exp3A_336 = math.exp %add3A_335 : vector<512x256xf32>
    %mul3A_337 = arith.mulf %exp3A_336, %bitcast_convert_type3A_325 : vector<512x256xf32>
    %add3A_338 = arith.addf %add3A_310, %mul3A_337 : vector<512x256xf32>
    %add3A_339 = arith.addf %add3A_311, %exp3A_336 : vector<512x256xf32>
    %get3A_340 = arith.constant 0 : index
    %get3A_341 = arith.constant 12 : index
    %get3A_342 = arith.constant 0 : index
    %get3A_343 = arith.constant 0 : index
    %get3A_344 = vector.load %arg2[%get3A_340, %get3A_341, %get3A_342, %get3A_343] : memref<1x16x512x256xi32, #tpu.memory_space<vmem>>, vector<1x1x512x256xi32>
    %get3A_345 = vector.shape_cast %get3A_344 : vector<1x1x512x256xi32> to vector<512x256xi32>
    %shift_left3A_346 = arith.constant 16 : i32
    %shift_left3A_347 = vector.broadcast %shift_left3A_346 : i32 to vector<512x256xi32>
    %shift_left3A_348 = arith.shli %get3A_345, %shift_left3A_347 : vector<512x256xi32>
    %bitcast_convert_type3A_349 = tpu.bitcast %shift_left3A_348 : vector<512x256xi32> -> vector<512x256xf32>
    %and3A_350 = arith.constant -65536 : i32
    %and3A_351 = vector.broadcast %and3A_350 : i32 to vector<512x256xi32>
    %and3A_352 = arith.andi %get3A_345, %and3A_351 : vector<512x256xi32>
    %bitcast_convert_type3A_353 = tpu.bitcast %and3A_352 : vector<512x256xi32> -> vector<512x256xf32>
    %add3A_354 = arith.addf %bitcast_convert_type3A_349, %get3A_3 : vector<512x256xf32>
    %mul3A_355 = arith.constant 1.000000e-01 : f32
    %mul3A_356 = vector.broadcast %mul3A_355 : f32 to vector<512x256xf32>
    %mul3A_357 = arith.mulf %mul3A_356, %add3A_354 : vector<512x256xf32>
    %max3A_358 = arith.maximumf %add3A_354, %mul3A_357 : vector<512x256xf32>
    %convert_element_type3A_359 = arith.truncf %max3A_358 : vector<512x256xf32> to vector<512x256xbf16>
    %dot_general3A_360 = arith.constant dense<0.000000e+00> : vector<512x256xf32>
    %dot_general3A_361 = tpu.matmul %convert_element_type3A_359, %get3A_6, %dot_general3A_360 {dimension_numbers = #tpu.dot_dimension_numbers<[1], [0], [0], [1], [0, 0, 1, 1], [], []>, transpose_lhs_hint = false} : vector<512x256xbf16>, vector<256x256xbf16>, vector<512x256xf32> -> vector<512x256xf32>
    %add3A_362 = vector.broadcast %get3A_9 : vector<1x256xf32> to vector<512x256xf32>
    %add3A_363 = arith.addf %dot_general3A_361, %add3A_362 : vector<512x256xf32>
    %exp3A_364 = math.exp %add3A_363 : vector<512x256xf32>
    %mul3A_365 = arith.mulf %exp3A_364, %bitcast_convert_type3A_353 : vector<512x256xf32>
    %add3A_366 = arith.addf %add3A_338, %mul3A_365 : vector<512x256xf32>
    %add3A_367 = arith.addf %add3A_339, %exp3A_364 : vector<512x256xf32>
    %get3A_368 = arith.constant 0 : index
    %get3A_369 = arith.constant 13 : index
    %get3A_370 = arith.constant 0 : index
    %get3A_371 = arith.constant 0 : index
    %get3A_372 = vector.load %arg2[%get3A_368, %get3A_369, %get3A_370, %get3A_371] : memref<1x16x512x256xi32, #tpu.memory_space<vmem>>, vector<1x1x512x256xi32>
    %get3A_373 = vector.shape_cast %get3A_372 : vector<1x1x512x256xi32> to vector<512x256xi32>
    %shift_left3A_374 = arith.constant 16 : i32
    %shift_left3A_375 = vector.broadcast %shift_left3A_374 : i32 to vector<512x256xi32>
    %shift_left3A_376 = arith.shli %get3A_373, %shift_left3A_375 : vector<512x256xi32>
    %bitcast_convert_type3A_377 = tpu.bitcast %shift_left3A_376 : vector<512x256xi32> -> vector<512x256xf32>
    %and3A_378 = arith.constant -65536 : i32
    %and3A_379 = vector.broadcast %and3A_378 : i32 to vector<512x256xi32>
    %and3A_380 = arith.andi %get3A_373, %and3A_379 : vector<512x256xi32>
    %bitcast_convert_type3A_381 = tpu.bitcast %and3A_380 : vector<512x256xi32> -> vector<512x256xf32>
    %add3A_382 = arith.addf %bitcast_convert_type3A_377, %get3A_3 : vector<512x256xf32>
    %mul3A_383 = arith.constant 1.000000e-01 : f32
    %mul3A_384 = vector.broadcast %mul3A_383 : f32 to vector<512x256xf32>
    %mul3A_385 = arith.mulf %mul3A_384, %add3A_382 : vector<512x256xf32>
    %max3A_386 = arith.maximumf %add3A_382, %mul3A_385 : vector<512x256xf32>
    %convert_element_type3A_387 = arith.truncf %max3A_386 : vector<512x256xf32> to vector<512x256xbf16>
    %dot_general3A_388 = arith.constant dense<0.000000e+00> : vector<512x256xf32>
    %dot_general3A_389 = tpu.matmul %convert_element_type3A_387, %get3A_6, %dot_general3A_388 {dimension_numbers = #tpu.dot_dimension_numbers<[1], [0], [0], [1], [0, 0, 1, 1], [], []>, transpose_lhs_hint = false} : vector<512x256xbf16>, vector<256x256xbf16>, vector<512x256xf32> -> vector<512x256xf32>
    %add3A_390 = vector.broadcast %get3A_9 : vector<1x256xf32> to vector<512x256xf32>
    %add3A_391 = arith.addf %dot_general3A_389, %add3A_390 : vector<512x256xf32>
    %exp3A_392 = math.exp %add3A_391 : vector<512x256xf32>
    %mul3A_393 = arith.mulf %exp3A_392, %bitcast_convert_type3A_381 : vector<512x256xf32>
    %add3A_394 = arith.addf %add3A_366, %mul3A_393 : vector<512x256xf32>
    %add3A_395 = arith.addf %add3A_367, %exp3A_392 : vector<512x256xf32>
    %get3A_396 = arith.constant 0 : index
    %get3A_397 = arith.constant 14 : index
    %get3A_398 = arith.constant 0 : index
    %get3A_399 = arith.constant 0 : index
    %get3A_400 = vector.load %arg2[%get3A_396, %get3A_397, %get3A_398, %get3A_399] : memref<1x16x512x256xi32, #tpu.memory_space<vmem>>, vector<1x1x512x256xi32>
    %get3A_401 = vector.shape_cast %get3A_400 : vector<1x1x512x256xi32> to vector<512x256xi32>
    %shift_left3A_402 = arith.constant 16 : i32
    %shift_left3A_403 = vector.broadcast %shift_left3A_402 : i32 to vector<512x256xi32>
    %shift_left3A_404 = arith.shli %get3A_401, %shift_left3A_403 : vector<512x256xi32>
    %bitcast_convert_type3A_405 = tpu.bitcast %shift_left3A_404 : vector<512x256xi32> -> vector<512x256xf32>
    %and3A_406 = arith.constant -65536 : i32
    %and3A_407 = vector.broadcast %and3A_406 : i32 to vector<512x256xi32>
    %and3A_408 = arith.andi %get3A_401, %and3A_407 : vector<512x256xi32>
    %bitcast_convert_type3A_409 = tpu.bitcast %and3A_408 : vector<512x256xi32> -> vector<512x256xf32>
    %add3A_410 = arith.addf %bitcast_convert_type3A_405, %get3A_3 : vector<512x256xf32>
    %mul3A_411 = arith.constant 1.000000e-01 : f32
    %mul3A_412 = vector.broadcast %mul3A_411 : f32 to vector<512x256xf32>
    %mul3A_413 = arith.mulf %mul3A_412, %add3A_410 : vector<512x256xf32>
    %max3A_414 = arith.maximumf %add3A_410, %mul3A_413 : vector<512x256xf32>
    %convert_element_type3A_415 = arith.truncf %max3A_414 : vector<512x256xf32> to vector<512x256xbf16>
    %dot_general3A_416 = arith.constant dense<0.000000e+00> : vector<512x256xf32>
    %dot_general3A_417 = tpu.matmul %convert_element_type3A_415, %get3A_6, %dot_general3A_416 {dimension_numbers = #tpu.dot_dimension_numbers<[1], [0], [0], [1], [0, 0, 1, 1], [], []>, transpose_lhs_hint = false} : vector<512x256xbf16>, vector<256x256xbf16>, vector<512x256xf32> -> vector<512x256xf32>
    %add3A_418 = vector.broadcast %get3A_9 : vector<1x256xf32> to vector<512x256xf32>
    %add3A_419 = arith.addf %dot_general3A_417, %add3A_418 : vector<512x256xf32>
    %exp3A_420 = math.exp %add3A_419 : vector<512x256xf32>
    %mul3A_421 = arith.mulf %exp3A_420, %bitcast_convert_type3A_409 : vector<512x256xf32>
    %add3A_422 = arith.addf %add3A_394, %mul3A_421 : vector<512x256xf32>
    %add3A_423 = arith.addf %add3A_395, %exp3A_420 : vector<512x256xf32>
    %get3A_424 = arith.constant 0 : index
    %get3A_425 = arith.constant 15 : index
    %get3A_426 = arith.constant 0 : index
    %get3A_427 = arith.constant 0 : index
    %get3A_428 = vector.load %arg2[%get3A_424, %get3A_425, %get3A_426, %get3A_427] : memref<1x16x512x256xi32, #tpu.memory_space<vmem>>, vector<1x1x512x256xi32>
    %get3A_429 = vector.shape_cast %get3A_428 : vector<1x1x512x256xi32> to vector<512x256xi32>
    %shift_left3A_430 = arith.constant 16 : i32
    %shift_left3A_431 = vector.broadcast %shift_left3A_430 : i32 to vector<512x256xi32>
    %shift_left3A_432 = arith.shli %get3A_429, %shift_left3A_431 : vector<512x256xi32>
    %bitcast_convert_type3A_433 = tpu.bitcast %shift_left3A_432 : vector<512x256xi32> -> vector<512x256xf32>
    %and3A_434 = arith.constant -65536 : i32
    %and3A_435 = vector.broadcast %and3A_434 : i32 to vector<512x256xi32>
    %and3A_436 = arith.andi %get3A_429, %and3A_435 : vector<512x256xi32>
    %bitcast_convert_type3A_437 = tpu.bitcast %and3A_436 : vector<512x256xi32> -> vector<512x256xf32>
    %add3A_438 = arith.addf %bitcast_convert_type3A_433, %get3A_3 : vector<512x256xf32>
    %mul3A_439 = arith.constant 1.000000e-01 : f32
    %mul3A_440 = vector.broadcast %mul3A_439 : f32 to vector<512x256xf32>
    %mul3A_441 = arith.mulf %mul3A_440, %add3A_438 : vector<512x256xf32>
    %max3A_442 = arith.maximumf %add3A_438, %mul3A_441 : vector<512x256xf32>
    %convert_element_type3A_443 = arith.truncf %max3A_442 : vector<512x256xf32> to vector<512x256xbf16>
    %dot_general3A_444 = arith.constant dense<0.000000e+00> : vector<512x256xf32>
    %dot_general3A_445 = tpu.matmul %convert_element_type3A_443, %get3A_6, %dot_general3A_444 {dimension_numbers = #tpu.dot_dimension_numbers<[1], [0], [0], [1], [0, 0, 1, 1], [], []>, transpose_lhs_hint = false} : vector<512x256xbf16>, vector<256x256xbf16>, vector<512x256xf32> -> vector<512x256xf32>
    %add3A_446 = vector.broadcast %get3A_9 : vector<1x256xf32> to vector<512x256xf32>
    %add3A_447 = arith.addf %dot_general3A_445, %add3A_446 : vector<512x256xf32>
    %exp3A_448 = math.exp %add3A_447 : vector<512x256xf32>
    %mul3A_449 = arith.mulf %exp3A_448, %bitcast_convert_type3A_437 : vector<512x256xf32>
    %add3A_450 = arith.addf %add3A_422, %mul3A_449 : vector<512x256xf32>
    %add3A_451 = arith.addf %add3A_423, %exp3A_448 : vector<512x256xf32>
    %div3A = arith.divf %add3A_450, %add3A_451 : vector<512x256xf32>
    %transpose3A = tpu.transpose %div3A, [1, 0] : vector<512x256xf32> -> vector<256x512xf32>
    %swap3A = arith.constant 0 : index
    %swap3A_452 = arith.constant 0 : index
    %swap3A_453 = arith.constant 0 : index
    %swap3A_454 = vector.load %arg6[%swap3A, %swap3A_452, %swap3A_453] : memref<1x256x512xf32, #tpu.memory_space<vmem>>, vector<1x256x512xf32>
    %swap3A_455 = vector.shape_cast %swap3A_454 : vector<1x256x512xf32> to vector<256x512xf32>
    %swap3A_456 = vector.shape_cast %transpose3A : vector<256x512xf32> to vector<1x256x512xf32>
    tpu.vector_store %arg6[%swap3A, %swap3A_452, %swap3A_453], %swap3A_456 {strides = array<i32>} : memref<1x256x512xf32, #tpu.memory_space<vmem>>, vector<1x256x512xf32>,
    return
  }
  func.func @transform_0(%arg0: i32, %arg1: i32) -> (i32, i32, i32, i32) {
    %c0_i32 = arith.constant 0 : i32
    %c0_i32_0 = arith.constant 0 : i32
    %c0_i32_1 = arith.constant 0 : i32
    return %arg0, %c0_i32, %arg1, %c0_i32_0 : i32, i32, i32, i32
  }
  func.func @transform_1(%arg0: i32, %arg1: i32) -> (i32, i32, i32) {
    %c0_i32 = arith.constant 0 : i32
    %c0_i32_0 = arith.constant 0 : i32
    return %arg0, %arg1, %c0_i32 : i32, i32, i32
  }
  func.func @transform_2(%arg0: i32, %arg1: i32) -> (i32, i32) {
    %c0_i32 = arith.constant 0 : i32
    %c0_i32_0 = arith.constant 0 : i32
    %c0_i32_1 = arith.constant 0 : i32
    return %c0_i32, %c0_i32_0 : i32, i32
  }
  func.func @transform_3(%arg0: i32, %arg1: i32) -> (i32, i32) {
    %c0_i32 = arith.constant 0 : i32
    %c0_i32_0 = arith.constant 0 : i32
    %c0_i32_1 = arith.constant 0 : i32
    return %c0_i32, %c0_i32_0 : i32, i32
  }
  func.func @transform_4(%arg0: i32, %arg1: i32) -> (i32, i32, i32) {
    %c0_i32 = arith.constant 0 : i32
    %c0_i32_0 = arith.constant 0 : i32
    return %arg0, %c0_i32, %arg1 : i32, i32, i32
  }
}

</mosaic_0001>

<sc_bundles>
// kernel: _run.15.cloned.1.call-start
scs
__scs_entry_jumppad:
0x0: {  	(pc) =	sbr.rel $0x88, $3  }
0x1: {  	(tag) =	ssettag $0x0;
	lr =	simm.s32 $0x1  }
0x2: {  	[smem:$0x3F98] =	sst lr;
	_ =	strace $0xD0000000  }
0x3: {  	_ = 	snop  }
0x4: {  	_ = 	snop  }
0x5: {  	_ = 	snop  }
0x6: {  	_ = 	snop  }
0x7: {  	_ = 	snop  }
__scs_overlays_trampoline_lowered:
0x8: {  	[smem:$0x3FA7] =	sst s0  }
0x9: {  	[smem:$0x3FA8] =	sst s1  }
0xa: {  	[smem:$0x3FA9] =	sst s2  }
0xb: {  	[smem:$0x3FAA] =	sst s3  }
0xc: {  	[smem:$0x3FAB] =	sst s4  }
0xd: {  	[smem:$0x3FAC] =	sst s5  }
0xe: {  	[smem:$0x3FAD] =	sst s6  }
0xf: {  	[smem:$0x3FAE] =	sst s7  }
0x10: {  	[smem:$0x3FAF] =	sst s8  }
0x11: {  	[smem:$0x3FB0] =	sst s9;
	s0 =	simm.s32 @!p0 $0x0  }
0x12: {  	s1 =	sld [smem:$0x3F96];
	s0 =	simm.s32 @p0 $0x1  }
0x13: {  	[smem:$0x3FB1] =	sst s0;
	s0 =	simm.s32 @!p1 $0x0  }
0x14: {  	s2 =	sld [smem:$0x3F95];
	s0 =	simm.s32 @p1 $0x1  }
0x15: {  	[smem:$0x3FB2] =	sst s0;
	s0 =	simm.s32 @!p2 $0x0  }
0x16: {  	s3 =	sld [smem:$0x3FDB];
	s0 =	simm.s32 @p2 $0x1  }
0x17: {  	s4 =	simm.s32 $0x1BF5;
	[smem:$0x3FB4] =	sst s0  }
0x18: {  	s0 =	sld [smem:$0x3F97];
	_ =	swait.ge [sflag:s4], $0x0  }
0x19: {  	s7 =	sld [smem:$0x3F98]  }
0x1a: {  	s8 =	sadd.s32 $0xFFFFE003, lr  }
0x1b: {  	s9 =	sadd.s32 $0xFFFFFEF7, lr;
	s5 =	simm.s32 $0xFFFFFFFF;
	p2 =	slt.u32 s8, $0xFFFFF086  }
0x1c: {  	p1 =	slt.u32 s9, $0xF7A;
	s5 =	simm.s32 @!p2 $0x0  }
0x1d: {  	s5 =	simm.s32 @p1 $0x1;
	p0 =	seq.s32 s7, s2  }
0x1e: {  	s7 =	smul.u32 @!p0 $0xF7A, s2;
	p2 =	seq.s32 @!p0 s5, $0x0  }
0x1f: {  	s9 =	smul.u32 $0xF7A, s1;
	s8 =	simm.s32 @!p0 $0x1BF5;
	p2 =	por !p2, p0  }
0x20: {  	[sflag:s8] =	ssyncset.s32 @!p0 $0xFFFFF086;
	s6 =	sadd.s32 @!p0 s3, s7;
	s7 =	simm.s32 @!p0 $0x108  }
0x21: {  	s3 =	sadd.s32 s3, s9;
	s6 =	sadd.s32 @!p0 $0x88, s6;
	s7 =	simm.s32 @p2 $0x1082  }
0x22: {  	[simem:s7], [sflag:s8] =	dma.local @!p0 [hbm:s6], $0xF7A  }
0x23: {  	s9 =	sor.u32 $0xD0000000, s2;
	s6 =	simm.s32 $0x108;
	_ =	swait.ge @!p0 [sflag:s8], $0x0  }
0x24: {  	s3 =	sadd.s32 $0x88, s3;
	s6 =	simm.s32 @!p1 $0x1082;
	[sflag:s4] =	ssyncset.s32 $0xFFFFF086  }
0x25: {  	[simem:s6], [sflag:s4] =	dma.local [hbm:s3], $0xF7A  }
0x26: {  	[smem:$0x3F98] =	sst s1;
	(tag) =	ssettag s2;
	_ =	strace s9  }
0x27: {  	s1 =	sld [smem:$0x3FA8]  }
0x28: {  	s2 =	sld [smem:$0x3FA9]  }
0x29: {  	s4 =	sld [smem:$0x3FAB]  }
0x2a: {  	p0 =	seq.s32 s5, $0x0;
	s5 =	sld [smem:$0x3FAC]  }
0x2b: {  	s6 =	sld [smem:$0x3FAD]  }
0x2c: {  	s7 =	sld [smem:$0x3FAE]  }
0x2d: {  	s3 =	simm.s32 $0x108;
	s8 =	sld [smem:$0x3FAF]  }
0x2e: {  	s3 =	simm.s32 @!p0 $0x1082;
	s9 =	sld [smem:$0x3FB0]  }
0x2f: {  	lr =	sadd.s32 s0, s3;
	s0 =	sld [smem:$0x3FA7]  }
0x30: {  	s3 =	sld [smem:$0x3FAA]  }
0x31: {  	[smem:$0x3FB3] =	sst s10  }
0x32: {  	s10 =	sld [smem:$0x3FB1];
	_ =	sdelay $0x3  }
0x33: {  	p0 =	seq.s32 s10, $0x1;
	s10 =	sld [smem:$0x3FB3];
	_ =	sdelay $0x3  }
0x34: {  	[smem:$0x3FB3] =	sst s10  }
0x35: {  	s10 =	sld [smem:$0x3FB2];
	_ =	sdelay $0x3  }
0x36: {  	p1 =	seq.s32 s10, $0x1;
	s10 =	sld [smem:$0x3FB3];
	_ =	sdelay $0x3  }
0x37: {  	[smem:$0x3FB3] =	sst s10  }
0x38: {  	s10 =	sld [smem:$0x3FB4]  }
0x39: {  	_ = 	snop;
	(pc) =	sbr.ind lr, $3  }
0x3a: {  	_ = 	snop  }
0x3b: {  	_ = 	snop  }
0x3c: {  	p2 =	seq.s32 s10, $0x1;
	s10 =	sld [smem:$0x3FB3]  }
0x3d: {  	_ =	shalt  }
0x3e: {  	_ =	shalt  }
0x3f: {  	_ =	shalt  }
0x40: {  	_ =	shalt  }
0x41: {  	_ =	shalt  }
0x42: {  	_ =	shalt  }
0x43: {  	_ =	shalt  }
0x44: {  	_ =	shalt  }
0x45: {  	_ =	shalt  }
0x46: {  	_ =	shalt  }
0x47: {  	_ =	shalt  }
0x48: {  	_ =	shalt  }
0x49: {  	_ =	shalt  }
0x4a: {  	_ =	shalt  }
0x4b: {  	_ =	shalt  }
0x4c: {  	_ =	shalt  }
0x4d: {  	_ =	shalt  }
0x4e: {  	_ =	shalt  }
0x4f: {  	_ =	shalt  }
0x50: {  	_ =	shalt  }
0x51: {  	_ =	shalt  }
0x52: {  	_ =	shalt  }
0x53: {  	_ =	shalt  }
0x54: {  	_ =	shalt  }
0x55: {  	_ =	shalt  }
0x56: {  	_ =	shalt  }
0x57: {  	_ =	shalt  }
0x58: {  	_ =	shalt  }
0x59: {  	_ =	shalt  }
0x5a: {  	_ =	shalt  }
0x5b: {  	_ =	shalt  }
0x5c: {  	_ =	shalt  }
0x5d: {  	_ =	shalt  }
0x5e: {  	_ =	shalt  }
0x5f: {  	_ =	shalt  }
0x60: {  	_ =	shalt  }
0x61: {  	_ =	shalt  }
0x62: {  	_ =	shalt  }
0x63: {  	_ =	shalt  }
0x64: {  	_ =	shalt  }
0x65: {  	_ =	shalt  }
0x66: {  	_ =	shalt  }
0x67: {  	_ =	shalt  }
0x68: {  	_ =	shalt  }
0x69: {  	_ =	shalt  }
0x6a: {  	_ =	shalt  }
0x6b: {  	_ =	shalt  }
0x6c: {  	_ =	shalt  }
0x6d: {  	_ =	shalt  }
0x6e: {  	_ =	shalt  }
0x6f: {  	_ =	shalt  }
0x70: {  	_ =	shalt  }
0x71: {  	_ =	shalt  }
0x72: {  	_ =	shalt  }
0x73: {  	_ =	shalt  }
0x74: {  	_ =	shalt  }
0x75: {  	_ =	shalt  }
0x76: {  	_ =	shalt  }
0x77: {  	_ =	shalt  }
0x78: {  	_ =	shalt  }
0x79: {  	_ =	shalt  }
0x7a: {  	_ =	shalt  }
0x7b: {  	_ =	shalt  }
0x7c: {  	_ =	shalt  }
0x7d: {  	_ =	shalt  }
0x7e: {  	_ =	shalt  }
0x7f: {  	_ =	shalt  }
0x80: {  	_ =	shalt  }
0x81: {  	_ =	shalt  }
0x82: {  	_ =	shalt  }
0x83: {  	_ =	shalt  }
0x84: {  	_ =	shalt  }
0x85: {  	_ =	shalt  }
0x86: {  	_ =	shalt  }
0x87: {  	_ =	shalt  }
.Lfunc_end0:
.L_simem_size_0:
called_computation_lowered:
.L_overlay_start_0:
0x88: {  	s2 =	sld [smem:$0x3FD9]  }
0x89: {  	s3 =	sld [smem:$0x3FFE];
	_ =	sdelay $0x1  }
0x8a: {  	s1 =	srdreg.scid  }
0x8b: {  	s0 =	sand.u32 $0x1, s1  }
0x8c: {  	s16 =	sshll.u32 s0, $0xA;
	s2 =	sadd.s32 s3, s2  }
0x8d: {  	s2 =	sadd.s32 s2, s16  }
0x8e: {  	[smem:$0x3FBF] =	sst s2  }
0x8f: {  	_ = 	snop  }
0x90: {  	(tm) =	ssettm $0x1  }
0x91: {  	s17 =	sld [smem:$0x3FFB];
	_ =	sdelay $0x3  }
0x92: {  	_ =	strace s17  }
0x93: {  	s2 =	sld [smem:$0x3FFC];
	_ =	sdelay $0x3  }
0x94: {  	_ =	strace s2  }
0x95: {  	s2 =	sld [smem:$0x3FFD];
	_ =	sdelay $0x3  }
0x96: {  	_ =	strace s2  }
0x97: {  	_ =	strace $0x8FFFFFFF  }
0x98: {  	s18 =	sld [smem:$0x3FDB];
	_ =	sdelay $0x1  }
0x99: {  	s19 =	simm.s32 $_scs_section_size  }
0x9a: {  	s4 =	simm.s32 $_size__tile_overlayer_lowered;
	s5 =	simm.s32 $_tile_overlayer_lowered  }
0x9b: {  	s22 =	simm.s32 $0x1BFF;
	s21 =	sshll.u32 s5, $0x1;
	s2 =	sadd.s32 s19, s18  }
0x9c: {  	s6 =	simm.s32 $0x0;
	s20 =	sshll.u32 s4, $0x1;
	s4 =	sadd.s32 s21, s2  }
0x9d: {  	[timem:s6], [sflag:s22] =	dma.local [hbm:s4], s20  }
0x9e: {  	_ =	swait.ge [sflag:s22], s20  }
0x9f: {  	s3 =	ssub.s32 $0x0, s20;
	[sflag:s22] =	ssyncset.done $0x0  }
0xa0: {  	[sflag:s22] =	ssyncadd.s32 s3;
	_ =	sdelay $0x1  }
0xa1: {  	s23 =	simm.s32 $0x1B8B  }
0xa2: {  	_ =	swait.ge [sflag:s23], $0x1  }
0xa3: {  	[sflag:s23] =	ssyncset.done $0x0  }
0xa4: {  	s25 =	simm.s32 $0x1B8E;
	s24 =	sld [smem:$0x3FFE];
	[sflag:s23] =	ssyncadd.s32 $0xFFFFFFFF  }
0xa5: {  	s26 =	simm.s32 $execute0_lowered;
	[smem:$0x3FD2] =	sst s25  }
0xa6: {  	s4 =	sshll.u32 s26, $0x1;
	_ =	strace $0x80000046;
	[dreg:$0x1] =	wrdreg $0xFFFFFFFF  }
0xa7: {  	s28 =	simm.s32 $_size_execute0_lowered;
	s2 =	sadd.s32 s2, s4;
	[dreg:$0x0] =	wrdreg $0x0  }
0xa8: {  	s4 =	sshll.u32 s28, $0x1;
	[dreg:$0x2] =	wrdreg s2  }
0xa9: {  	[dreg:$0x3] =	wrdreg s4  }
0xaa: {  	[dreg:$0x4] =	wrdreg $0xC0  }
0xab: {  	_ =	task [dreg:s6], $0x5FFFF  }
0xac: {  	[dreg:$0x1] =	wrdreg $0xFFFFFFFF  }
0xad: {  	[dreg:$0x0] =	wrdreg $0x60  }
0xae: {  	[dreg:$0x2] =	wrdreg s24  }
0xaf: {  	[dreg:$0x3] =	wrdreg $0x9  }
0xb0: {  	_ =	task.clear_ibuf [dreg:s6], $0x4FFFF;
	_ =	strace $0x90000046  }
0xb1: {  	s29 =	simm.s32 $0x9;
	_ =	strace $0x80000048  }
0xb2: {  	_ =	swait.ge [sflag:s29], $0x1  }
0xb3: {  	[sflag:s29] =	ssyncadd.s32 $0xFFFFFFFF  }
0xb4: {  	_ =	strace $0x90000048  }
0xb5: {  	_ =	sfence  }
0xb6: {  	s30 =	sld [smem:$0x0];
	_ =	sdelay $0x2  }
0xb7: {  	s31 =	sshll.u32 s1, $0xD;
	s1 =	sshrl.u32 s1, $0x2  }
0xb8: {  	s3 =	sand.u32 $0x4000, s31;
	s1 =	sadd.s32 s1, s30  }
0xb9: {  	s0 =	sor.u32 s3, s0;
	s1 =	sshll.u32 s1, $0x11  }
0xba: {  	s0 =	sor.u32 s1, s0  }
0xbb: {  	s0 =	sadd.s32 $0x8F2B, s0  }
0xbc: {  	[sflag:s0] =	ssyncadd.remote.s32 $0x1  }
0xbd: {  	_ =	sfence.sel $0xFFFF  }
0xbe: {  	[dreg:$0x0] =	wrdreg $0xFFFFFFFF;
	(pc) =	sbr.abs _section_cstart, $3  }
0xbf: {  	[dreg:$0x1] =	wrdreg $0xFFFFFFFF  }
0xc0: {  	_ =	task.clear_ibuf [dreg:s6], $0x2FFFF;
	_ =	strace $0x9FFFFFFF  }
0xc1: {  	(tm) =	ssettm $0x7FFFFFFF  }
tec
execute0_lowered:
.L_overlay_start_1:
0x0: {  	(tag) =	ssettag $0x1  }
0x1: {  	s0 =	srdreg.scid;
	s5 =	stileid.u32  }
0x2: {  	s1 =	rddreg [dreg:$0x0];
	s2 =	simm.s32 $0x0;
	s15 =	simm.s32 $0x900  }
0x3: {  	s17 =	simm.s32 $0x1100;
	s18 =	simm.s32 $0x1900;
	s19 =	simm.s32 $0x2100  }
0x4: {  	s21 =	simm.s32 $0x2900;
	s22 =	simm.s32 $0x3100;
	s23 =	simm.s32 $0x3900  }
0x5: {  	s24 =	simm.s32 $0x4100;
	s25 =	simm.s32 $0x4900;
	[smem:$0x7FF] =	sst s2  }
0x6: {  	s7 =	simm.s32 $0x100;
	_ =	strace $0x80000047;
	[dreg:$0x3] =	wrdreg s15  }
0x7: {  	s26 =	simm.s32 $0x5100;
	s8 =	simm.s32 $0x5900;
	[dreg:$0x4] =	wrdreg s17  }
0x8: {  	s9 =	simm.s32 $0x6100;
	s10 =	simm.s32 $0x6900;
	[dreg:$0x5] =	wrdreg s18  }
0x9: {  	s11 =	simm.s32 $0x7100;
	s12 =	simm.s32 $0x7900;
	[dreg:$0x6] =	wrdreg s19  }
0xa: {  	s13 =	simm.s32 $0x8100;
	s28 =	simm.s32 $0xF100;
	[dreg:$0x7] =	wrdreg s21  }
0xb: {  	s29 =	simm.s32 $0xF900;
	s30 =	simm.s32 $0x1;
	[dreg:$0x8] =	wrdreg s22  }
0xc: {  	s31 =	simm.s32 $0x0;
	s0 =	sand.u32 $0x1, s0;
	[dreg:$0x9] =	wrdreg s23  }
0xd: {  	s3 =	sshll.u32 s5, $0xC;
	s5 =	sshll.u32 s5, $0x11;
	[dreg:$0xa] =	wrdreg s24  }
0xe: {  	s4 =	sshll.u32 s0, $0xB;
	s16 =	ssub.s32 $0x2, s0;
	[dreg:$0xb] =	wrdreg s25  }
0xf: {  	s0 =	sshll.u32 s0, $0x10;
	[dreg:$0xc] =	wrdreg s26;
	s15 =	simm.s32 $0x9100  }
0x10: {  	s17 =	simm.s32 $0xA100;
	s18 =	simm.s32 $0xA900;
	s19 =	simm.s32 $0xB100  }
0x11: {  	s21 =	simm.s32 $0xC100;
	s22 =	simm.s32 $0xC900;
	s23 =	simm.s32 $0xD100  }
0x12: {  	s24 =	simm.s32 $0xD900;
	s25 =	simm.s32 $0xE100;
	s3 =	sor.u32 s4, s3  }
0x13: {  	s26 =	simm.s32 $0xE900;
	s6 =	sshrl.u32 s16, $0x1;
	s3 =	sshrl.u32 s3, $0x3  }
0x14: {  	s14 =	sadd.s32 s3, s1;
	s3 =	sadd.s32 $0x23200, s1;
	s1 =	sadd.s32 s5, s1  }
0x15: {  	s5 =	ssub.s32 s16, s6;
	s6 =	simm.s32 $0x2;
	s4 =	sadd.s32 $0x63200, s14  }
0x16: {  	v2 =	vlaneseq.u32;
	s20 =	smax.u32 s5, $0x1;
	s0 =	sadd.s32 s0, s1;
	[dreg:$0x2] =	wrdreg s4  }
0x17: {  	vm0 =	vmmov $0xffff;
	v1 =	vshrl.u32 v2, $0x3;
	s16 =	simm.s32 $0x9900;
	[dreg:$0xd] =	wrdreg s20;
	s0 =	sadd.s32 $0x65200, s0  }
0x18: {  	v0 =	vand.u32 $0x7, v2;
	v2 =	vor.u32 $0x8, v2;
	v1 =	vmul.u32 $0x8, v1;
	s14 =	simm.s32 $0x8900;
	s20 =	simm.s32 $0xB900;
	[dreg:$0xe] =	wrdreg s0  }
.LBB2_1:
0x19: {  	s5 =	rddreg [dreg:$0xe];
	s0 =	simm.s32 $0x0  }
.LBB2_2:
0x1a: {  	s4 =	rddreg [dreg:$0x2]  }
0x1b: {  	s4 =	sadd.s32 s0, s4  }
0x1c: {  	[tilespmem:s2], [sflag:$0x2] =	stream.linear.gather [hbm4b:s4+s2], $0x100, $0x38;
	[tilespmem:$0x10100] =	vst v63  }
0x1d: {  	_ =	swait.ge [sflag:s6], $0x100  }
0x1e: {  	[sflag:s6] =	ssyncset.done $0x0  }
0x1f: {  	[sflag:s6] =	ssyncadd.s32 $0xFFFFFF00  }
0x20: {  	v3 =	vld [tilespmem:$0x0];
	_ =	sdelay $0x4  }
0x21: {  	v4 =	vshll.u32 v3, $0x1  }
0x22: {  	v3 =	vand.u32 $0x7, v3;
	v4 =	vand.u32 $0xFFFFFFF0, v4  }
0x23: {  	v3 =	vor.u32 v3, v4  }
0x24: {  	v4 =	vperm.xlane v3, v0;
	_ =	sdelay $0x1  }
0x25: {  	v3 =	vperm.xlane v3, v2;
	v4 =	vadd.s32 v1, v4;
	_ =	sdelay $0x1  }
0x26: {  	v3 =	vadd.s32 v1, v3;
	_ =	sdelay $0x2  }
0x27: {  	[tilespmem:s7], [sflag:$0x1] =	stream.indirect_vreg.gather [hbm4b:s3+s2], $0x80, v4, vm0, $0xb8;
	[tilespmem:$0x10100] =	vst v63  }
0x28: {  	s1 =	rddreg [dreg:$0x3]  }
0x29: {  	[tilespmem:s1], [sflag:$0x1] =	stream.indirect_vreg.gather [hbm4b:s3+s2], $0x80, v3, vm0, $0xb8;
	[tilespmem:$0x10100] =	vst v63  }
0x2a: {  	v3 =	vld [tilespmem:$0x10];
	_ =	sdelay $0x4  }
0x2b: {  	v49 =	vshll.u32 v3, $0x1  }
0x2c: {  	v3 =	vand.u32 $0x7, v3;
	v4 =	vand.u32 $0xFFFFFFF0, v49  }
0x2d: {  	v3 =	vor.u32 v3, v4  }
0x2e: {  	v4 =	vperm.xlane v3, v0;
	_ =	sdelay $0x1  }
0x2f: {  	v3 =	vperm.xlane v3, v2;
	v4 =	vadd.s32 v1, v4;
	_ =	sdelay $0x1  }
0x30: {  	v3 =	vadd.s32 v1, v3;
	_ =	sdelay $0x1  }
0x31: {  	s4 =	rddreg [dreg:$0x4]  }
0x32: {  	[tilespmem:s4], [sflag:$0x1] =	stream.indirect_vreg.gather [hbm4b:s3+s2], $0x80, v4, vm0, $0xb8;
	[tilespmem:$0x10100] =	vst v63  }
0x33: {  	s1 =	rddreg [dreg:$0x5]  }
0x34: {  	[tilespmem:s1], [sflag:$0x1] =	stream.indirect_vreg.gather [hbm4b:s3+s2], $0x80, v3, vm0, $0xb8;
	[tilespmem:$0x10100] =	vst v63  }
0x35: {  	v3 =	vld [tilespmem:$0x20];
	_ =	sdelay $0x4  }
0x36: {  	v50 =	vshll.u32 v3, $0x1  }
0x37: {  	v3 =	vand.u32 $0x7, v3;
	v4 =	vand.u32 $0xFFFFFFF0, v50  }
0x38: {  	v3 =	vor.u32 v3, v4  }
0x39: {  	v4 =	vperm.xlane v3, v0;
	_ =	sdelay $0x1  }
0x3a: {  	v3 =	vperm.xlane v3, v2;
	v4 =	vadd.s32 v1, v4;
	_ =	sdelay $0x1  }
0x3b: {  	v3 =	vadd.s32 v1, v3;
	_ =	sdelay $0x1  }
0x3c: {  	s1 =	rddreg [dreg:$0x6]  }
0x3d: {  	[tilespmem:s1], [sflag:$0x1] =	stream.indirect_vreg.gather [hbm4b:s3+s2], $0x80, v4, vm0, $0xb8;
	[tilespmem:$0x10100] =	vst v63  }
0x3e: {  	s4 =	rddreg [dreg:$0x7]  }
0x3f: {  	[tilespmem:s4], [sflag:$0x1] =	stream.indirect_vreg.gather [hbm4b:s3+s2], $0x80, v3, vm0, $0xb8;
	[tilespmem:$0x10100] =	vst v63  }
0x40: {  	v3 =	vld [tilespmem:$0x30];
	_ =	sdelay $0x4  }
0x41: {  	v51 =	vshll.u32 v3, $0x1  }
0x42: {  	v3 =	vand.u32 $0x7, v3;
	v4 =	vand.u32 $0xFFFFFFF0, v51  }
0x43: {  	v3 =	vor.u32 v3, v4  }
0x44: {  	v4 =	vperm.xlane v3, v0;
	_ =	sdelay $0x1  }
0x45: {  	v3 =	vperm.xlane v3, v2;
	v4 =	vadd.s32 v1, v4;
	_ =	sdelay $0x1  }
0x46: {  	v3 =	vadd.s32 v1, v3;
	_ =	sdelay $0x1  }
0x47: {  	s1 =	rddreg [dreg:$0x8]  }
0x48: {  	[tilespmem:s1], [sflag:$0x1] =	stream.indirect_vreg.gather [hbm4b:s3+s2], $0x80, v4, vm0, $0xb8;
	[tilespmem:$0x10100] =	vst v63  }
0x49: {  	s4 =	rddreg [dreg:$0x9]  }
0x4a: {  	[tilespmem:s4], [sflag:$0x1] =	stream.indirect_vreg.gather [hbm4b:s3+s2], $0x80, v3, vm0, $0xb8;
	[tilespmem:$0x10100] =	vst v63  }
0x4b: {  	v3 =	vld [tilespmem:$0x40];
	_ =	sdelay $0x4  }
0x4c: {  	v52 =	vshll.u32 v3, $0x1  }
0x4d: {  	v3 =	vand.u32 $0x7, v3;
	v4 =	vand.u32 $0xFFFFFFF0, v52  }
0x4e: {  	v3 =	vor.u32 v3, v4  }
0x4f: {  	v4 =	vperm.xlane v3, v0;
	_ =	sdelay $0x1  }
0x50: {  	v3 =	vperm.xlane v3, v2;
	v4 =	vadd.s32 v1, v4;
	_ =	sdelay $0x1  }
0x51: {  	v3 =	vadd.s32 v1, v3;
	_ =	sdelay $0x1  }
0x52: {  	s1 =	rddreg [dreg:$0xa]  }
0x53: {  	[tilespmem:s1], [sflag:$0x1] =	stream.indirect_vreg.gather [hbm4b:s3+s2], $0x80, v4, vm0, $0xb8;
	[tilespmem:$0x10100] =	vst v63  }
0x54: {  	s4 =	rddreg [dreg:$0xb]  }
0x55: {  	[tilespmem:s4], [sflag:$0x1] =	stream.indirect_vreg.gather [hbm4b:s3+s2], $0x80, v3, vm0, $0xb8;
	[tilespmem:$0x10100] =	vst v63  }
0x56: {  	v3 =	vld [tilespmem:$0x50];
	_ =	sdelay $0x4  }
0x57: {  	v53 =	vshll.u32 v3, $0x1  }
0x58: {  	v3 =	vand.u32 $0x7, v3;
	v4 =	vand.u32 $0xFFFFFFF0, v53  }
0x59: {  	v3 =	vor.u32 v3, v4  }
0x5a: {  	v4 =	vperm.xlane v3, v0;
	_ =	sdelay $0x1  }
0x5b: {  	v3 =	vperm.xlane v3, v2;
	v4 =	vadd.s32 v1, v4;
	_ =	sdelay $0x1  }
0x5c: {  	v3 =	vadd.s32 v1, v3;
	_ =	sdelay $0x1  }
0x5d: {  	s4 =	rddreg [dreg:$0xc]  }
0x5e: {  	[tilespmem:s4], [sflag:$0x1] =	stream.indirect_vreg.gather [hbm4b:s3+s2], $0x80, v4, vm0, $0xb8;
	[tilespmem:$0x10100] =	vst v63  }
0x5f: {  	_ = 	snop  }
0x60: {  	[tilespmem:s8], [sflag:$0x1] =	stream.indirect_vreg.gather [hbm4b:s3+s2], $0x80, v3, vm0, $0xb8;
	[tilespmem:$0x10100] =	vst v63  }
0x61: {  	v3 =	vld [tilespmem:$0x60];
	_ =	sdelay $0x4  }
0x62: {  	v54 =	vshll.u32 v3, $0x1  }
0x63: {  	v3 =	vand.u32 $0x7, v3;
	v4 =	vand.u32 $0xFFFFFFF0, v54  }
0x64: {  	v3 =	vor.u32 v3, v4  }
0x65: {  	v4 =	vperm.xlane v3, v0;
	_ =	sdelay $0x1  }
0x66: {  	v3 =	vperm.xlane v3, v2;
	v4 =	vadd.s32 v1, v4;
	_ =	sdelay $0x1  }
0x67: {  	v3 =	vadd.s32 v1, v3;
	_ =	sdelay $0x2  }
0x68: {  	[tilespmem:s9], [sflag:$0x1] =	stream.indirect_vreg.gather [hbm4b:s3+s2], $0x80, v4, vm0, $0xb8;
	[tilespmem:$0x10100] =	vst v63  }
0x69: {  	_ = 	snop  }
0x6a: {  	[tilespmem:s10], [sflag:$0x1] =	stream.indirect_vreg.gather [hbm4b:s3+s2], $0x80, v3, vm0, $0xb8;
	[tilespmem:$0x10100] =	vst v63  }
0x6b: {  	v3 =	vld [tilespmem:$0x70];
	_ =	sdelay $0x4  }
0x6c: {  	v55 =	vshll.u32 v3, $0x1  }
0x6d: {  	v3 =	vand.u32 $0x7, v3;
	v4 =	vand.u32 $0xFFFFFFF0, v55  }
0x6e: {  	v3 =	vor.u32 v3, v4  }
0x6f: {  	v4 =	vperm.xlane v3, v0;
	_ =	sdelay $0x1  }
0x70: {  	v3 =	vperm.xlane v3, v2;
	v4 =	vadd.s32 v1, v4;
	_ =	sdelay $0x1  }
0x71: {  	v3 =	vadd.s32 v1, v3;
	_ =	sdelay $0x2  }
0x72: {  	[tilespmem:s11], [sflag:$0x1] =	stream.indirect_vreg.gather [hbm4b:s3+s2], $0x80, v4, vm0, $0xb8;
	[tilespmem:$0x10100] =	vst v63  }
0x73: {  	_ = 	snop  }
0x74: {  	[tilespmem:s12], [sflag:$0x1] =	stream.indirect_vreg.gather [hbm4b:s3+s2], $0x80, v3, vm0, $0xb8;
	[tilespmem:$0x10100] =	vst v63  }
0x75: {  	v3 =	vld [tilespmem:$0x80];
	_ =	sdelay $0x4  }
0x76: {  	v56 =	vshll.u32 v3, $0x1  }
0x77: {  	v3 =	vand.u32 $0x7, v3;
	v4 =	vand.u32 $0xFFFFFFF0, v56  }
0x78: {  	v3 =	vor.u32 v3, v4  }
0x79: {  	v4 =	vperm.xlane v3, v0;
	_ =	sdelay $0x1  }
0x7a: {  	v3 =	vperm.xlane v3, v2;
	v4 =	vadd.s32 v1, v4;
	_ =	sdelay $0x1  }
0x7b: {  	v3 =	vadd.s32 v1, v3;
	_ =	sdelay $0x2  }
0x7c: {  	[tilespmem:s13], [sflag:$0x1] =	stream.indirect_vreg.gather [hbm4b:s3+s2], $0x80, v4, vm0, $0xb8;
	[tilespmem:$0x10100] =	vst v63  }
0x7d: {  	_ = 	snop  }
0x7e: {  	[tilespmem:s14], [sflag:$0x1] =	stream.indirect_vreg.gather [hbm4b:s3+s2], $0x80, v3, vm0, $0xb8;
	[tilespmem:$0x10100] =	vst v63  }
0x7f: {  	v3 =	vld [tilespmem:$0x90];
	_ =	sdelay $0x4  }
0x80: {  	v57 =	vshll.u32 v3, $0x1  }
0x81: {  	v3 =	vand.u32 $0x7, v3;
	v4 =	vand.u32 $0xFFFFFFF0, v57  }
0x82: {  	v3 =	vor.u32 v3, v4  }
0x83: {  	v4 =	vperm.xlane v3, v0;
	_ =	sdelay $0x1  }
0x84: {  	v3 =	vperm.xlane v3, v2;
	v4 =	vadd.s32 v1, v4;
	_ =	sdelay $0x1  }
0x85: {  	v3 =	vadd.s32 v1, v3;
	_ =	sdelay $0x2  }
0x86: {  	[tilespmem:s15], [sflag:$0x1] =	stream.indirect_vreg.gather [hbm4b:s3+s2], $0x80, v4, vm0, $0xb8;
	[tilespmem:$0x10100] =	vst v63  }
0x87: {  	_ = 	snop  }
0x88: {  	[tilespmem:s16], [sflag:$0x1] =	stream.indirect_vreg.gather [hbm4b:s3+s2], $0x80, v3, vm0, $0xb8;
	[tilespmem:$0x10100] =	vst v63  }
0x89: {  	v3 =	vld [tilespmem:$0xA0];
	_ =	sdelay $0x4  }
0x8a: {  	v58 =	vshll.u32 v3, $0x1  }
0x8b: {  	v3 =	vand.u32 $0x7, v3;
	v4 =	vand.u32 $0xFFFFFFF0, v58  }
0x8c: {  	v3 =	vor.u32 v3, v4  }
0x8d: {  	v4 =	vperm.xlane v3, v0;
	_ =	sdelay $0x1  }
0x8e: {  	v3 =	vperm.xlane v3, v2;
	v4 =	vadd.s32 v1, v4;
	_ =	sdelay $0x1  }
0x8f: {  	v3 =	vadd.s32 v1, v3;
	_ =	sdelay $0x2  }
0x90: {  	[tilespmem:s17], [sflag:$0x1] =	stream.indirect_vreg.gather [hbm4b:s3+s2], $0x80, v4, vm0, $0xb8;
	[tilespmem:$0x10100] =	vst v63  }
0x91: {  	_ = 	snop  }
0x92: {  	[tilespmem:s18], [sflag:$0x1] =	stream.indirect_vreg.gather [hbm4b:s3+s2], $0x80, v3, vm0, $0xb8;
	[tilespmem:$0x10100] =	vst v63  }
0x93: {  	v3 =	vld [tilespmem:$0xB0];
	_ =	sdelay $0x4  }
0x94: {  	v59 =	vshll.u32 v3, $0x1  }
0x95: {  	v3 =	vand.u32 $0x7, v3;
	v4 =	vand.u32 $0xFFFFFFF0, v59  }
0x96: {  	v3 =	vor.u32 v3, v4  }
0x97: {  	v4 =	vperm.xlane v3, v0;
	_ =	sdelay $0x1  }
0x98: {  	v3 =	vperm.xlane v3, v2;
	v4 =	vadd.s32 v1, v4;
	_ =	sdelay $0x1  }
0x99: {  	v3 =	vadd.s32 v1, v3;
	_ =	sdelay $0x2  }
0x9a: {  	[tilespmem:s19], [sflag:$0x1] =	stream.indirect_vreg.gather [hbm4b:s3+s2], $0x80, v4, vm0, $0xb8;
	[tilespmem:$0x10100] =	vst v63  }
0x9b: {  	_ = 	snop  }
0x9c: {  	[tilespmem:s20], [sflag:$0x1] =	stream.indirect_vreg.gather [hbm4b:s3+s2], $0x80, v3, vm0, $0xb8;
	[tilespmem:$0x10100] =	vst v63  }
0x9d: {  	v3 =	vld [tilespmem:$0xC0];
	_ =	sdelay $0x4  }
0x9e: {  	v60 =	vshll.u32 v3, $0x1  }
0x9f: {  	v3 =	vand.u32 $0x7, v3;
	v4 =	vand.u32 $0xFFFFFFF0, v60  }
0xa0: {  	v3 =	vor.u32 v3, v4  }
0xa1: {  	v4 =	vperm.xlane v3, v0;
	_ =	sdelay $0x1  }
0xa2: {  	v3 =	vperm.xlane v3, v2;
	v4 =	vadd.s32 v1, v4;
	_ =	sdelay $0x1  }
0xa3: {  	v3 =	vadd.s32 v1, v3;
	_ =	sdelay $0x2  }
0xa4: {  	[tilespmem:s21], [sflag:$0x1] =	stream.indirect_vreg.gather [hbm4b:s3+s2], $0x80, v4, vm0, $0xb8;
	[tilespmem:$0x10100] =	vst v63  }
0xa5: {  	_ = 	snop  }
0xa6: {  	[tilespmem:s22], [sflag:$0x1] =	stream.indirect_vreg.gather [hbm4b:s3+s2], $0x80, v3, vm0, $0xb8;
	[tilespmem:$0x10100] =	vst v63  }
0xa7: {  	v3 =	vld [tilespmem:$0xD0];
	_ =	sdelay $0x4  }
0xa8: {  	v61 =	vshll.u32 v3, $0x1  }
0xa9: {  	v3 =	vand.u32 $0x7, v3;
	v4 =	vand.u32 $0xFFFFFFF0, v61  }
0xaa: {  	v3 =	vor.u32 v3, v4  }
0xab: {  	v4 =	vperm.xlane v3, v0;
	_ =	sdelay $0x1  }
0xac: {  	v3 =	vperm.xlane v3, v2;
	v4 =	vadd.s32 v1, v4;
	_ =	sdelay $0x1  }
0xad: {  	v3 =	vadd.s32 v1, v3;
	_ =	sdelay $0x2  }
0xae: {  	[tilespmem:s23], [sflag:$0x1] =	stream.indirect_vreg.gather [hbm4b:s3+s2], $0x80, v4, vm0, $0xb8;
	[tilespmem:$0x10100] =	vst v63  }
0xaf: {  	_ = 	snop  }
0xb0: {  	[tilespmem:s24], [sflag:$0x1] =	stream.indirect_vreg.gather [hbm4b:s3+s2], $0x80, v3, vm0, $0xb8;
	[tilespmem:$0x10100] =	vst v63  }
0xb1: {  	v3 =	vld [tilespmem:$0xE0];
	_ =	sdelay $0x4  }
0xb2: {  	v62 =	vshll.u32 v3, $0x1  }
0xb3: {  	v3 =	vand.u32 $0x7, v3;
	v4 =	vand.u32 $0xFFFFFFF0, v62  }
0xb4: {  	v3 =	vor.u32 v3, v4  }
0xb5: {  	v4 =	vperm.xlane v3, v0;
	_ =	sdelay $0x1  }
0xb6: {  	v3 =	vperm.xlane v3, v2;
	v4 =	vadd.s32 v1, v4;
	_ =	sdelay $0x1  }
0xb7: {  	v3 =	vadd.s32 v1, v3;
	_ =	sdelay $0x2  }
0xb8: {  	[tilespmem:s25], [sflag:$0x1] =	stream.indirect_vreg.gather [hbm4b:s3+s2], $0x80, v4, vm0, $0xb8;
	[tilespmem:$0x10100] =	vst v63  }
0xb9: {  	_ = 	snop  }
0xba: {  	[tilespmem:s26], [sflag:$0x1] =	stream.indirect_vreg.gather [hbm4b:s3+s2], $0x80, v3, vm0, $0xb8;
	[tilespmem:$0x10100] =	vst v63  }
0xbb: {  	v3 =	vld [tilespmem:$0xF0];
	_ =	sdelay $0x4  }
0xbc: {  	v63 =	vshll.u32 v3, $0x1  }
0xbd: {  	v3 =	vand.u32 $0x7, v3;
	v4 =	vand.u32 $0xFFFFFFF0, v63  }
0xbe: {  	v3 =	vor.u32 v3, v4  }
0xbf: {  	v4 =	vperm.xlane v3, v0;
	_ =	sdelay $0x1  }
0xc0: {  	v3 =	vperm.xlane v3, v2;
	v4 =	vadd.s32 v1, v4;
	_ =	sdelay $0x1  }
0xc1: {  	v3 =	vadd.s32 v1, v3;
	_ =	sdelay $0x2  }
0xc2: {  	[tilespmem:s28], [sflag:$0x1] =	stream.indirect_vreg.gather [hbm4b:s3+s2], $0x80, v4, vm0, $0xb8;
	[tilespmem:$0x10100] =	vst v63  }
0xc3: {  	_ = 	snop  }
0xc4: {  	[tilespmem:s29], [sflag:$0x1] =	stream.indirect_vreg.gather [hbm4b:s3+s2], $0x80, v3, vm0, $0xb8;
	[tilespmem:$0x10100] =	vst v63  }
0xc5: {  	_ =	swait.ge [sflag:s30], $0x10000  }
0xc6: {  	p0 =	sne.s32 s0, $0xE0;
	[sflag:s30] =	ssyncset.done $0x0  }
.Ltmp0:
0xc7: {  	[sflag:s30] =	ssyncadd.s32 $0xFFFF0000;
	(pc) =	sbr.rel @p0 .LBB2_2-.Ltmp0, $4  }
0xc8: {  	[hbm4b:s5+s2] =	stream.linear.scatter [tilespmem:s7], [sflag:$0x2], $0x10000, $0x38;
	[tilespmem:$0x10100] =	vst v63  }
0xc9: {  	_ =	swait.ge [sflag:s6], $0x10000  }
0xca: {  	[sflag:s6] =	ssyncset.done $0x0  }
0xcb: {  	s0 =	sadd.s32 $0x20, s0;
	s5 =	sadd.s32 $0x2000, s5;
	[sflag:s6] =	ssyncadd.s32 $0xFFFF0000  }
0xcc: {  	s31 =	sadd.s32 $0x1, s31;
	s0 =	rddreg [dreg:$0xd]  }
0xcd: {  	p0 =	sne.s32 s31, s0  }
.Ltmp1:
0xce: {  	_ = 	snop;
	(pc) =	sbr.rel @p0 .LBB2_1-.Ltmp1, $1  }
0xcf: {  	_ =	sdelay $0x3  }
0xd0: {  	_ =	sfence.sel $0x180000  }
0xd1: {  	[bflag:$0x0] =	sbarrier.arrive $0xFFFF  }
0xd2: {  	_ =	strace $0x90000047  }
0xd3: {  	s0 =	stileid.u32;
	[bflag:$0x2] =	sbarrier.arrive $0xFFFF  }
0xd4: {  	p0 =	sne.s32 s0, $0x0;
	s0 =	rddreg [dreg:$0x1]  }
0xd5: {  	s0 =	sadd.s32 @!p0 $0x100000, s0  }
0xd6: {  	[sflag:s0] =	ssyncadd.tile.s32 @!p0 $0x1;
	_ =	shalt  }
.Lfunc_end2:
_tile_overlayer_lowered:
.L_overlay_start_2:
0xd7: {  	(tag) =	ssettag $0x2  }
0xd8: {  	s0 =	rddreg [dreg:$0x0];
	s2 =	stileid.u32  }
0xd9: {  	s1 =	rddreg [dreg:$0x1];
	p0 =	sne.s32 s2, $0x0  }
0xda: {  	s3 =	rddreg [dreg:$0x2];
	[bflag:$0x3] =	sbarrier.arrive $0xFFFF;
	s2 =	simm.s32 @!p0 $0x1C02  }
0xdb: {  	[timem:s3], [sflag:s2] =	dma.local @!p0 [hbm:s0], s1  }
0xdc: {  	s0 =	simm.s32 @!p0 $0x2  }
0xdd: {  	_ =	swait.ge @!p0 [sflag:s0], s1  }
0xde: {  	s1 =	ssub.s32 @!p0 $0x0, s1;
	[sflag:s0] =	ssyncset.done @!p0 $0x0  }
0xdf: {  	[sflag:s0] =	ssyncadd.s32 @!p0 s1  }
0xe0: {  	[bflag:$0x3] =	sbarrier.arrive $0xFFFF  }
0xe1: {  	_ =	shalt  }

// kernel: _run.18.cloned.1.call-start
scs
__scs_entry_jumppad:
0x0: {  	(pc) =	sbr.rel $0x88, $3  }
0x1: {  	(tag) =	ssettag $0x0;
	lr =	simm.s32 $0x1  }
0x2: {  	[smem:$0x3F98] =	sst lr;
	_ =	strace $0xD0000000  }
0x3: {  	_ = 	snop  }
0x4: {  	_ = 	snop  }
0x5: {  	_ = 	snop  }
0x6: {  	_ = 	snop  }
0x7: {  	_ = 	snop  }
__scs_overlays_trampoline_lowered:
0x8: {  	[smem:$0x3FA7] =	sst s0  }
0x9: {  	[smem:$0x3FA8] =	sst s1  }
0xa: {  	[smem:$0x3FA9] =	sst s2  }
0xb: {  	[smem:$0x3FAA] =	sst s3  }
0xc: {  	[smem:$0x3FAB] =	sst s4  }
0xd: {  	[smem:$0x3FAC] =	sst s5  }
0xe: {  	[smem:$0x3FAD] =	sst s6  }
0xf: {  	[smem:$0x3FAE] =	sst s7  }
0x10: {  	[smem:$0x3FAF] =	sst s8  }
0x11: {  	[smem:$0x3FB0] =	sst s9;
	s0 =	simm.s32 @!p0 $0x0  }
0x12: {  	s1 =	sld [smem:$0x3F96];
	s0 =	simm.s32 @p0 $0x1  }
0x13: {  	[smem:$0x3FB1] =	sst s0;
	s0 =	simm.s32 @!p1 $0x0  }
0x14: {  	s2 =	sld [smem:$0x3F95];
	s0 =	simm.s32 @p1 $0x1  }
0x15: {  	[smem:$0x3FB2] =	sst s0;
	s0 =	simm.s32 @!p2 $0x0  }
0x16: {  	s3 =	sld [smem:$0x3FDB];
	s0 =	simm.s32 @p2 $0x1  }
0x17: {  	s4 =	simm.s32 $0x1BF5;
	[smem:$0x3FB4] =	sst s0  }
0x18: {  	s0 =	sld [smem:$0x3F97];
	_ =	swait.ge [sflag:s4], $0x0  }
0x19: {  	s7 =	sld [smem:$0x3F98]  }
0x1a: {  	s8 =	sadd.s32 $0xFFFFE003, lr  }
0x1b: {  	s9 =	sadd.s32 $0xFFFFFEF7, lr;
	s5 =	simm.s32 $0xFFFFFFFF;
	p2 =	slt.u32 s8, $0xFFFFF086  }
0x1c: {  	p1 =	slt.u32 s9, $0xF7A;
	s5 =	simm.s32 @!p2 $0x0  }
0x1d: {  	s5 =	simm.s32 @p1 $0x1;
	p0 =	seq.s32 s7, s2  }
0x1e: {  	s7 =	smul.u32 @!p0 $0xF7A, s2;
	p2 =	seq.s32 @!p0 s5, $0x0  }
0x1f: {  	s9 =	smul.u32 $0xF7A, s1;
	s8 =	simm.s32 @!p0 $0x1BF5;
	p2 =	por !p2, p0  }
0x20: {  	[sflag:s8] =	ssyncset.s32 @!p0 $0xFFFFF086;
	s6 =	sadd.s32 @!p0 s3, s7;
	s7 =	simm.s32 @!p0 $0x108  }
0x21: {  	s3 =	sadd.s32 s3, s9;
	s6 =	sadd.s32 @!p0 $0x88, s6;
	s7 =	simm.s32 @p2 $0x1082  }
0x22: {  	[simem:s7], [sflag:s8] =	dma.local @!p0 [hbm:s6], $0xF7A  }
0x23: {  	s9 =	sor.u32 $0xD0000000, s2;
	s6 =	simm.s32 $0x108;
	_ =	swait.ge @!p0 [sflag:s8], $0x0  }
0x24: {  	s3 =	sadd.s32 $0x88, s3;
	s6 =	simm.s32 @!p1 $0x1082;
	[sflag:s4] =	ssyncset.s32 $0xFFFFF086  }
0x25: {  	[simem:s6], [sflag:s4] =	dma.local [hbm:s3], $0xF7A  }
0x26: {  	[smem:$0x3F98] =	sst s1;
	(tag) =	ssettag s2;
	_ =	strace s9  }
0x27: {  	s1 =	sld [smem:$0x3FA8]  }
0x28: {  	s2 =	sld [smem:$0x3FA9]  }
0x29: {  	s4 =	sld [smem:$0x3FAB]  }
0x2a: {  	p0 =	seq.s32 s5, $0x0;
	s5 =	sld [smem:$0x3FAC]  }
0x2b: {  	s6 =	sld [smem:$0x3FAD]  }
0x2c: {  	s7 =	sld [smem:$0x3FAE]  }
0x2d: {  	s3 =	simm.s32 $0x108;
	s8 =	sld [smem:$0x3FAF]  }
0x2e: {  	s3 =	simm.s32 @!p0 $0x1082;
	s9 =	sld [smem:$0x3FB0]  }
0x2f: {  	lr =	sadd.s32 s0, s3;
	s0 =	sld [smem:$0x3FA7]  }
0x30: {  	s3 =	sld [smem:$0x3FAA]  }
0x31: {  	[smem:$0x3FB3] =	sst s10  }
0x32: {  	s10 =	sld [smem:$0x3FB1];
	_ =	sdelay $0x3  }
0x33: {  	p0 =	seq.s32 s10, $0x1;
	s10 =	sld [smem:$0x3FB3];
	_ =	sdelay $0x3  }
0x34: {  	[smem:$0x3FB3] =	sst s10  }
0x35: {  	s10 =	sld [smem:$0x3FB2];
	_ =	sdelay $0x3  }
0x36: {  	p1 =	seq.s32 s10, $0x1;
	s10 =	sld [smem:$0x3FB3];
	_ =	sdelay $0x3  }
0x37: {  	[smem:$0x3FB3] =	sst s10  }
0x38: {  	s10 =	sld [smem:$0x3FB4]  }
0x39: {  	_ = 	snop;
	(pc) =	sbr.ind lr, $3  }
0x3a: {  	_ = 	snop  }
0x3b: {  	_ = 	snop  }
0x3c: {  	p2 =	seq.s32 s10, $0x1;
	s10 =	sld [smem:$0x3FB3]  }
0x3d: {  	_ =	shalt  }
0x3e: {  	_ =	shalt  }
0x3f: {  	_ =	shalt  }
0x40: {  	_ =	shalt  }
0x41: {  	_ =	shalt  }
0x42: {  	_ =	shalt  }
0x43: {  	_ =	shalt  }
0x44: {  	_ =	shalt  }
0x45: {  	_ =	shalt  }
0x46: {  	_ =	shalt  }
0x47: {  	_ =	shalt  }
0x48: {  	_ =	shalt  }
0x49: {  	_ =	shalt  }
0x4a: {  	_ =	shalt  }
0x4b: {  	_ =	shalt  }
0x4c: {  	_ =	shalt  }
0x4d: {  	_ =	shalt  }
0x4e: {  	_ =	shalt  }
0x4f: {  	_ =	shalt  }
0x50: {  	_ =	shalt  }
0x51: {  	_ =	shalt  }
0x52: {  	_ =	shalt  }
0x53: {  	_ =	shalt  }
0x54: {  	_ =	shalt  }
0x55: {  	_ =	shalt  }
0x56: {  	_ =	shalt  }
0x57: {  	_ =	shalt  }
0x58: {  	_ =	shalt  }
0x59: {  	_ =	shalt  }
0x5a: {  	_ =	shalt  }
0x5b: {  	_ =	shalt  }
0x5c: {  	_ =	shalt  }
0x5d: {  	_ =	shalt  }
0x5e: {  	_ =	shalt  }
0x5f: {  	_ =	shalt  }
0x60: {  	_ =	shalt  }
0x61: {  	_ =	shalt  }
0x62: {  	_ =	shalt  }
0x63: {  	_ =	shalt  }
0x64: {  	_ =	shalt  }
0x65: {  	_ =	shalt  }
0x66: {  	_ =	shalt  }
0x67: {  	_ =	shalt  }
0x68: {  	_ =	shalt  }
0x69: {  	_ =	shalt  }
0x6a: {  	_ =	shalt  }
0x6b: {  	_ =	shalt  }
0x6c: {  	_ =	shalt  }
0x6d: {  	_ =	shalt  }
0x6e: {  	_ =	shalt  }
0x6f: {  	_ =	shalt  }
0x70: {  	_ =	shalt  }
0x71: {  	_ =	shalt  }
0x72: {  	_ =	shalt  }
0x73: {  	_ =	shalt  }
0x74: {  	_ =	shalt  }
0x75: {  	_ =	shalt  }
0x76: {  	_ =	shalt  }
0x77: {  	_ =	shalt  }
0x78: {  	_ =	shalt  }
0x79: {  	_ =	shalt  }
0x7a: {  	_ =	shalt  }
0x7b: {  	_ =	shalt  }
0x7c: {  	_ =	shalt  }
0x7d: {  	_ =	shalt  }
0x7e: {  	_ =	shalt  }
0x7f: {  	_ =	shalt  }
0x80: {  	_ =	shalt  }
0x81: {  	_ =	shalt  }
0x82: {  	_ =	shalt  }
0x83: {  	_ =	shalt  }
0x84: {  	_ =	shalt  }
0x85: {  	_ =	shalt  }
0x86: {  	_ =	shalt  }
0x87: {  	_ =	shalt  }
.Lfunc_end0:
.L_simem_size_0:
called_computation.1_lowered:
.L_overlay_start_0:
0x88: {  	s2 =	sld [smem:$0x3FD9]  }
0x89: {  	s3 =	sld [smem:$0x3FFE];
	_ =	sdelay $0x1  }
0x8a: {  	s1 =	srdreg.scid  }
0x8b: {  	s0 =	sand.u32 $0x1, s1  }
0x8c: {  	s17 =	sshll.u32 s0, $0xA;
	s2 =	sadd.s32 s3, s2  }
0x8d: {  	s2 =	sadd.s32 s2, s17  }
0x8e: {  	[smem:$0x3FBF] =	sst s2  }
0x8f: {  	_ = 	snop  }
0x90: {  	(tm) =	ssettm $0x1  }
0x91: {  	s18 =	sld [smem:$0x3FFB];
	_ =	sdelay $0x3  }
0x92: {  	_ =	strace s18  }
0x93: {  	s2 =	sld [smem:$0x3FFC];
	_ =	sdelay $0x3  }
0x94: {  	_ =	strace s2  }
0x95: {  	s2 =	sld [smem:$0x3FFD];
	_ =	sdelay $0x3  }
0x96: {  	_ =	strace s2  }
0x97: {  	_ =	strace $0x8FFFFFFF  }
0x98: {  	s19 =	sld [smem:$0x3FDB];
	_ =	sdelay $0x1  }
0x99: {  	s20 =	simm.s32 $_scs_section_size  }
0x9a: {  	s4 =	simm.s32 $_size__tile_overlayer_lowered;
	s5 =	simm.s32 $_tile_overlayer_lowered  }
0x9b: {  	s6 =	simm.s32 $0x1BFF;
	s21 =	sshll.u32 s5, $0x1;
	s3 =	sadd.s32 s20, s19  }
0x9c: {  	s22 =	simm.s32 $0x0;
	s4 =	sshll.u32 s4, $0x1;
	s5 =	sadd.s32 s21, s3  }
0x9d: {  	[timem:s22], [sflag:s6] =	dma.local [hbm:s5], s4  }
0x9e: {  	_ =	swait.ge [sflag:s6], s4  }
0x9f: {  	s4 =	ssub.s32 $0x0, s4;
	[sflag:s6] =	ssyncset.done $0x0  }
0xa0: {  	[sflag:s6] =	ssyncadd.s32 s4;
	_ =	sdelay $0x1  }
0xa1: {  	s23 =	simm.s32 $0x1B8B  }
0xa2: {  	_ =	swait.ge [sflag:s23], $0x1  }
0xa3: {  	[sflag:s23] =	ssyncset.done $0x0  }
0xa4: {  	[sflag:s23] =	ssyncadd.s32 $0xFFFFFFFF  }
0xa5: {  	s4 =	sld [smem:$0x0]  }
0xa6: {  	s5 =	sand.u32 $0xFFFFFFFE, s1  }
0xa7: {  	p0 =	sne.s32 s1, s5  }
0xa8: {  	s5 =	sshll.u32 @p0 s5, $0xE  }
0xa9: {  	s5 =	sadd.s32 @p0 $0x11B8D, s5;
	s6 =	sshll.u32 @p0 s4, $0x11  }
0xaa: {  	s5 =	sor.u32 @p0 s6, s5  }
0xab: {  	[sflag:s5] =	ssyncadd.remote.s32 @p0 $0x1;
	_ =	sdelay $0x1  }
0xac: {  	s5 =	simm.s32 @p0 $0x1B8D  }
0xad: {  	_ =	swait.eq @p0 [sflag:s5], $0x1  }
0xae: {  	[sflag:s5] =	ssyncadd.s32 @p0 $0xFFFFFFFF  }
0xaf: {  	s6 =	sshll.u32 @!p0 s1, $0xE  }
0xb0: {  	s6 =	sor.u32 @!p0 $0x4000, s6;
	s5 =	simm.s32 @!p0 $0x1B8D  }
0xb1: {  	s4 =	sshll.u32 @!p0 s4, $0x11;
	s6 =	sadd.s32 @!p0 $0x11B8D, s6;
	_ =	swait.eq @!p0 [sflag:s5], $0x1  }
0xb2: {  	s4 =	sor.u32 @!p0 s4, s6;
	[sflag:s5] =	ssyncadd.s32 @!p0 $0xFFFFFFFF  }
0xb3: {  	s25 =	simm.s32 $0x1B8E;
	s24 =	sld [smem:$0x3FFE];
	[sflag:s4] =	ssyncadd.remote.s32 @!p0 $0x1  }
0xb4: {  	s26 =	simm.s32 $execute0_lowered;
	[smem:$0x3FD2] =	sst s25  }
0xb5: {  	s5 =	sshll.u32 s26, $0x1;
	_ =	strace $0x8000004F;
	[dreg:$0x1] =	wrdreg $0xFFFFFFFF  }
0xb6: {  	s28 =	simm.s32 $_size_execute0_lowered;
	s3 =	sadd.s32 s3, s5;
	[dreg:$0x0] =	wrdreg $0x0  }
0xb7: {  	s5 =	sshll.u32 s28, $0x1;
	[dreg:$0x2] =	wrdreg s3  }
0xb8: {  	[dreg:$0x3] =	wrdreg s5  }
0xb9: {  	[dreg:$0x4] =	wrdreg $0xC0  }
0xba: {  	_ =	task [dreg:s22], $0x5FFFF  }
0xbb: {  	[dreg:$0x1] =	wrdreg $0xFFFFFFFF  }
0xbc: {  	[dreg:$0x0] =	wrdreg $0x60  }
0xbd: {  	[dreg:$0x2] =	wrdreg s24  }
0xbe: {  	[dreg:$0x3] =	wrdreg $0xA  }
0xbf: {  	_ =	task.clear_ibuf [dreg:s22], $0x4FFFF;
	_ =	strace $0x9000004F  }
0xc0: {  	s29 =	simm.s32 $0xA;
	_ =	strace $0x80000051  }
0xc1: {  	_ =	swait.ge [sflag:s29], $0x1  }
0xc2: {  	[sflag:s29] =	ssyncadd.s32 $0xFFFFFFFF  }
0xc3: {  	_ =	strace $0x90000051  }
0xc4: {  	_ =	sfence  }
0xc5: {  	s30 =	sld [smem:$0x0];
	_ =	sdelay $0x2  }
0xc6: {  	s31 =	sshll.u32 s1, $0xD;
	s1 =	sshrl.u32 s1, $0x2  }
0xc7: {  	s4 =	sand.u32 $0x4000, s31;
	s1 =	sadd.s32 s1, s30  }
0xc8: {  	s0 =	sor.u32 s4, s0;
	s1 =	sshll.u32 s1, $0x11  }
0xc9: {  	s0 =	sor.u32 s1, s0  }
0xca: {  	s0 =	sadd.s32 $0x8F2B, s0  }
0xcb: {  	[sflag:s0] =	ssyncadd.remote.s32 $0x1  }
0xcc: {  	_ =	sfence.sel $0xFFFF  }
0xcd: {  	[dreg:$0x0] =	wrdreg $0xFFFFFFFF;
	(pc) =	sbr.abs _section_cstart, $3  }
0xce: {  	[dreg:$0x1] =	wrdreg $0xFFFFFFFF  }
0xcf: {  	_ =	task.clear_ibuf [dreg:s22], $0x2FFFF;
	_ =	strace $0x9FFFFFFF  }
0xd0: {  	(tm) =	ssettm $0x7FFFFFFF  }
0xd1: {  	_ =	shalt  }
tec
execute0_lowered:
.L_overlay_start_1:
0x0: {  	(tag) =	ssettag $0x1  }
0x1: {  	s0 =	srdreg.scid;
	s5 =	stileid.u32  }
0x2: {  	s1 =	rddreg [dreg:$0x0];
	s2 =	simm.s32 $0x0;
	s15 =	simm.s32 $0x900  }
0x3: {  	s17 =	simm.s32 $0x1100;
	s18 =	simm.s32 $0x1900;
	s19 =	simm.s32 $0x2100  }
0x4: {  	s21 =	simm.s32 $0x2900;
	s22 =	simm.s32 $0x3100;
	s23 =	simm.s32 $0x3900  }
0x5: {  	s24 =	simm.s32 $0x4100;
	s25 =	simm.s32 $0x4900;
	[smem:$0x7FF] =	sst s2  }
0x6: {  	s7 =	simm.s32 $0x100;
	_ =	strace $0x80000050;
	[dreg:$0x3] =	wrdreg s15  }
0x7: {  	s26 =	simm.s32 $0x5100;
	s8 =	simm.s32 $0x5900;
	[dreg:$0x4] =	wrdreg s17  }
0x8: {  	s9 =	simm.s32 $0x6100;
	s10 =	simm.s32 $0x6900;
	[dreg:$0x5] =	wrdreg s18  }
0x9: {  	s11 =	simm.s32 $0x7100;
	s12 =	simm.s32 $0x7900;
	[dreg:$0x6] =	wrdreg s19  }
0xa: {  	s13 =	simm.s32 $0x8100;
	s28 =	simm.s32 $0xF100;
	[dreg:$0x7] =	wrdreg s21  }
0xb: {  	s29 =	simm.s32 $0xF900;
	s30 =	simm.s32 $0x1;
	[dreg:$0x8] =	wrdreg s22  }
0xc: {  	s31 =	simm.s32 $0x0;
	s0 =	sand.u32 $0x1, s0;
	[dreg:$0x9] =	wrdreg s23  }
0xd: {  	s3 =	sshll.u32 s5, $0xC;
	s5 =	sshll.u32 s5, $0x11;
	[dreg:$0xa] =	wrdreg s24  }
0xe: {  	s4 =	sshll.u32 s0, $0xB;
	s16 =	ssub.s32 $0x2, s0;
	[dreg:$0xb] =	wrdreg s25  }
0xf: {  	s0 =	sshll.u32 s0, $0x10;
	[dreg:$0xc] =	wrdreg s26;
	s15 =	simm.s32 $0x9100  }
0x10: {  	s17 =	simm.s32 $0xA100;
	s18 =	simm.s32 $0xA900;
	s19 =	simm.s32 $0xB100  }
0x11: {  	s21 =	simm.s32 $0xC100;
	s22 =	simm.s32 $0xC900;
	s23 =	simm.s32 $0xD100  }
0x12: {  	s24 =	simm.s32 $0xD900;
	s25 =	simm.s32 $0xE100;
	s3 =	sor.u32 s4, s3  }
0x13: {  	s26 =	simm.s32 $0xE900;
	s6 =	sshrl.u32 s16, $0x1;
	s3 =	sshrl.u32 s3, $0x3  }
0x14: {  	s14 =	sadd.s32 s3, s1;
	s3 =	sadd.s32 $0x3B200, s1;
	s1 =	sadd.s32 s5, s1  }
0x15: {  	s5 =	ssub.s32 s16, s6;
	s6 =	simm.s32 $0x2;
	s4 =	sadd.s32 $0x5200, s14  }
0x16: {  	v2 =	vlaneseq.u32;
	s20 =	smax.u32 s5, $0x1;
	s0 =	sadd.s32 s0, s1;
	[dreg:$0x2] =	wrdreg s4  }
0x17: {  	vm0 =	vmmov $0xffff;
	v1 =	vshrl.u32 v2, $0x3;
	s16 =	simm.s32 $0x9900;
	[dreg:$0xd] =	wrdreg s20;
	s0 =	sadd.s32 $0x665200, s0  }
0x18: {  	v0 =	vand.u32 $0x7, v2;
	v2 =	vor.u32 $0x8, v2;
	v1 =	vmul.u32 $0x8, v1;
	s14 =	simm.s32 $0x8900;
	s20 =	simm.s32 $0xB900;
	[dreg:$0xe] =	wrdreg s0  }
.LBB2_1:
0x19: {  	s5 =	rddreg [dreg:$0xe];
	s0 =	simm.s32 $0x0  }
.LBB2_2:
0x1a: {  	s4 =	rddreg [dreg:$0x2]  }
0x1b: {  	s4 =	sadd.s32 s0, s4  }
0x1c: {  	[tilespmem:s2], [sflag:$0x2] =	stream.linear.gather [hbm4b:s4+s2], $0x100, $0x38;
	[tilespmem:$0x10100] =	vst v63  }
0x1d: {  	_ =	swait.ge [sflag:s6], $0x100  }
0x1e: {  	[sflag:s6] =	ssyncset.done $0x0  }
0x1f: {  	[sflag:s6] =	ssyncadd.s32 $0xFFFFFF00  }
0x20: {  	v3 =	vld [tilespmem:$0x0];
	_ =	sdelay $0x4  }
0x21: {  	v4 =	vshll.u32 v3, $0x1  }
0x22: {  	v3 =	vand.u32 $0x7, v3;
	v4 =	vand.u32 $0xFFFFFFF0, v4  }
0x23: {  	v3 =	vor.u32 v3, v4  }
0x24: {  	v4 =	vperm.xlane v3, v0;
	_ =	sdelay $0x1  }
0x25: {  	v3 =	vperm.xlane v3, v2;
	v4 =	vadd.s32 v1, v4;
	_ =	sdelay $0x1  }
0x26: {  	v3 =	vadd.s32 v1, v3;
	_ =	sdelay $0x2  }
0x27: {  	[tilespmem:s7], [sflag:$0x1] =	stream.indirect_vreg.gather [hbm4b:s3+s2], $0x80, v4, vm0, $0xb8;
	[tilespmem:$0x10100] =	vst v63  }
0x28: {  	s1 =	rddreg [dreg:$0x3]  }
0x29: {  	[tilespmem:s1], [sflag:$0x1] =	stream.indirect_vreg.gather [hbm4b:s3+s2], $0x80, v3, vm0, $0xb8;
	[tilespmem:$0x10100] =	vst v63  }
0x2a: {  	v3 =	vld [tilespmem:$0x10];
	_ =	sdelay $0x4  }
0x2b: {  	v49 =	vshll.u32 v3, $0x1  }
0x2c: {  	v3 =	vand.u32 $0x7, v3;
	v4 =	vand.u32 $0xFFFFFFF0, v49  }
0x2d: {  	v3 =	vor.u32 v3, v4  }
0x2e: {  	v4 =	vperm.xlane v3, v0;
	_ =	sdelay $0x1  }
0x2f: {  	v3 =	vperm.xlane v3, v2;
	v4 =	vadd.s32 v1, v4;
	_ =	sdelay $0x1  }
0x30: {  	v3 =	vadd.s32 v1, v3;
	_ =	sdelay $0x1  }
0x31: {  	s4 =	rddreg [dreg:$0x4]  }
0x32: {  	[tilespmem:s4], [sflag:$0x1] =	stream.indirect_vreg.gather [hbm4b:s3+s2], $0x80, v4, vm0, $0xb8;
	[tilespmem:$0x10100] =	vst v63  }
0x33: {  	s1 =	rddreg [dreg:$0x5]  }
0x34: {  	[tilespmem:s1], [sflag:$0x1] =	stream.indirect_vreg.gather [hbm4b:s3+s2], $0x80, v3, vm0, $0xb8;
	[tilespmem:$0x10100] =	vst v63  }
0x35: {  	v3 =	vld [tilespmem:$0x20];
	_ =	sdelay $0x4  }
0x36: {  	v50 =	vshll.u32 v3, $0x1  }
0x37: {  	v3 =	vand.u32 $0x7, v3;
	v4 =	vand.u32 $0xFFFFFFF0, v50  }
0x38: {  	v3 =	vor.u32 v3, v4  }
0x39: {  	v4 =	vperm.xlane v3, v0;
	_ =	sdelay $0x1  }
0x3a: {  	v3 =	vperm.xlane v3, v2;
	v4 =	vadd.s32 v1, v4;
	_ =	sdelay $0x1  }
0x3b: {  	v3 =	vadd.s32 v1, v3;
	_ =	sdelay $0x1  }
0x3c: {  	s1 =	rddreg [dreg:$0x6]  }
0x3d: {  	[tilespmem:s1], [sflag:$0x1] =	stream.indirect_vreg.gather [hbm4b:s3+s2], $0x80, v4, vm0, $0xb8;
	[tilespmem:$0x10100] =	vst v63  }
0x3e: {  	s4 =	rddreg [dreg:$0x7]  }
0x3f: {  	[tilespmem:s4], [sflag:$0x1] =	stream.indirect_vreg.gather [hbm4b:s3+s2], $0x80, v3, vm0, $0xb8;
	[tilespmem:$0x10100] =	vst v63  }
0x40: {  	v3 =	vld [tilespmem:$0x30];
	_ =	sdelay $0x4  }
0x41: {  	v51 =	vshll.u32 v3, $0x1  }
0x42: {  	v3 =	vand.u32 $0x7, v3;
	v4 =	vand.u32 $0xFFFFFFF0, v51  }
0x43: {  	v3 =	vor.u32 v3, v4  }
0x44: {  	v4 =	vperm.xlane v3, v0;
	_ =	sdelay $0x1  }
0x45: {  	v3 =	vperm.xlane v3, v2;
	v4 =	vadd.s32 v1, v4;
	_ =	sdelay $0x1  }
0x46: {  	v3 =	vadd.s32 v1, v3;
	_ =	sdelay $0x1  }
0x47: {  	s1 =	rddreg [dreg:$0x8]  }
0x48: {  	[tilespmem:s1], [sflag:$0x1] =	stream.indirect_vreg.gather [hbm4b:s3+s2], $0x80, v4, vm0, $0xb8;
	[tilespmem:$0x10100] =	vst v63  }
0x49: {  	s4 =	rddreg [dreg:$0x9]  }
0x4a: {  	[tilespmem:s4], [sflag:$0x1] =	stream.indirect_vreg.gather [hbm4b:s3+s2], $0x80, v3, vm0, $0xb8;
	[tilespmem:$0x10100] =	vst v63  }
0x4b: {  	v3 =	vld [tilespmem:$0x40];
	_ =	sdelay $0x4  }
0x4c: {  	v52 =	vshll.u32 v3, $0x1  }
0x4d: {  	v3 =	vand.u32 $0x7, v3;
	v4 =	vand.u32 $0xFFFFFFF0, v52  }
0x4e: {  	v3 =	vor.u32 v3, v4  }
0x4f: {  	v4 =	vperm.xlane v3, v0;
	_ =	sdelay $0x1  }
0x50: {  	v3 =	vperm.xlane v3, v2;
	v4 =	vadd.s32 v1, v4;
	_ =	sdelay $0x1  }
0x51: {  	v3 =	vadd.s32 v1, v3;
	_ =	sdelay $0x1  }
0x52: {  	s1 =	rddreg [dreg:$0xa]  }
0x53: {  	[tilespmem:s1], [sflag:$0x1] =	stream.indirect_vreg.gather [hbm4b:s3+s2], $0x80, v4, vm0, $0xb8;
	[tilespmem:$0x10100] =	vst v63  }
0x54: {  	s4 =	rddreg [dreg:$0xb]  }
0x55: {  	[tilespmem:s4], [sflag:$0x1] =	stream.indirect_vreg.gather [hbm4b:s3+s2], $0x80, v3, vm0, $0xb8;
	[tilespmem:$0x10100] =	vst v63  }
0x56: {  	v3 =	vld [tilespmem:$0x50];
	_ =	sdelay $0x4  }
0x57: {  	v53 =	vshll.u32 v3, $0x1  }
0x58: {  	v3 =	vand.u32 $0x7, v3;
	v4 =	vand.u32 $0xFFFFFFF0, v53  }
0x59: {  	v3 =	vor.u32 v3, v4  }
0x5a: {  	v4 =	vperm.xlane v3, v0;
	_ =	sdelay $0x1  }
0x5b: {  	v3 =	vperm.xlane v3, v2;
	v4 =	vadd.s32 v1, v4;
	_ =	sdelay $0x1  }
0x5c: {  	v3 =	vadd.s32 v1, v3;
	_ =	sdelay $0x1  }
0x5d: {  	s4 =	rddreg [dreg:$0xc]  }
0x5e: {  	[tilespmem:s4], [sflag:$0x1] =	stream.indirect_vreg.gather [hbm4b:s3+s2], $0x80, v4, vm0, $0xb8;
	[tilespmem:$0x10100] =	vst v63  }
0x5f: {  	_ = 	snop  }
0x60: {  	[tilespmem:s8], [sflag:$0x1] =	stream.indirect_vreg.gather [hbm4b:s3+s2], $0x80, v3, vm0, $0xb8;
	[tilespmem:$0x10100] =	vst v63  }
0x61: {  	v3 =	vld [tilespmem:$0x60];
	_ =	sdelay $0x4  }
0x62: {  	v54 =	vshll.u32 v3, $0x1  }
0x63: {  	v3 =	vand.u32 $0x7, v3;
	v4 =	vand.u32 $0xFFFFFFF0, v54  }
0x64: {  	v3 =	vor.u32 v3, v4  }
0x65: {  	v4 =	vperm.xlane v3, v0;
	_ =	sdelay $0x1  }
0x66: {  	v3 =	vperm.xlane v3, v2;
	v4 =	vadd.s32 v1, v4;
	_ =	sdelay $0x1  }
0x67: {  	v3 =	vadd.s32 v1, v3;
	_ =	sdelay $0x2  }
0x68: {  	[tilespmem:s9], [sflag:$0x1] =	stream.indirect_vreg.gather [hbm4b:s3+s2], $0x80, v4, vm0, $0xb8;
	[tilespmem:$0x10100] =	vst v63  }
0x69: {  	_ = 	snop  }
0x6a: {  	[tilespmem:s10], [sflag:$0x1] =	stream.indirect_vreg.gather [hbm4b:s3+s2], $0x80, v3, vm0, $0xb8;
	[tilespmem:$0x10100] =	vst v63  }
0x6b: {  	v3 =	vld [tilespmem:$0x70];
	_ =	sdelay $0x4  }
0x6c: {  	v55 =	vshll.u32 v3, $0x1  }
0x6d: {  	v3 =	vand.u32 $0x7, v3;
	v4 =	vand.u32 $0xFFFFFFF0, v55  }
0x6e: {  	v3 =	vor.u32 v3, v4  }
0x6f: {  	v4 =	vperm.xlane v3, v0;
	_ =	sdelay $0x1  }
0x70: {  	v3 =	vperm.xlane v3, v2;
	v4 =	vadd.s32 v1, v4;
	_ =	sdelay $0x1  }
0x71: {  	v3 =	vadd.s32 v1, v3;
	_ =	sdelay $0x2  }
0x72: {  	[tilespmem:s11], [sflag:$0x1] =	stream.indirect_vreg.gather [hbm4b:s3+s2], $0x80, v4, vm0, $0xb8;
	[tilespmem:$0x10100] =	vst v63  }
0x73: {  	_ = 	snop  }
0x74: {  	[tilespmem:s12], [sflag:$0x1] =	stream.indirect_vreg.gather [hbm4b:s3+s2], $0x80, v3, vm0, $0xb8;
	[tilespmem:$0x10100] =	vst v63  }
0x75: {  	v3 =	vld [tilespmem:$0x80];
	_ =	sdelay $0x4  }
0x76: {  	v56 =	vshll.u32 v3, $0x1  }
0x77: {  	v3 =	vand.u32 $0x7, v3;
	v4 =	vand.u32 $0xFFFFFFF0, v56  }
0x78: {  	v3 =	vor.u32 v3, v4  }
0x79: {  	v4 =	vperm.xlane v3, v0;
	_ =	sdelay $0x1  }
0x7a: {  	v3 =	vperm.xlane v3, v2;
	v4 =	vadd.s32 v1, v4;
	_ =	sdelay $0x1  }
0x7b: {  	v3 =	vadd.s32 v1, v3;
	_ =	sdelay $0x2  }
0x7c: {  	[tilespmem:s13], [sflag:$0x1] =	stream.indirect_vreg.gather [hbm4b:s3+s2], $0x80, v4, vm0, $0xb8;
	[tilespmem:$0x10100] =	vst v63  }
0x7d: {  	_ = 	snop  }
0x7e: {  	[tilespmem:s14], [sflag:$0x1] =	stream.indirect_vreg.gather [hbm4b:s3+s2], $0x80, v3, vm0, $0xb8;
	[tilespmem:$0x10100] =	vst v63  }
0x7f: {  	v3 =	vld [tilespmem:$0x90];
	_ =	sdelay $0x4  }
0x80: {  	v57 =	vshll.u32 v3, $0x1  }
0x81: {  	v3 =	vand.u32 $0x7, v3;
	v4 =	vand.u32 $0xFFFFFFF0, v57  }
0x82: {  	v3 =	vor.u32 v3, v4  }
0x83: {  	v4 =	vperm.xlane v3, v0;
	_ =	sdelay $0x1  }
0x84: {  	v3 =	vperm.xlane v3, v2;
	v4 =	vadd.s32 v1, v4;
	_ =	sdelay $0x1  }
0x85: {  	v3 =	vadd.s32 v1, v3;
	_ =	sdelay $0x2  }
0x86: {  	[tilespmem:s15], [sflag:$0x1] =	stream.indirect_vreg.gather [hbm4b:s3+s2], $0x80, v4, vm0, $0xb8;
	[tilespmem:$0x10100] =	vst v63  }
0x87: {  	_ = 	snop  }
0x88: {  	[tilespmem:s16], [sflag:$0x1] =	stream.indirect_vreg.gather [hbm4b:s3+s2], $0x80, v3, vm0, $0xb8;
	[tilespmem:$0x10100] =	vst v63  }
0x89: {  	v3 =	vld [tilespmem:$0xA0];
	_ =	sdelay $0x4  }
0x8a: {  	v58 =	vshll.u32 v3, $0x1  }
0x8b: {  	v3 =	vand.u32 $0x7, v3;
	v4 =	vand.u32 $0xFFFFFFF0, v58  }
0x8c: {  	v3 =	vor.u32 v3, v4  }
0x8d: {  	v4 =	vperm.xlane v3, v0;
	_ =	sdelay $0x1  }
0x8e: {  	v3 =	vperm.xlane v3, v2;
	v4 =	vadd.s32 v1, v4;
	_ =	sdelay $0x1  }
0x8f: {  	v3 =	vadd.s32 v1, v3;
	_ =	sdelay $0x2  }
0x90: {  	[tilespmem:s17], [sflag:$0x1] =	stream.indirect_vreg.gather [hbm4b:s3+s2], $0x80, v4, vm0, $0xb8;
	[tilespmem:$0x10100] =	vst v63  }
0x91: {  	_ = 	snop  }
0x92: {  	[tilespmem:s18], [sflag:$0x1] =	stream.indirect_vreg.gather [hbm4b:s3+s2], $0x80, v3, vm0, $0xb8;
	[tilespmem:$0x10100] =	vst v63  }
0x93: {  	v3 =	vld [tilespmem:$0xB0];
	_ =	sdelay $0x4  }
0x94: {  	v59 =	vshll.u32 v3, $0x1  }
0x95: {  	v3 =	vand.u32 $0x7, v3;
	v4 =	vand.u32 $0xFFFFFFF0, v59  }
0x96: {  	v3 =	vor.u32 v3, v4  }
0x97: {  	v4 =	vperm.xlane v3, v0;
	_ =	sdelay $0x1  }
0x98: {  	v3 =	vperm.xlane v3, v2;
	v4 =	vadd.s32 v1, v4;
	_ =	sdelay $0x1  }
0x99: {  	v3 =	vadd.s32 v1, v3;
	_ =	sdelay $0x2  }
0x9a: {  	[tilespmem:s19], [sflag:$0x1] =	stream.indirect_vreg.gather [hbm4b:s3+s2], $0x80, v4, vm0, $0xb8;
	[tilespmem:$0x10100] =	vst v63  }
0x9b: {  	_ = 	snop  }
0x9c: {  	[tilespmem:s20], [sflag:$0x1] =	stream.indirect_vreg.gather [hbm4b:s3+s2], $0x80, v3, vm0, $0xb8;
	[tilespmem:$0x10100] =	vst v63  }
0x9d: {  	v3 =	vld [tilespmem:$0xC0];
	_ =	sdelay $0x4  }
0x9e: {  	v60 =	vshll.u32 v3, $0x1  }
0x9f: {  	v3 =	vand.u32 $0x7, v3;
	v4 =	vand.u32 $0xFFFFFFF0, v60  }
0xa0: {  	v3 =	vor.u32 v3, v4  }
0xa1: {  	v4 =	vperm.xlane v3, v0;
	_ =	sdelay $0x1  }
0xa2: {  	v3 =	vperm.xlane v3, v2;
	v4 =	vadd.s32 v1, v4;
	_ =	sdelay $0x1  }
0xa3: {  	v3 =	vadd.s32 v1, v3;
	_ =	sdelay $0x2  }
0xa4: {  	[tilespmem:s21], [sflag:$0x1] =	stream.indirect_vreg.gather [hbm4b:s3+s2], $0x80, v4, vm0, $0xb8;
	[tilespmem:$0x10100] =	vst v63  }
0xa5: {  	_ = 	snop  }
0xa6: {  	[tilespmem:s22], [sflag:$0x1] =	stream.indirect_vreg.gather [hbm4b:s3+s2], $0x80, v3, vm0, $0xb8;
	[tilespmem:$0x10100] =	vst v63  }
0xa7: {  	v3 =	vld [tilespmem:$0xD0];
	_ =	sdelay $0x4  }
0xa8: {  	v61 =	vshll.u32 v3, $0x1  }
0xa9: {  	v3 =	vand.u32 $0x7, v3;
	v4 =	vand.u32 $0xFFFFFFF0, v61  }
0xaa: {  	v3 =	vor.u32 v3, v4  }
0xab: {  	v4 =	vperm.xlane v3, v0;
	_ =	sdelay $0x1  }
0xac: {  	v3 =	vperm.xlane v3, v2;
	v4 =	vadd.s32 v1, v4;
	_ =	sdelay $0x1  }
0xad: {  	v3 =	vadd.s32 v1, v3;
	_ =	sdelay $0x2  }
0xae: {  	[tilespmem:s23], [sflag:$0x1] =	stream.indirect_vreg.gather [hbm4b:s3+s2], $0x80, v4, vm0, $0xb8;
	[tilespmem:$0x10100] =	vst v63  }
0xaf: {  	_ = 	snop  }
0xb0: {  	[tilespmem:s24], [sflag:$0x1] =	stream.indirect_vreg.gather [hbm4b:s3+s2], $0x80, v3, vm0, $0xb8;
	[tilespmem:$0x10100] =	vst v63  }
0xb1: {  	v3 =	vld [tilespmem:$0xE0];
	_ =	sdelay $0x4  }
0xb2: {  	v62 =	vshll.u32 v3, $0x1  }
0xb3: {  	v3 =	vand.u32 $0x7, v3;
	v4 =	vand.u32 $0xFFFFFFF0, v62  }
0xb4: {  	v3 =	vor.u32 v3, v4  }
0xb5: {  	v4 =	vperm.xlane v3, v0;
	_ =	sdelay $0x1  }
0xb6: {  	v3 =	vperm.xlane v3, v2;
	v4 =	vadd.s32 v1, v4;
	_ =	sdelay $0x1  }
0xb7: {  	v3 =	vadd.s32 v1, v3;
	_ =	sdelay $0x2  }
0xb8: {  	[tilespmem:s25], [sflag:$0x1] =	stream.indirect_vreg.gather [hbm4b:s3+s2], $0x80, v4, vm0, $0xb8;
	[tilespmem:$0x10100] =	vst v63  }
0xb9: {  	_ = 	snop  }
0xba: {  	[tilespmem:s26], [sflag:$0x1] =	stream.indirect_vreg.gather [hbm4b:s3+s2], $0x80, v3, vm0, $0xb8;
	[tilespmem:$0x10100] =	vst v63  }
0xbb: {  	v3 =	vld [tilespmem:$0xF0];
	_ =	sdelay $0x4  }
0xbc: {  	v63 =	vshll.u32 v3, $0x1  }
0xbd: {  	v3 =	vand.u32 $0x7, v3;
	v4 =	vand.u32 $0xFFFFFFF0, v63  }
0xbe: {  	v3 =	vor.u32 v3, v4  }
0xbf: {  	v4 =	vperm.xlane v3, v0;
	_ =	sdelay $0x1  }
0xc0: {  	v3 =	vperm.xlane v3, v2;
	v4 =	vadd.s32 v1, v4;
	_ =	sdelay $0x1  }
0xc1: {  	v3 =	vadd.s32 v1, v3;
	_ =	sdelay $0x2  }
0xc2: {  	[tilespmem:s28], [sflag:$0x1] =	stream.indirect_vreg.gather [hbm4b:s3+s2], $0x80, v4, vm0, $0xb8;
	[tilespmem:$0x10100] =	vst v63  }
0xc3: {  	_ = 	snop  }
0xc4: {  	[tilespmem:s29], [sflag:$0x1] =	stream.indirect_vreg.gather [hbm4b:s3+s2], $0x80, v3, vm0, $0xb8;
	[tilespmem:$0x10100] =	vst v63  }
0xc5: {  	_ =	swait.ge [sflag:s30], $0x10000  }
0xc6: {  	p0 =	sne.s32 s0, $0xE0;
	[sflag:s30] =	ssyncset.done $0x0  }
.Ltmp0:
0xc7: {  	[sflag:s30] =	ssyncadd.s32 $0xFFFF0000;
	(pc) =	sbr.rel @p0 .LBB2_2-.Ltmp0, $4  }
0xc8: {  	[hbm4b:s5+s2] =	stream.linear.scatter [tilespmem:s7], [sflag:$0x2], $0x10000, $0x38;
	[tilespmem:$0x10100] =	vst v63  }
0xc9: {  	_ =	swait.ge [sflag:s6], $0x10000  }
0xca: {  	[sflag:s6] =	ssyncset.done $0x0  }
0xcb: {  	s0 =	sadd.s32 $0x20, s0;
	s5 =	sadd.s32 $0x2000, s5;
	[sflag:s6] =	ssyncadd.s32 $0xFFFF0000  }
0xcc: {  	s31 =	sadd.s32 $0x1, s31;
	s0 =	rddreg [dreg:$0xd]  }
0xcd: {  	p0 =	sne.s32 s31, s0  }
.Ltmp1:
0xce: {  	_ = 	snop;
	(pc) =	sbr.rel @p0 .LBB2_1-.Ltmp1, $1  }
0xcf: {  	_ =	sdelay $0x3  }
0xd0: {  	_ =	sfence.sel $0x180000  }
0xd1: {  	[bflag:$0x0] =	sbarrier.arrive $0xFFFF  }
0xd2: {  	_ =	strace $0x90000050  }
0xd3: {  	s0 =	stileid.u32;
	[bflag:$0x2] =	sbarrier.arrive $0xFFFF  }
0xd4: {  	p0 =	sne.s32 s0, $0x0;
	s0 =	rddreg [dreg:$0x1]  }
0xd5: {  	s0 =	sadd.s32 @!p0 $0x100000, s0  }
0xd6: {  	[sflag:s0] =	ssyncadd.tile.s32 @!p0 $0x1;
	_ =	shalt  }
.Lfunc_end2:
_tile_overlayer_lowered:
.L_overlay_start_2:
0xd7: {  	(tag) =	ssettag $0x2  }
0xd8: {  	s0 =	rddreg [dreg:$0x0];
	s2 =	stileid.u32  }
0xd9: {  	s1 =	rddreg [dreg:$0x1];
	p0 =	sne.s32 s2, $0x0  }
0xda: {  	s3 =	rddreg [dreg:$0x2];
	[bflag:$0x3] =	sbarrier.arrive $0xFFFF;
	s2 =	simm.s32 @!p0 $0x1C02  }
0xdb: {  	[timem:s3], [sflag:s2] =	dma.local @!p0 [hbm:s0], s1  }
0xdc: {  	s0 =	simm.s32 @!p0 $0x2  }
0xdd: {  	_ =	swait.ge @!p0 [sflag:s0], s1  }
0xde: {  	s1 =	ssub.s32 @!p0 $0x0, s1;
	[sflag:s0] =	ssyncset.done @!p0 $0x0  }
0xdf: {  	[sflag:s0] =	ssyncadd.s32 @!p0 s1  }
0xe0: {  	[bflag:$0x3] =	sbarrier.arrive $0xFFFF  }
0xe1: {  	_ =	shalt  }

// kernel: _run.21.cloned.1.call-start
scs
__scs_entry_jumppad:
0x0: {  	(pc) =	sbr.rel $0x88, $3  }
0x1: {  	(tag) =	ssettag $0x0;
	lr =	simm.s32 $0x1  }
0x2: {  	[smem:$0x3F98] =	sst lr;
	_ =	strace $0xD0000000  }
0x3: {  	_ = 	snop  }
0x4: {  	_ = 	snop  }
0x5: {  	_ = 	snop  }
0x6: {  	_ = 	snop  }
0x7: {  	_ = 	snop  }
__scs_overlays_trampoline_lowered:
0x8: {  	[smem:$0x3FA7] =	sst s0  }
0x9: {  	[smem:$0x3FA8] =	sst s1  }
0xa: {  	[smem:$0x3FA9] =	sst s2  }
0xb: {  	[smem:$0x3FAA] =	sst s3  }
0xc: {  	[smem:$0x3FAB] =	sst s4  }
0xd: {  	[smem:$0x3FAC] =	sst s5  }
0xe: {  	[smem:$0x3FAD] =	sst s6  }
0xf: {  	[smem:$0x3FAE] =	sst s7  }
0x10: {  	[smem:$0x3FAF] =	sst s8  }
0x11: {  	[smem:$0x3FB0] =	sst s9;
	s0 =	simm.s32 @!p0 $0x0  }
0x12: {  	s1 =	sld [smem:$0x3F96];
	s0 =	simm.s32 @p0 $0x1  }
0x13: {  	[smem:$0x3FB1] =	sst s0;
	s0 =	simm.s32 @!p1 $0x0  }
0x14: {  	s2 =	sld [smem:$0x3F95];
	s0 =	simm.s32 @p1 $0x1  }
0x15: {  	[smem:$0x3FB2] =	sst s0;
	s0 =	simm.s32 @!p2 $0x0  }
0x16: {  	s3 =	sld [smem:$0x3FDB];
	s0 =	simm.s32 @p2 $0x1  }
0x17: {  	s4 =	simm.s32 $0x1BF5;
	[smem:$0x3FB4] =	sst s0  }
0x18: {  	s0 =	sld [smem:$0x3F97];
	_ =	swait.ge [sflag:s4], $0x0  }
0x19: {  	s7 =	sld [smem:$0x3F98]  }
0x1a: {  	s8 =	sadd.s32 $0xFFFFE003, lr  }
0x1b: {  	s9 =	sadd.s32 $0xFFFFFEF7, lr;
	s5 =	simm.s32 $0xFFFFFFFF;
	p2 =	slt.u32 s8, $0xFFFFF086  }
0x1c: {  	p1 =	slt.u32 s9, $0xF7A;
	s5 =	simm.s32 @!p2 $0x0  }
0x1d: {  	s5 =	simm.s32 @p1 $0x1;
	p0 =	seq.s32 s7, s2  }
0x1e: {  	s7 =	smul.u32 @!p0 $0xF7A, s2;
	p2 =	seq.s32 @!p0 s5, $0x0  }
0x1f: {  	s9 =	smul.u32 $0xF7A, s1;
	s8 =	simm.s32 @!p0 $0x1BF5;
	p2 =	por !p2, p0  }
0x20: {  	[sflag:s8] =	ssyncset.s32 @!p0 $0xFFFFF086;
	s6 =	sadd.s32 @!p0 s3, s7;
	s7 =	simm.s32 @!p0 $0x108  }
0x21: {  	s3 =	sadd.s32 s3, s9;
	s6 =	sadd.s32 @!p0 $0x88, s6;
	s7 =	simm.s32 @p2 $0x1082  }
0x22: {  	[simem:s7], [sflag:s8] =	dma.local @!p0 [hbm:s6], $0xF7A  }
0x23: {  	s9 =	sor.u32 $0xD0000000, s2;
	s6 =	simm.s32 $0x108;
	_ =	swait.ge @!p0 [sflag:s8], $0x0  }
0x24: {  	s3 =	sadd.s32 $0x88, s3;
	s6 =	simm.s32 @!p1 $0x1082;
	[sflag:s4] =	ssyncset.s32 $0xFFFFF086  }
0x25: {  	[simem:s6], [sflag:s4] =	dma.local [hbm:s3], $0xF7A  }
0x26: {  	[smem:$0x3F98] =	sst s1;
	(tag) =	ssettag s2;
	_ =	strace s9  }
0x27: {  	s1 =	sld [smem:$0x3FA8]  }
0x28: {  	s2 =	sld [smem:$0x3FA9]  }
0x29: {  	s4 =	sld [smem:$0x3FAB]  }
0x2a: {  	p0 =	seq.s32 s5, $0x0;
	s5 =	sld [smem:$0x3FAC]  }
0x2b: {  	s6 =	sld [smem:$0x3FAD]  }
0x2c: {  	s7 =	sld [smem:$0x3FAE]  }
0x2d: {  	s3 =	simm.s32 $0x108;
	s8 =	sld [smem:$0x3FAF]  }
0x2e: {  	s3 =	simm.s32 @!p0 $0x1082;
	s9 =	sld [smem:$0x3FB0]  }
0x2f: {  	lr =	sadd.s32 s0, s3;
	s0 =	sld [smem:$0x3FA7]  }
0x30: {  	s3 =	sld [smem:$0x3FAA]  }
0x31: {  	[smem:$0x3FB3] =	sst s10  }
0x32: {  	s10 =	sld [smem:$0x3FB1];
	_ =	sdelay $0x3  }
0x33: {  	p0 =	seq.s32 s10, $0x1;
	s10 =	sld [smem:$0x3FB3];
	_ =	sdelay $0x3  }
0x34: {  	[smem:$0x3FB3] =	sst s10  }
0x35: {  	s10 =	sld [smem:$0x3FB2];
	_ =	sdelay $0x3  }
0x36: {  	p1 =	seq.s32 s10, $0x1;
	s10 =	sld [smem:$0x3FB3];
	_ =	sdelay $0x3  }
0x37: {  	[smem:$0x3FB3] =	sst s10  }
0x38: {  	s10 =	sld [smem:$0x3FB4]  }
0x39: {  	_ = 	snop;
	(pc) =	sbr.ind lr, $3  }
0x3a: {  	_ = 	snop  }
0x3b: {  	_ = 	snop  }
0x3c: {  	p2 =	seq.s32 s10, $0x1;
	s10 =	sld [smem:$0x3FB3]  }
0x3d: {  	_ =	shalt  }
0x3e: {  	_ =	shalt  }
0x3f: {  	_ =	shalt  }
0x40: {  	_ =	shalt  }
0x41: {  	_ =	shalt  }
0x42: {  	_ =	shalt  }
0x43: {  	_ =	shalt  }
0x44: {  	_ =	shalt  }
0x45: {  	_ =	shalt  }
0x46: {  	_ =	shalt  }
0x47: {  	_ =	shalt  }
0x48: {  	_ =	shalt  }
0x49: {  	_ =	shalt  }
0x4a: {  	_ =	shalt  }
0x4b: {  	_ =	shalt  }
0x4c: {  	_ =	shalt  }
0x4d: {  	_ =	shalt  }
0x4e: {  	_ =	shalt  }
0x4f: {  	_ =	shalt  }
0x50: {  	_ =	shalt  }
0x51: {  	_ =	shalt  }
0x52: {  	_ =	shalt  }
0x53: {  	_ =	shalt  }
0x54: {  	_ =	shalt  }
0x55: {  	_ =	shalt  }
0x56: {  	_ =	shalt  }
0x57: {  	_ =	shalt  }
0x58: {  	_ =	shalt  }
0x59: {  	_ =	shalt  }
0x5a: {  	_ =	shalt  }
0x5b: {  	_ =	shalt  }
0x5c: {  	_ =	shalt  }
0x5d: {  	_ =	shalt  }
0x5e: {  	_ =	shalt  }
0x5f: {  	_ =	shalt  }
0x60: {  	_ =	shalt  }
0x61: {  	_ =	shalt  }
0x62: {  	_ =	shalt  }
0x63: {  	_ =	shalt  }
0x64: {  	_ =	shalt  }
0x65: {  	_ =	shalt  }
0x66: {  	_ =	shalt  }
0x67: {  	_ =	shalt  }
0x68: {  	_ =	shalt  }
0x69: {  	_ =	shalt  }
0x6a: {  	_ =	shalt  }
0x6b: {  	_ =	shalt  }
0x6c: {  	_ =	shalt  }
0x6d: {  	_ =	shalt  }
0x6e: {  	_ =	shalt  }
0x6f: {  	_ =	shalt  }
0x70: {  	_ =	shalt  }
0x71: {  	_ =	shalt  }
0x72: {  	_ =	shalt  }
0x73: {  	_ =	shalt  }
0x74: {  	_ =	shalt  }
0x75: {  	_ =	shalt  }
0x76: {  	_ =	shalt  }
0x77: {  	_ =	shalt  }
0x78: {  	_ =	shalt  }
0x79: {  	_ =	shalt  }
0x7a: {  	_ =	shalt  }
0x7b: {  	_ =	shalt  }
0x7c: {  	_ =	shalt  }
0x7d: {  	_ =	shalt  }
0x7e: {  	_ =	shalt  }
0x7f: {  	_ =	shalt  }
0x80: {  	_ =	shalt  }
0x81: {  	_ =	shalt  }
0x82: {  	_ =	shalt  }
0x83: {  	_ =	shalt  }
0x84: {  	_ =	shalt  }
0x85: {  	_ =	shalt  }
0x86: {  	_ =	shalt  }
0x87: {  	_ =	shalt  }
.Lfunc_end0:
.L_simem_size_0:
called_computation.2_lowered:
.L_overlay_start_0:
0x88: {  	s2 =	sld [smem:$0x3FD9]  }
0x89: {  	s3 =	sld [smem:$0x3FFE];
	_ =	sdelay $0x1  }
0x8a: {  	s1 =	srdreg.scid  }
0x8b: {  	s0 =	sand.u32 $0x1, s1  }
0x8c: {  	s17 =	sshll.u32 s0, $0xA;
	s2 =	sadd.s32 s3, s2  }
0x8d: {  	s2 =	sadd.s32 s2, s17  }
0x8e: {  	[smem:$0x3FBF] =	sst s2  }
0x8f: {  	_ = 	snop  }
0x90: {  	(tm) =	ssettm $0x1  }
0x91: {  	s18 =	sld [smem:$0x3FFB];
	_ =	sdelay $0x3  }
0x92: {  	_ =	strace s18  }
0x93: {  	s2 =	sld [smem:$0x3FFC];
	_ =	sdelay $0x3  }
0x94: {  	_ =	strace s2  }
0x95: {  	s2 =	sld [smem:$0x3FFD];
	_ =	sdelay $0x3  }
0x96: {  	_ =	strace s2  }
0x97: {  	_ =	strace $0x8FFFFFFF  }
0x98: {  	s19 =	sld [smem:$0x3FDB];
	_ =	sdelay $0x1  }
0x99: {  	s20 =	simm.s32 $_scs_section_size  }
0x9a: {  	s4 =	simm.s32 $_size__tile_overlayer_lowered;
	s5 =	simm.s32 $_tile_overlayer_lowered  }
0x9b: {  	s6 =	simm.s32 $0x1BFF;
	s21 =	sshll.u32 s5, $0x1;
	s3 =	sadd.s32 s20, s19  }
0x9c: {  	s22 =	simm.s32 $0x0;
	s4 =	sshll.u32 s4, $0x1;
	s5 =	sadd.s32 s21, s3  }
0x9d: {  	[timem:s22], [sflag:s6] =	dma.local [hbm:s5], s4  }
0x9e: {  	_ =	swait.ge [sflag:s6], s4  }
0x9f: {  	s4 =	ssub.s32 $0x0, s4;
	[sflag:s6] =	ssyncset.done $0x0  }
0xa0: {  	[sflag:s6] =	ssyncadd.s32 s4;
	_ =	sdelay $0x1  }
0xa1: {  	s23 =	simm.s32 $0x1B8B  }
0xa2: {  	_ =	swait.ge [sflag:s23], $0x1  }
0xa3: {  	[sflag:s23] =	ssyncset.done $0x0  }
0xa4: {  	[sflag:s23] =	ssyncadd.s32 $0xFFFFFFFF  }
0xa5: {  	s4 =	sld [smem:$0x0]  }
0xa6: {  	s5 =	sand.u32 $0xFFFFFFFE, s1  }
0xa7: {  	p0 =	sne.s32 s1, s5  }
0xa8: {  	s5 =	sshll.u32 @p0 s5, $0xE  }
0xa9: {  	s5 =	sadd.s32 @p0 $0x11B8D, s5;
	s6 =	sshll.u32 @p0 s4, $0x11  }
0xaa: {  	s5 =	sor.u32 @p0 s6, s5  }
0xab: {  	[sflag:s5] =	ssyncadd.remote.s32 @p0 $0x1;
	_ =	sdelay $0x1  }
0xac: {  	s5 =	simm.s32 @p0 $0x1B8D  }
0xad: {  	_ =	swait.eq @p0 [sflag:s5], $0x1  }
0xae: {  	[sflag:s5] =	ssyncadd.s32 @p0 $0xFFFFFFFF  }
0xaf: {  	s6 =	sshll.u32 @!p0 s1, $0xE  }
0xb0: {  	s6 =	sor.u32 @!p0 $0x4000, s6;
	s5 =	simm.s32 @!p0 $0x1B8D  }
0xb1: {  	s4 =	sshll.u32 @!p0 s4, $0x11;
	s6 =	sadd.s32 @!p0 $0x11B8D, s6;
	_ =	swait.eq @!p0 [sflag:s5], $0x1  }
0xb2: {  	s4 =	sor.u32 @!p0 s4, s6;
	[sflag:s5] =	ssyncadd.s32 @!p0 $0xFFFFFFFF  }
0xb3: {  	s25 =	simm.s32 $0x1B8E;
	s24 =	sld [smem:$0x3FFE];
	[sflag:s4] =	ssyncadd.remote.s32 @!p0 $0x1  }
0xb4: {  	s26 =	simm.s32 $execute0_lowered;
	[smem:$0x3FD2] =	sst s25  }
0xb5: {  	s5 =	sshll.u32 s26, $0x1;
	_ =	strace $0x8000004C;
	[dreg:$0x1] =	wrdreg $0xFFFFFFFF  }
0xb6: {  	s28 =	simm.s32 $_size_execute0_lowered;
	s3 =	sadd.s32 s3, s5;
	[dreg:$0x0] =	wrdreg $0x0  }
0xb7: {  	s5 =	sshll.u32 s28, $0x1;
	[dreg:$0x2] =	wrdreg s3  }
0xb8: {  	[dreg:$0x3] =	wrdreg s5  }
0xb9: {  	[dreg:$0x4] =	wrdreg $0xC0  }
0xba: {  	_ =	task [dreg:s22], $0x5FFFF  }
0xbb: {  	[dreg:$0x1] =	wrdreg $0xFFFFFFFF  }
0xbc: {  	[dreg:$0x0] =	wrdreg $0x60  }
0xbd: {  	[dreg:$0x2] =	wrdreg s24  }
0xbe: {  	[dreg:$0x3] =	wrdreg $0xB  }
0xbf: {  	_ =	task.clear_ibuf [dreg:s22], $0x4FFFF;
	_ =	strace $0x9000004C  }
0xc0: {  	s29 =	simm.s32 $0xB;
	_ =	strace $0x8000004E  }
0xc1: {  	_ =	swait.ge [sflag:s29], $0x1  }
0xc2: {  	[sflag:s29] =	ssyncadd.s32 $0xFFFFFFFF  }
0xc3: {  	_ =	strace $0x9000004E  }
0xc4: {  	_ =	sfence  }
0xc5: {  	s30 =	sld [smem:$0x0];
	_ =	sdelay $0x2  }
0xc6: {  	s31 =	sshll.u32 s1, $0xD;
	s1 =	sshrl.u32 s1, $0x2  }
0xc7: {  	s4 =	sand.u32 $0x4000, s31;
	s1 =	sadd.s32 s1, s30  }
0xc8: {  	s0 =	sor.u32 s4, s0;
	s1 =	sshll.u32 s1, $0x11  }
0xc9: {  	s0 =	sor.u32 s1, s0  }
0xca: {  	s0 =	sadd.s32 $0x8F2B, s0  }
0xcb: {  	[sflag:s0] =	ssyncadd.remote.s32 $0x1  }
0xcc: {  	_ =	sfence.sel $0xFFFF  }
0xcd: {  	[dreg:$0x0] =	wrdreg $0xFFFFFFFF;
	(pc) =	sbr.abs _section_cstart, $3  }
0xce: {  	[dreg:$0x1] =	wrdreg $0xFFFFFFFF  }
0xcf: {  	_ =	task.clear_ibuf [dreg:s22], $0x2FFFF;
	_ =	strace $0x9FFFFFFF  }
0xd0: {  	(tm) =	ssettm $0x7FFFFFFF  }
0xd1: {  	_ =	shalt  }
tec
execute0_lowered:
.L_overlay_start_1:
0x0: {  	(tag) =	ssettag $0x1  }
0x1: {  	s0 =	srdreg.scid;
	s5 =	stileid.u32  }
0x2: {  	s1 =	rddreg [dreg:$0x0];
	s2 =	simm.s32 $0x0;
	s15 =	simm.s32 $0x900  }
0x3: {  	s17 =	simm.s32 $0x1100;
	s18 =	simm.s32 $0x1900;
	s19 =	simm.s32 $0x2100  }
0x4: {  	s21 =	simm.s32 $0x2900;
	s22 =	simm.s32 $0x3100;
	s23 =	simm.s32 $0x3900  }
0x5: {  	s24 =	simm.s32 $0x4100;
	s25 =	simm.s32 $0x4900;
	[smem:$0x7FF] =	sst s2  }
0x6: {  	s7 =	simm.s32 $0x100;
	_ =	strace $0x8000004D;
	[dreg:$0x3] =	wrdreg s15  }
0x7: {  	s26 =	simm.s32 $0x5100;
	s8 =	simm.s32 $0x5900;
	[dreg:$0x4] =	wrdreg s17  }
0x8: {  	s9 =	simm.s32 $0x6100;
	s10 =	simm.s32 $0x6900;
	[dreg:$0x5] =	wrdreg s18  }
0x9: {  	s11 =	simm.s32 $0x7100;
	s12 =	simm.s32 $0x7900;
	[dreg:$0x6] =	wrdreg s19  }
0xa: {  	s13 =	simm.s32 $0x8100;
	s28 =	simm.s32 $0xF100;
	[dreg:$0x7] =	wrdreg s21  }
0xb: {  	s29 =	simm.s32 $0xF900;
	s30 =	simm.s32 $0x1;
	[dreg:$0x8] =	wrdreg s22  }
0xc: {  	s31 =	simm.s32 $0x0;
	s0 =	sand.u32 $0x1, s0;
	[dreg:$0x9] =	wrdreg s23  }
0xd: {  	s3 =	sshll.u32 s5, $0xC;
	s5 =	sshll.u32 s5, $0x11;
	[dreg:$0xa] =	wrdreg s24  }
0xe: {  	s4 =	sshll.u32 s0, $0xB;
	s16 =	ssub.s32 $0x2, s0;
	[dreg:$0xb] =	wrdreg s25  }
0xf: {  	s0 =	sshll.u32 s0, $0x10;
	[dreg:$0xc] =	wrdreg s26;
	s15 =	simm.s32 $0x9100  }
0x10: {  	s17 =	simm.s32 $0xA100;
	s18 =	simm.s32 $0xA900;
	s19 =	simm.s32 $0xB100  }
0x11: {  	s21 =	simm.s32 $0xC100;
	s22 =	simm.s32 $0xC900;
	s23 =	simm.s32 $0xD100  }
0x12: {  	s24 =	simm.s32 $0xD900;
	s25 =	simm.s32 $0xE100;
	s3 =	sor.u32 s4, s3  }
0x13: {  	s26 =	simm.s32 $0xE900;
	s6 =	sshrl.u32 s16, $0x1;
	s3 =	sshrl.u32 s3, $0x3  }
0x14: {  	s14 =	sadd.s32 s3, s1;
	s3 =	sadd.s32 $0x33200, s1;
	s1 =	sadd.s32 s5, s1  }
0x15: {  	s5 =	ssub.s32 s16, s6;
	s6 =	simm.s32 $0x2;
	s4 =	sadd.s32 $0x3200, s14  }
0x16: {  	v2 =	vlaneseq.u32;
	s20 =	smax.u32 s5, $0x1;
	s0 =	sadd.s32 s0, s1;
	[dreg:$0x2] =	wrdreg s4  }
0x17: {  	vm0 =	vmmov $0xffff;
	v1 =	vshrl.u32 v2, $0x3;
	s16 =	simm.s32 $0x9900;
	[dreg:$0xd] =	wrdreg s20;
	s0 =	sadd.s32 $0x465200, s0  }
0x18: {  	v0 =	vand.u32 $0x7, v2;
	v2 =	vor.u32 $0x8, v2;
	v1 =	vmul.u32 $0x8, v1;
	s14 =	simm.s32 $0x8900;
	s20 =	simm.s32 $0xB900;
	[dreg:$0xe] =	wrdreg s0  }
.LBB2_1:
0x19: {  	s5 =	rddreg [dreg:$0xe];
	s0 =	simm.s32 $0x0  }
.LBB2_2:
0x1a: {  	s4 =	rddreg [dreg:$0x2]  }
0x1b: {  	s4 =	sadd.s32 s0, s4  }
0x1c: {  	[tilespmem:s2], [sflag:$0x2] =	stream.linear.gather [hbm4b:s4+s2], $0x100, $0x38;
	[tilespmem:$0x10100] =	vst v63  }
0x1d: {  	_ =	swait.ge [sflag:s6], $0x100  }
0x1e: {  	[sflag:s6] =	ssyncset.done $0x0  }
0x1f: {  	[sflag:s6] =	ssyncadd.s32 $0xFFFFFF00  }
0x20: {  	v3 =	vld [tilespmem:$0x0];
	_ =	sdelay $0x4  }
0x21: {  	v4 =	vshll.u32 v3, $0x1  }
0x22: {  	v3 =	vand.u32 $0x7, v3;
	v4 =	vand.u32 $0xFFFFFFF0, v4  }
0x23: {  	v3 =	vor.u32 v3, v4  }
0x24: {  	v4 =	vperm.xlane v3, v0;
	_ =	sdelay $0x1  }
0x25: {  	v3 =	vperm.xlane v3, v2;
	v4 =	vadd.s32 v1, v4;
	_ =	sdelay $0x1  }
0x26: {  	v3 =	vadd.s32 v1, v3;
	_ =	sdelay $0x2  }
0x27: {  	[tilespmem:s7], [sflag:$0x1] =	stream.indirect_vreg.gather [hbm4b:s3+s2], $0x80, v4, vm0, $0xb8;
	[tilespmem:$0x10100] =	vst v63  }
0x28: {  	s1 =	rddreg [dreg:$0x3]  }
0x29: {  	[tilespmem:s1], [sflag:$0x1] =	stream.indirect_vreg.gather [hbm4b:s3+s2], $0x80, v3, vm0, $0xb8;
	[tilespmem:$0x10100] =	vst v63  }
0x2a: {  	v3 =	vld [tilespmem:$0x10];
	_ =	sdelay $0x4  }
0x2b: {  	v49 =	vshll.u32 v3, $0x1  }
0x2c: {  	v3 =	vand.u32 $0x7, v3;
	v4 =	vand.u32 $0xFFFFFFF0, v49  }
0x2d: {  	v3 =	vor.u32 v3, v4  }
0x2e: {  	v4 =	vperm.xlane v3, v0;
	_ =	sdelay $0x1  }
0x2f: {  	v3 =	vperm.xlane v3, v2;
	v4 =	vadd.s32 v1, v4;
	_ =	sdelay $0x1  }
0x30: {  	v3 =	vadd.s32 v1, v3;
	_ =	sdelay $0x1  }
0x31: {  	s4 =	rddreg [dreg:$0x4]  }
0x32: {  	[tilespmem:s4], [sflag:$0x1] =	stream.indirect_vreg.gather [hbm4b:s3+s2], $0x80, v4, vm0, $0xb8;
	[tilespmem:$0x10100] =	vst v63  }
0x33: {  	s1 =	rddreg [dreg:$0x5]  }
0x34: {  	[tilespmem:s1], [sflag:$0x1] =	stream.indirect_vreg.gather [hbm4b:s3+s2], $0x80, v3, vm0, $0xb8;
	[tilespmem:$0x10100] =	vst v63  }
0x35: {  	v3 =	vld [tilespmem:$0x20];
	_ =	sdelay $0x4  }
0x36: {  	v50 =	vshll.u32 v3, $0x1  }
0x37: {  	v3 =	vand.u32 $0x7, v3;
	v4 =	vand.u32 $0xFFFFFFF0, v50  }
0x38: {  	v3 =	vor.u32 v3, v4  }
0x39: {  	v4 =	vperm.xlane v3, v0;
	_ =	sdelay $0x1  }
0x3a: {  	v3 =	vperm.xlane v3, v2;
	v4 =	vadd.s32 v1, v4;
	_ =	sdelay $0x1  }
0x3b: {  	v3 =	vadd.s32 v1, v3;
	_ =	sdelay $0x1  }
0x3c: {  	s1 =	rddreg [dreg:$0x6]  }
0x3d: {  	[tilespmem:s1], [sflag:$0x1] =	stream.indirect_vreg.gather [hbm4b:s3+s2], $0x80, v4, vm0, $0xb8;
	[tilespmem:$0x10100] =	vst v63  }
0x3e: {  	s4 =	rddreg [dreg:$0x7]  }
0x3f: {  	[tilespmem:s4], [sflag:$0x1] =	stream.indirect_vreg.gather [hbm4b:s3+s2], $0x80, v3, vm0, $0xb8;
	[tilespmem:$0x10100] =	vst v63  }
0x40: {  	v3 =	vld [tilespmem:$0x30];
	_ =	sdelay $0x4  }
0x41: {  	v51 =	vshll.u32 v3, $0x1  }
0x42: {  	v3 =	vand.u32 $0x7, v3;
	v4 =	vand.u32 $0xFFFFFFF0, v51  }
0x43: {  	v3 =	vor.u32 v3, v4  }
0x44: {  	v4 =	vperm.xlane v3, v0;
	_ =	sdelay $0x1  }
0x45: {  	v3 =	vperm.xlane v3, v2;
	v4 =	vadd.s32 v1, v4;
	_ =	sdelay $0x1  }
0x46: {  	v3 =	vadd.s32 v1, v3;
	_ =	sdelay $0x1  }
0x47: {  	s1 =	rddreg [dreg:$0x8]  }
0x48: {  	[tilespmem:s1], [sflag:$0x1] =	stream.indirect_vreg.gather [hbm4b:s3+s2], $0x80, v4, vm0, $0xb8;
	[tilespmem:$0x10100] =	vst v63  }
0x49: {  	s4 =	rddreg [dreg:$0x9]  }
0x4a: {  	[tilespmem:s4], [sflag:$0x1] =	stream.indirect_vreg.gather [hbm4b:s3+s2], $0x80, v3, vm0, $0xb8;
	[tilespmem:$0x10100] =	vst v63  }
0x4b: {  	v3 =	vld [tilespmem:$0x40];
	_ =	sdelay $0x4  }
0x4c: {  	v52 =	vshll.u32 v3, $0x1  }
0x4d: {  	v3 =	vand.u32 $0x7, v3;
	v4 =	vand.u32 $0xFFFFFFF0, v52  }
0x4e: {  	v3 =	vor.u32 v3, v4  }
0x4f: {  	v4 =	vperm.xlane v3, v0;
	_ =	sdelay $0x1  }
0x50: {  	v3 =	vperm.xlane v3, v2;
	v4 =	vadd.s32 v1, v4;
	_ =	sdelay $0x1  }
0x51: {  	v3 =	vadd.s32 v1, v3;
	_ =	sdelay $0x1  }
0x52: {  	s1 =	rddreg [dreg:$0xa]  }
0x53: {  	[tilespmem:s1], [sflag:$0x1] =	stream.indirect_vreg.gather [hbm4b:s3+s2], $0x80, v4, vm0, $0xb8;
	[tilespmem:$0x10100] =	vst v63  }
0x54: {  	s4 =	rddreg [dreg:$0xb]  }
0x55: {  	[tilespmem:s4], [sflag:$0x1] =	stream.indirect_vreg.gather [hbm4b:s3+s2], $0x80, v3, vm0, $0xb8;
	[tilespmem:$0x10100] =	vst v63  }
0x56: {  	v3 =	vld [tilespmem:$0x50];
	_ =	sdelay $0x4  }
0x57: {  	v53 =	vshll.u32 v3, $0x1  }
0x58: {  	v3 =	vand.u32 $0x7, v3;
	v4 =	vand.u32 $0xFFFFFFF0, v53  }
0x59: {  	v3 =	vor.u32 v3, v4  }
0x5a: {  	v4 =	vperm.xlane v3, v0;
	_ =	sdelay $0x1  }
0x5b: {  	v3 =	vperm.xlane v3, v2;
	v4 =	vadd.s32 v1, v4;
	_ =	sdelay $0x1  }
0x5c: {  	v3 =	vadd.s32 v1, v3;
	_ =	sdelay $0x1  }
0x5d: {  	s4 =	rddreg [dreg:$0xc]  }
0x5e: {  	[tilespmem:s4], [sflag:$0x1] =	stream.indirect_vreg.gather [hbm4b:s3+s2], $0x80, v4, vm0, $0xb8;
	[tilespmem:$0x10100] =	vst v63  }
0x5f: {  	_ = 	snop  }
0x60: {  	[tilespmem:s8], [sflag:$0x1] =	stream.indirect_vreg.gather [hbm4b:s3+s2], $0x80, v3, vm0, $0xb8;
	[tilespmem:$0x10100] =	vst v63  }
0x61: {  	v3 =	vld [tilespmem:$0x60];
	_ =	sdelay $0x4  }
0x62: {  	v54 =	vshll.u32 v3, $0x1  }
0x63: {  	v3 =	vand.u32 $0x7, v3;
	v4 =	vand.u32 $0xFFFFFFF0, v54  }
0x64: {  	v3 =	vor.u32 v3, v4  }
0x65: {  	v4 =	vperm.xlane v3, v0;
	_ =	sdelay $0x1  }
0x66: {  	v3 =	vperm.xlane v3, v2;
	v4 =	vadd.s32 v1, v4;
	_ =	sdelay $0x1  }
0x67: {  	v3 =	vadd.s32 v1, v3;
	_ =	sdelay $0x2  }
0x68: {  	[tilespmem:s9], [sflag:$0x1] =	stream.indirect_vreg.gather [hbm4b:s3+s2], $0x80, v4, vm0, $0xb8;
	[tilespmem:$0x10100] =	vst v63  }
0x69: {  	_ = 	snop  }
0x6a: {  	[tilespmem:s10], [sflag:$0x1] =	stream.indirect_vreg.gather [hbm4b:s3+s2], $0x80, v3, vm0, $0xb8;
	[tilespmem:$0x10100] =	vst v63  }
0x6b: {  	v3 =	vld [tilespmem:$0x70];
	_ =	sdelay $0x4  }
0x6c: {  	v55 =	vshll.u32 v3, $0x1  }
0x6d: {  	v3 =	vand.u32 $0x7, v3;
	v4 =	vand.u32 $0xFFFFFFF0, v55  }
0x6e: {  	v3 =	vor.u32 v3, v4  }
0x6f: {  	v4 =	vperm.xlane v3, v0;
	_ =	sdelay $0x1  }
0x70: {  	v3 =	vperm.xlane v3, v2;
	v4 =	vadd.s32 v1, v4;
	_ =	sdelay $0x1  }
0x71: {  	v3 =	vadd.s32 v1, v3;
	_ =	sdelay $0x2  }
0x72: {  	[tilespmem:s11], [sflag:$0x1] =	stream.indirect_vreg.gather [hbm4b:s3+s2], $0x80, v4, vm0, $0xb8;
	[tilespmem:$0x10100] =	vst v63  }
0x73: {  	_ = 	snop  }
0x74: {  	[tilespmem:s12], [sflag:$0x1] =	stream.indirect_vreg.gather [hbm4b:s3+s2], $0x80, v3, vm0, $0xb8;
	[tilespmem:$0x10100] =	vst v63  }
0x75: {  	v3 =	vld [tilespmem:$0x80];
	_ =	sdelay $0x4  }
0x76: {  	v56 =	vshll.u32 v3, $0x1  }
0x77: {  	v3 =	vand.u32 $0x7, v3;
	v4 =	vand.u32 $0xFFFFFFF0, v56  }
0x78: {  	v3 =	vor.u32 v3, v4  }
0x79: {  	v4 =	vperm.xlane v3, v0;
	_ =	sdelay $0x1  }
0x7a: {  	v3 =	vperm.xlane v3, v2;
	v4 =	vadd.s32 v1, v4;
	_ =	sdelay $0x1  }
0x7b: {  	v3 =	vadd.s32 v1, v3;
	_ =	sdelay $0x2  }
0x7c: {  	[tilespmem:s13], [sflag:$0x1] =	stream.indirect_vreg.gather [hbm4b:s3+s2], $0x80, v4, vm0, $0xb8;
	[tilespmem:$0x10100] =	vst v63  }
0x7d: {  	_ = 	snop  }
0x7e: {  	[tilespmem:s14], [sflag:$0x1] =	stream.indirect_vreg.gather [hbm4b:s3+s2], $0x80, v3, vm0, $0xb8;
	[tilespmem:$0x10100] =	vst v63  }
0x7f: {  	v3 =	vld [tilespmem:$0x90];
	_ =	sdelay $0x4  }
0x80: {  	v57 =	vshll.u32 v3, $0x1  }
0x81: {  	v3 =	vand.u32 $0x7, v3;
	v4 =	vand.u32 $0xFFFFFFF0, v57  }
0x82: {  	v3 =	vor.u32 v3, v4  }
0x83: {  	v4 =	vperm.xlane v3, v0;
	_ =	sdelay $0x1  }
0x84: {  	v3 =	vperm.xlane v3, v2;
	v4 =	vadd.s32 v1, v4;
	_ =	sdelay $0x1  }
0x85: {  	v3 =	vadd.s32 v1, v3;
	_ =	sdelay $0x2  }
0x86: {  	[tilespmem:s15], [sflag:$0x1] =	stream.indirect_vreg.gather [hbm4b:s3+s2], $0x80, v4, vm0, $0xb8;
	[tilespmem:$0x10100] =	vst v63  }
0x87: {  	_ = 	snop  }
0x88: {  	[tilespmem:s16], [sflag:$0x1] =	stream.indirect_vreg.gather [hbm4b:s3+s2], $0x80, v3, vm0, $0xb8;
	[tilespmem:$0x10100] =	vst v63  }
0x89: {  	v3 =	vld [tilespmem:$0xA0];
	_ =	sdelay $0x4  }
0x8a: {  	v58 =	vshll.u32 v3, $0x1  }
0x8b: {  	v3 =	vand.u32 $0x7, v3;
	v4 =	vand.u32 $0xFFFFFFF0, v58  }
0x8c: {  	v3 =	vor.u32 v3, v4  }
0x8d: {  	v4 =	vperm.xlane v3, v0;
	_ =	sdelay $0x1  }
0x8e: {  	v3 =	vperm.xlane v3, v2;
	v4 =	vadd.s32 v1, v4;
	_ =	sdelay $0x1  }
0x8f: {  	v3 =	vadd.s32 v1, v3;
	_ =	sdelay $0x2  }
0x90: {  	[tilespmem:s17], [sflag:$0x1] =	stream.indirect_vreg.gather [hbm4b:s3+s2], $0x80, v4, vm0, $0xb8;
	[tilespmem:$0x10100] =	vst v63  }
0x91: {  	_ = 	snop  }
0x92: {  	[tilespmem:s18], [sflag:$0x1] =	stream.indirect_vreg.gather [hbm4b:s3+s2], $0x80, v3, vm0, $0xb8;
	[tilespmem:$0x10100] =	vst v63  }
0x93: {  	v3 =	vld [tilespmem:$0xB0];
	_ =	sdelay $0x4  }
0x94: {  	v59 =	vshll.u32 v3, $0x1  }
0x95: {  	v3 =	vand.u32 $0x7, v3;
	v4 =	vand.u32 $0xFFFFFFF0, v59  }
0x96: {  	v3 =	vor.u32 v3, v4  }
0x97: {  	v4 =	vperm.xlane v3, v0;
	_ =	sdelay $0x1  }
0x98: {  	v3 =	vperm.xlane v3, v2;
	v4 =	vadd.s32 v1, v4;
	_ =	sdelay $0x1  }
0x99: {  	v3 =	vadd.s32 v1, v3;
	_ =	sdelay $0x2  }
0x9a: {  	[tilespmem:s19], [sflag:$0x1] =	stream.indirect_vreg.gather [hbm4b:s3+s2], $0x80, v4, vm0, $0xb8;
	[tilespmem:$0x10100] =	vst v63  }
0x9b: {  	_ = 	snop  }
0x9c: {  	[tilespmem:s20], [sflag:$0x1] =	stream.indirect_vreg.gather [hbm4b:s3+s2], $0x80, v3, vm0, $0xb8;
	[tilespmem:$0x10100] =	vst v63  }
0x9d: {  	v3 =	vld [tilespmem:$0xC0];
	_ =	sdelay $0x4  }
0x9e: {  	v60 =	vshll.u32 v3, $0x1  }
0x9f: {  	v3 =	vand.u32 $0x7, v3;
	v4 =	vand.u32 $0xFFFFFFF0, v60  }
0xa0: {  	v3 =	vor.u32 v3, v4  }
0xa1: {  	v4 =	vperm.xlane v3, v0;
	_ =	sdelay $0x1  }
0xa2: {  	v3 =	vperm.xlane v3, v2;
	v4 =	vadd.s32 v1, v4;
	_ =	sdelay $0x1  }
0xa3: {  	v3 =	vadd.s32 v1, v3;
	_ =	sdelay $0x2  }
0xa4: {  	[tilespmem:s21], [sflag:$0x1] =	stream.indirect_vreg.gather [hbm4b:s3+s2], $0x80, v4, vm0, $0xb8;
	[tilespmem:$0x10100] =	vst v63  }
0xa5: {  	_ = 	snop  }
0xa6: {  	[tilespmem:s22], [sflag:$0x1] =	stream.indirect_vreg.gather [hbm4b:s3+s2], $0x80, v3, vm0, $0xb8;
	[tilespmem:$0x10100] =	vst v63  }
0xa7: {  	v3 =	vld [tilespmem:$0xD0];
	_ =	sdelay $0x4  }
0xa8: {  	v61 =	vshll.u32 v3, $0x1  }
0xa9: {  	v3 =	vand.u32 $0x7, v3;
	v4 =	vand.u32 $0xFFFFFFF0, v61  }
0xaa: {  	v3 =	vor.u32 v3, v4  }
0xab: {  	v4 =	vperm.xlane v3, v0;
	_ =	sdelay $0x1  }
0xac: {  	v3 =	vperm.xlane v3, v2;
	v4 =	vadd.s32 v1, v4;
	_ =	sdelay $0x1  }
0xad: {  	v3 =	vadd.s32 v1, v3;
	_ =	sdelay $0x2  }
0xae: {  	[tilespmem:s23], [sflag:$0x1] =	stream.indirect_vreg.gather [hbm4b:s3+s2], $0x80, v4, vm0, $0xb8;
	[tilespmem:$0x10100] =	vst v63  }
0xaf: {  	_ = 	snop  }
0xb0: {  	[tilespmem:s24], [sflag:$0x1] =	stream.indirect_vreg.gather [hbm4b:s3+s2], $0x80, v3, vm0, $0xb8;
	[tilespmem:$0x10100] =	vst v63  }
0xb1: {  	v3 =	vld [tilespmem:$0xE0];
	_ =	sdelay $0x4  }
0xb2: {  	v62 =	vshll.u32 v3, $0x1  }
0xb3: {  	v3 =	vand.u32 $0x7, v3;
	v4 =	vand.u32 $0xFFFFFFF0, v62  }
0xb4: {  	v3 =	vor.u32 v3, v4  }
0xb5: {  	v4 =	vperm.xlane v3, v0;
	_ =	sdelay $0x1  }
0xb6: {  	v3 =	vperm.xlane v3, v2;
	v4 =	vadd.s32 v1, v4;
	_ =	sdelay $0x1  }
0xb7: {  	v3 =	vadd.s32 v1, v3;
	_ =	sdelay $0x2  }
0xb8: {  	[tilespmem:s25], [sflag:$0x1] =	stream.indirect_vreg.gather [hbm4b:s3+s2], $0x80, v4, vm0, $0xb8;
	[tilespmem:$0x10100] =	vst v63  }
0xb9: {  	_ = 	snop  }
0xba: {  	[tilespmem:s26], [sflag:$0x1] =	stream.indirect_vreg.gather [hbm4b:s3+s2], $0x80, v3, vm0, $0xb8;
	[tilespmem:$0x10100] =	vst v63  }
0xbb: {  	v3 =	vld [tilespmem:$0xF0];
	_ =	sdelay $0x4  }
0xbc: {  	v63 =	vshll.u32 v3, $0x1  }
0xbd: {  	v3 =	vand.u32 $0x7, v3;
	v4 =	vand.u32 $0xFFFFFFF0, v63  }
0xbe: {  	v3 =	vor.u32 v3, v4  }
0xbf: {  	v4 =	vperm.xlane v3, v0;
	_ =	sdelay $0x1  }
0xc0: {  	v3 =	vperm.xlane v3, v2;
	v4 =	vadd.s32 v1, v4;
	_ =	sdelay $0x1  }
0xc1: {  	v3 =	vadd.s32 v1, v3;
	_ =	sdelay $0x2  }
0xc2: {  	[tilespmem:s28], [sflag:$0x1] =	stream.indirect_vreg.gather [hbm4b:s3+s2], $0x80, v4, vm0, $0xb8;
	[tilespmem:$0x10100] =	vst v63  }
0xc3: {  	_ = 	snop  }
0xc4: {  	[tilespmem:s29], [sflag:$0x1] =	stream.indirect_vreg.gather [hbm4b:s3+s2], $0x80, v3, vm0, $0xb8;
	[tilespmem:$0x10100] =	vst v63  }
0xc5: {  	_ =	swait.ge [sflag:s30], $0x10000  }
0xc6: {  	p0 =	sne.s32 s0, $0xE0;
	[sflag:s30] =	ssyncset.done $0x0  }
.Ltmp0:
0xc7: {  	[sflag:s30] =	ssyncadd.s32 $0xFFFF0000;
	(pc) =	sbr.rel @p0 .LBB2_2-.Ltmp0, $4  }
0xc8: {  	[hbm4b:s5+s2] =	stream.linear.scatter [tilespmem:s7], [sflag:$0x2], $0x10000, $0x38;
	[tilespmem:$0x10100] =	vst v63  }
0xc9: {  	_ =	swait.ge [sflag:s6], $0x10000  }
0xca: {  	[sflag:s6] =	ssyncset.done $0x0  }
0xcb: {  	s0 =	sadd.s32 $0x20, s0;
	s5 =	sadd.s32 $0x2000, s5;
	[sflag:s6] =	ssyncadd.s32 $0xFFFF0000  }
0xcc: {  	s31 =	sadd.s32 $0x1, s31;
	s0 =	rddreg [dreg:$0xd]  }
0xcd: {  	p0 =	sne.s32 s31, s0  }
.Ltmp1:
0xce: {  	_ = 	snop;
	(pc) =	sbr.rel @p0 .LBB2_1-.Ltmp1, $1  }
0xcf: {  	_ =	sdelay $0x3  }
0xd0: {  	_ =	sfence.sel $0x180000  }
0xd1: {  	[bflag:$0x0] =	sbarrier.arrive $0xFFFF  }
0xd2: {  	_ =	strace $0x9000004D  }
0xd3: {  	s0 =	stileid.u32;
	[bflag:$0x2] =	sbarrier.arrive $0xFFFF  }
0xd4: {  	p0 =	sne.s32 s0, $0x0;
	s0 =	rddreg [dreg:$0x1]  }
0xd5: {  	s0 =	sadd.s32 @!p0 $0x100000, s0  }
0xd6: {  	[sflag:s0] =	ssyncadd.tile.s32 @!p0 $0x1;
	_ =	shalt  }
.Lfunc_end2:
_tile_overlayer_lowered:
.L_overlay_start_2:
0xd7: {  	(tag) =	ssettag $0x2  }
0xd8: {  	s0 =	rddreg [dreg:$0x0];
	s2 =	stileid.u32  }
0xd9: {  	s1 =	rddreg [dreg:$0x1];
	p0 =	sne.s32 s2, $0x0  }
0xda: {  	s3 =	rddreg [dreg:$0x2];
	[bflag:$0x3] =	sbarrier.arrive $0xFFFF;
	s2 =	simm.s32 @!p0 $0x1C02  }
0xdb: {  	[timem:s3], [sflag:s2] =	dma.local @!p0 [hbm:s0], s1  }
0xdc: {  	s0 =	simm.s32 @!p0 $0x2  }
0xdd: {  	_ =	swait.ge @!p0 [sflag:s0], s1  }
0xde: {  	s1 =	ssub.s32 @!p0 $0x0, s1;
	[sflag:s0] =	ssyncset.done @!p0 $0x0  }
0xdf: {  	[sflag:s0] =	ssyncadd.s32 @!p0 s1  }
0xe0: {  	[bflag:$0x3] =	sbarrier.arrive $0xFFFF  }
0xe1: {  	_ =	shalt  }

// kernel: _run.24.cloned.1.call-start
scs
__scs_entry_jumppad:
0x0: {  	(pc) =	sbr.rel $0x88, $3  }
0x1: {  	(tag) =	ssettag $0x0;
	lr =	simm.s32 $0x1  }
0x2: {  	[smem:$0x3F98] =	sst lr;
	_ =	strace $0xD0000000  }
0x3: {  	_ = 	snop  }
0x4: {  	_ = 	snop  }
0x5: {  	_ = 	snop  }
0x6: {  	_ = 	snop  }
0x7: {  	_ = 	snop  }
__scs_overlays_trampoline_lowered:
0x8: {  	[smem:$0x3FA7] =	sst s0  }
0x9: {  	[smem:$0x3FA8] =	sst s1  }
0xa: {  	[smem:$0x3FA9] =	sst s2  }
0xb: {  	[smem:$0x3FAA] =	sst s3  }
0xc: {  	[smem:$0x3FAB] =	sst s4  }
0xd: {  	[smem:$0x3FAC] =	sst s5  }
0xe: {  	[smem:$0x3FAD] =	sst s6  }
0xf: {  	[smem:$0x3FAE] =	sst s7  }
0x10: {  	[smem:$0x3FAF] =	sst s8  }
0x11: {  	[smem:$0x3FB0] =	sst s9;
	s0 =	simm.s32 @!p0 $0x0  }
0x12: {  	s1 =	sld [smem:$0x3F96];
	s0 =	simm.s32 @p0 $0x1  }
0x13: {  	[smem:$0x3FB1] =	sst s0;
	s0 =	simm.s32 @!p1 $0x0  }
0x14: {  	s2 =	sld [smem:$0x3F95];
	s0 =	simm.s32 @p1 $0x1  }
0x15: {  	[smem:$0x3FB2] =	sst s0;
	s0 =	simm.s32 @!p2 $0x0  }
0x16: {  	s3 =	sld [smem:$0x3FDB];
	s0 =	simm.s32 @p2 $0x1  }
0x17: {  	s4 =	simm.s32 $0x1BF5;
	[smem:$0x3FB4] =	sst s0  }
0x18: {  	s0 =	sld [smem:$0x3F97];
	_ =	swait.ge [sflag:s4], $0x0  }
0x19: {  	s7 =	sld [smem:$0x3F98]  }
0x1a: {  	s8 =	sadd.s32 $0xFFFFE003, lr  }
0x1b: {  	s9 =	sadd.s32 $0xFFFFFEF7, lr;
	s5 =	simm.s32 $0xFFFFFFFF;
	p2 =	slt.u32 s8, $0xFFFFF086  }
0x1c: {  	p1 =	slt.u32 s9, $0xF7A;
	s5 =	simm.s32 @!p2 $0x0  }
0x1d: {  	s5 =	simm.s32 @p1 $0x1;
	p0 =	seq.s32 s7, s2  }
0x1e: {  	s7 =	smul.u32 @!p0 $0xF7A, s2;
	p2 =	seq.s32 @!p0 s5, $0x0  }
0x1f: {  	s9 =	smul.u32 $0xF7A, s1;
	s8 =	simm.s32 @!p0 $0x1BF5;
	p2 =	por !p2, p0  }
0x20: {  	[sflag:s8] =	ssyncset.s32 @!p0 $0xFFFFF086;
	s6 =	sadd.s32 @!p0 s3, s7;
	s7 =	simm.s32 @!p0 $0x108  }
0x21: {  	s3 =	sadd.s32 s3, s9;
	s6 =	sadd.s32 @!p0 $0x88, s6;
	s7 =	simm.s32 @p2 $0x1082  }
0x22: {  	[simem:s7], [sflag:s8] =	dma.local @!p0 [hbm:s6], $0xF7A  }
0x23: {  	s9 =	sor.u32 $0xD0000000, s2;
	s6 =	simm.s32 $0x108;
	_ =	swait.ge @!p0 [sflag:s8], $0x0  }
0x24: {  	s3 =	sadd.s32 $0x88, s3;
	s6 =	simm.s32 @!p1 $0x1082;
	[sflag:s4] =	ssyncset.s32 $0xFFFFF086  }
0x25: {  	[simem:s6], [sflag:s4] =	dma.local [hbm:s3], $0xF7A  }
0x26: {  	[smem:$0x3F98] =	sst s1;
	(tag) =	ssettag s2;
	_ =	strace s9  }
0x27: {  	s1 =	sld [smem:$0x3FA8]  }
0x28: {  	s2 =	sld [smem:$0x3FA9]  }
0x29: {  	s4 =	sld [smem:$0x3FAB]  }
0x2a: {  	p0 =	seq.s32 s5, $0x0;
	s5 =	sld [smem:$0x3FAC]  }
0x2b: {  	s6 =	sld [smem:$0x3FAD]  }
0x2c: {  	s7 =	sld [smem:$0x3FAE]  }
0x2d: {  	s3 =	simm.s32 $0x108;
	s8 =	sld [smem:$0x3FAF]  }
0x2e: {  	s3 =	simm.s32 @!p0 $0x1082;
	s9 =	sld [smem:$0x3FB0]  }
0x2f: {  	lr =	sadd.s32 s0, s3;
	s0 =	sld [smem:$0x3FA7]  }
0x30: {  	s3 =	sld [smem:$0x3FAA]  }
0x31: {  	[smem:$0x3FB3] =	sst s10  }
0x32: {  	s10 =	sld [smem:$0x3FB1];
	_ =	sdelay $0x3  }
0x33: {  	p0 =	seq.s32 s10, $0x1;
	s10 =	sld [smem:$0x3FB3];
	_ =	sdelay $0x3  }
0x34: {  	[smem:$0x3FB3] =	sst s10  }
0x35: {  	s10 =	sld [smem:$0x3FB2];
	_ =	sdelay $0x3  }
0x36: {  	p1 =	seq.s32 s10, $0x1;
	s10 =	sld [smem:$0x3FB3];
	_ =	sdelay $0x3  }
0x37: {  	[smem:$0x3FB3] =	sst s10  }
0x38: {  	s10 =	sld [smem:$0x3FB4]  }
0x39: {  	_ = 	snop;
	(pc) =	sbr.ind lr, $3  }
0x3a: {  	_ = 	snop  }
0x3b: {  	_ = 	snop  }
0x3c: {  	p2 =	seq.s32 s10, $0x1;
	s10 =	sld [smem:$0x3FB3]  }
0x3d: {  	_ =	shalt  }
0x3e: {  	_ =	shalt  }
0x3f: {  	_ =	shalt  }
0x40: {  	_ =	shalt  }
0x41: {  	_ =	shalt  }
0x42: {  	_ =	shalt  }
0x43: {  	_ =	shalt  }
0x44: {  	_ =	shalt  }
0x45: {  	_ =	shalt  }
0x46: {  	_ =	shalt  }
0x47: {  	_ =	shalt  }
0x48: {  	_ =	shalt  }
0x49: {  	_ =	shalt  }
0x4a: {  	_ =	shalt  }
0x4b: {  	_ =	shalt  }
0x4c: {  	_ =	shalt  }
0x4d: {  	_ =	shalt  }
0x4e: {  	_ =	shalt  }
0x4f: {  	_ =	shalt  }
0x50: {  	_ =	shalt  }
0x51: {  	_ =	shalt  }
0x52: {  	_ =	shalt  }
0x53: {  	_ =	shalt  }
0x54: {  	_ =	shalt  }
0x55: {  	_ =	shalt  }
0x56: {  	_ =	shalt  }
0x57: {  	_ =	shalt  }
0x58: {  	_ =	shalt  }
0x59: {  	_ =	shalt  }
0x5a: {  	_ =	shalt  }
0x5b: {  	_ =	shalt  }
0x5c: {  	_ =	shalt  }
0x5d: {  	_ =	shalt  }
0x5e: {  	_ =	shalt  }
0x5f: {  	_ =	shalt  }
0x60: {  	_ =	shalt  }
0x61: {  	_ =	shalt  }
0x62: {  	_ =	shalt  }
0x63: {  	_ =	shalt  }
0x64: {  	_ =	shalt  }
0x65: {  	_ =	shalt  }
0x66: {  	_ =	shalt  }
0x67: {  	_ =	shalt  }
0x68: {  	_ =	shalt  }
0x69: {  	_ =	shalt  }
0x6a: {  	_ =	shalt  }
0x6b: {  	_ =	shalt  }
0x6c: {  	_ =	shalt  }
0x6d: {  	_ =	shalt  }
0x6e: {  	_ =	shalt  }
0x6f: {  	_ =	shalt  }
0x70: {  	_ =	shalt  }
0x71: {  	_ =	shalt  }
0x72: {  	_ =	shalt  }
0x73: {  	_ =	shalt  }
0x74: {  	_ =	shalt  }
0x75: {  	_ =	shalt  }
0x76: {  	_ =	shalt  }
0x77: {  	_ =	shalt  }
0x78: {  	_ =	shalt  }
0x79: {  	_ =	shalt  }
0x7a: {  	_ =	shalt  }
0x7b: {  	_ =	shalt  }
0x7c: {  	_ =	shalt  }
0x7d: {  	_ =	shalt  }
0x7e: {  	_ =	shalt  }
0x7f: {  	_ =	shalt  }
0x80: {  	_ =	shalt  }
0x81: {  	_ =	shalt  }
0x82: {  	_ =	shalt  }
0x83: {  	_ =	shalt  }
0x84: {  	_ =	shalt  }
0x85: {  	_ =	shalt  }
0x86: {  	_ =	shalt  }
0x87: {  	_ =	shalt  }
.Lfunc_end0:
.L_simem_size_0:
called_computation.3_lowered:
.L_overlay_start_0:
0x88: {  	s2 =	sld [smem:$0x3FD9]  }
0x89: {  	s3 =	sld [smem:$0x3FFE];
	_ =	sdelay $0x1  }
0x8a: {  	s1 =	srdreg.scid  }
0x8b: {  	s0 =	sand.u32 $0x1, s1  }
0x8c: {  	s17 =	sshll.u32 s0, $0xA;
	s2 =	sadd.s32 s3, s2  }
0x8d: {  	s2 =	sadd.s32 s2, s17  }
0x8e: {  	[smem:$0x3FBF] =	sst s2  }
0x8f: {  	_ = 	snop  }
0x90: {  	(tm) =	ssettm $0x1  }
0x91: {  	s18 =	sld [smem:$0x3FFB];
	_ =	sdelay $0x3  }
0x92: {  	_ =	strace s18  }
0x93: {  	s2 =	sld [smem:$0x3FFC];
	_ =	sdelay $0x3  }
0x94: {  	_ =	strace s2  }
0x95: {  	s2 =	sld [smem:$0x3FFD];
	_ =	sdelay $0x3  }
0x96: {  	_ =	strace s2  }
0x97: {  	_ =	strace $0x8FFFFFFF  }
0x98: {  	s19 =	sld [smem:$0x3FDB];
	_ =	sdelay $0x1  }
0x99: {  	s20 =	simm.s32 $_scs_section_size  }
0x9a: {  	s4 =	simm.s32 $_size__tile_overlayer_lowered;
	s5 =	simm.s32 $_tile_overlayer_lowered  }
0x9b: {  	s6 =	simm.s32 $0x1BFF;
	s21 =	sshll.u32 s5, $0x1;
	s3 =	sadd.s32 s20, s19  }
0x9c: {  	s22 =	simm.s32 $0x0;
	s4 =	sshll.u32 s4, $0x1;
	s5 =	sadd.s32 s21, s3  }
0x9d: {  	[timem:s22], [sflag:s6] =	dma.local [hbm:s5], s4  }
0x9e: {  	_ =	swait.ge [sflag:s6], s4  }
0x9f: {  	s4 =	ssub.s32 $0x0, s4;
	[sflag:s6] =	ssyncset.done $0x0  }
0xa0: {  	[sflag:s6] =	ssyncadd.s32 s4;
	_ =	sdelay $0x1  }
0xa1: {  	s23 =	simm.s32 $0x1B8B  }
0xa2: {  	_ =	swait.ge [sflag:s23], $0x1  }
0xa3: {  	[sflag:s23] =	ssyncset.done $0x0  }
0xa4: {  	[sflag:s23] =	ssyncadd.s32 $0xFFFFFFFF  }
0xa5: {  	s4 =	sld [smem:$0x0]  }
0xa6: {  	s5 =	sand.u32 $0xFFFFFFFE, s1  }
0xa7: {  	p0 =	sne.s32 s1, s5  }
0xa8: {  	s5 =	sshll.u32 @p0 s5, $0xE  }
0xa9: {  	s5 =	sadd.s32 @p0 $0x11B8D, s5;
	s6 =	sshll.u32 @p0 s4, $0x11  }
0xaa: {  	s5 =	sor.u32 @p0 s6, s5  }
0xab: {  	[sflag:s5] =	ssyncadd.remote.s32 @p0 $0x1;
	_ =	sdelay $0x1  }
0xac: {  	s5 =	simm.s32 @p0 $0x1B8D  }
0xad: {  	_ =	swait.eq @p0 [sflag:s5], $0x1  }
0xae: {  	[sflag:s5] =	ssyncadd.s32 @p0 $0xFFFFFFFF  }
0xaf: {  	s6 =	sshll.u32 @!p0 s1, $0xE  }
0xb0: {  	s6 =	sor.u32 @!p0 $0x4000, s6;
	s5 =	simm.s32 @!p0 $0x1B8D  }
0xb1: {  	s4 =	sshll.u32 @!p0 s4, $0x11;
	s6 =	sadd.s32 @!p0 $0x11B8D, s6;
	_ =	swait.eq @!p0 [sflag:s5], $0x1  }
0xb2: {  	s4 =	sor.u32 @!p0 s4, s6;
	[sflag:s5] =	ssyncadd.s32 @!p0 $0xFFFFFFFF  }
0xb3: {  	s25 =	simm.s32 $0x1B8E;
	s24 =	sld [smem:$0x3FFE];
	[sflag:s4] =	ssyncadd.remote.s32 @!p0 $0x1  }
0xb4: {  	s26 =	simm.s32 $execute0_lowered;
	[smem:$0x3FD2] =	sst s25  }
0xb5: {  	s5 =	sshll.u32 s26, $0x1;
	_ =	strace $0x80000049;
	[dreg:$0x1] =	wrdreg $0xFFFFFFFF  }
0xb6: {  	s28 =	simm.s32 $_size_execute0_lowered;
	s3 =	sadd.s32 s3, s5;
	[dreg:$0x0] =	wrdreg $0x0  }
0xb7: {  	s5 =	sshll.u32 s28, $0x1;
	[dreg:$0x2] =	wrdreg s3  }
0xb8: {  	[dreg:$0x3] =	wrdreg s5  }
0xb9: {  	[dreg:$0x4] =	wrdreg $0xC0  }
0xba: {  	_ =	task [dreg:s22], $0x5FFFF  }
0xbb: {  	[dreg:$0x1] =	wrdreg $0xFFFFFFFF  }
0xbc: {  	[dreg:$0x0] =	wrdreg $0x60  }
0xbd: {  	[dreg:$0x2] =	wrdreg s24  }
0xbe: {  	[dreg:$0x3] =	wrdreg $0xC  }
0xbf: {  	_ =	task.clear_ibuf [dreg:s22], $0x4FFFF;
	_ =	strace $0x90000049  }
0xc0: {  	s29 =	simm.s32 $0xC;
	_ =	strace $0x8000004B  }
0xc1: {  	_ =	swait.ge [sflag:s29], $0x1  }
0xc2: {  	[sflag:s29] =	ssyncadd.s32 $0xFFFFFFFF  }
0xc3: {  	_ =	strace $0x9000004B  }
0xc4: {  	_ =	sfence  }
0xc5: {  	s30 =	sld [smem:$0x0];
	_ =	sdelay $0x2  }
0xc6: {  	s31 =	sshll.u32 s1, $0xD;
	s1 =	sshrl.u32 s1, $0x2  }
0xc7: {  	s4 =	sand.u32 $0x4000, s31;
	s1 =	sadd.s32 s1, s30  }
0xc8: {  	s0 =	sor.u32 s4, s0;
	s1 =	sshll.u32 s1, $0x11  }
0xc9: {  	s0 =	sor.u32 s1, s0  }
0xca: {  	s0 =	sadd.s32 $0x8F2B, s0  }
0xcb: {  	[sflag:s0] =	ssyncadd.remote.s32 $0x1  }
0xcc: {  	_ =	sfence.sel $0xFFFF  }
0xcd: {  	[dreg:$0x0] =	wrdreg $0xFFFFFFFF;
	(pc) =	sbr.abs _section_cstart, $3  }
0xce: {  	[dreg:$0x1] =	wrdreg $0xFFFFFFFF  }
0xcf: {  	_ =	task.clear_ibuf [dreg:s22], $0x2FFFF;
	_ =	strace $0x9FFFFFFF  }
0xd0: {  	(tm) =	ssettm $0x7FFFFFFF  }
0xd1: {  	_ =	shalt  }
tec
execute0_lowered:
.L_overlay_start_1:
0x0: {  	(tag) =	ssettag $0x1  }
0x1: {  	s0 =	srdreg.scid;
	s5 =	stileid.u32  }
0x2: {  	s1 =	rddreg [dreg:$0x0];
	s2 =	simm.s32 $0x0;
	s15 =	simm.s32 $0x900  }
0x3: {  	s17 =	simm.s32 $0x1100;
	s18 =	simm.s32 $0x1900;
	s19 =	simm.s32 $0x2100  }
0x4: {  	s21 =	simm.s32 $0x2900;
	s22 =	simm.s32 $0x3100;
	s23 =	simm.s32 $0x3900  }
0x5: {  	s24 =	simm.s32 $0x4100;
	s25 =	simm.s32 $0x4900;
	[smem:$0x7FF] =	sst s2  }
0x6: {  	s7 =	simm.s32 $0x100;
	_ =	strace $0x8000004A;
	[dreg:$0x3] =	wrdreg s15  }
0x7: {  	s26 =	simm.s32 $0x5100;
	s8 =	simm.s32 $0x5900;
	[dreg:$0x4] =	wrdreg s17  }
0x8: {  	s9 =	simm.s32 $0x6100;
	s10 =	simm.s32 $0x6900;
	[dreg:$0x5] =	wrdreg s18  }
0x9: {  	s11 =	simm.s32 $0x7100;
	s12 =	simm.s32 $0x7900;
	[dreg:$0x6] =	wrdreg s19  }
0xa: {  	s13 =	simm.s32 $0x8100;
	s28 =	simm.s32 $0xF100;
	[dreg:$0x7] =	wrdreg s21  }
0xb: {  	s29 =	simm.s32 $0xF900;
	s30 =	simm.s32 $0x1;
	[dreg:$0x8] =	wrdreg s22  }
0xc: {  	s31 =	simm.s32 $0x0;
	s0 =	sand.u32 $0x1, s0;
	[dreg:$0x9] =	wrdreg s23  }
0xd: {  	s3 =	sshll.u32 s5, $0xC;
	s5 =	sshll.u32 s5, $0x11;
	[dreg:$0xa] =	wrdreg s24  }
0xe: {  	s4 =	sshll.u32 s0, $0xB;
	s16 =	ssub.s32 $0x2, s0;
	[dreg:$0xb] =	wrdreg s25  }
0xf: {  	s0 =	sshll.u32 s0, $0x10;
	[dreg:$0xc] =	wrdreg s26;
	s15 =	simm.s32 $0x9100  }
0x10: {  	s17 =	simm.s32 $0xA100;
	s18 =	simm.s32 $0xA900;
	s19 =	simm.s32 $0xB100  }
0x11: {  	s21 =	simm.s32 $0xC100;
	s22 =	simm.s32 $0xC900;
	s23 =	simm.s32 $0xD100  }
0x12: {  	s24 =	simm.s32 $0xD900;
	s25 =	simm.s32 $0xE100;
	s3 =	sor.u32 s4, s3  }
0x13: {  	s26 =	simm.s32 $0xE900;
	s6 =	sshrl.u32 s16, $0x1;
	s3 =	sshrl.u32 s3, $0x3  }
0x14: {  	s14 =	sadd.s32 s3, s1;
	s3 =	sadd.s32 $0x2B200, s1;
	s1 =	sadd.s32 s5, s1  }
0x15: {  	s5 =	ssub.s32 s16, s6;
	s6 =	simm.s32 $0x2;
	s4 =	sadd.s32 $0x43200, s14  }
0x16: {  	v2 =	vlaneseq.u32;
	s20 =	smax.u32 s5, $0x1;
	s0 =	sadd.s32 s0, s1;
	[dreg:$0x2] =	wrdreg s4  }
0x17: {  	vm0 =	vmmov $0xffff;
	v1 =	vshrl.u32 v2, $0x3;
	s16 =	simm.s32 $0x9900;
	[dreg:$0xd] =	wrdreg s20;
	s0 =	sadd.s32 $0x265200, s0  }
0x18: {  	v0 =	vand.u32 $0x7, v2;
	v2 =	vor.u32 $0x8, v2;
	v1 =	vmul.u32 $0x8, v1;
	s14 =	simm.s32 $0x8900;
	s20 =	simm.s32 $0xB900;
	[dreg:$0xe] =	wrdreg s0  }
.LBB2_1:
0x19: {  	s5 =	rddreg [dreg:$0xe];
	s0 =	simm.s32 $0x0  }
.LBB2_2:
0x1a: {  	s4 =	rddreg [dreg:$0x2]  }
0x1b: {  	s4 =	sadd.s32 s0, s4  }
0x1c: {  	[tilespmem:s2], [sflag:$0x2] =	stream.linear.gather [hbm4b:s4+s2], $0x100, $0x38;
	[tilespmem:$0x10100] =	vst v63  }
0x1d: {  	_ =	swait.ge [sflag:s6], $0x100  }
0x1e: {  	[sflag:s6] =	ssyncset.done $0x0  }
0x1f: {  	[sflag:s6] =	ssyncadd.s32 $0xFFFFFF00  }
0x20: {  	v3 =	vld [tilespmem:$0x0];
	_ =	sdelay $0x4  }
0x21: {  	v4 =	vshll.u32 v3, $0x1  }
0x22: {  	v3 =	vand.u32 $0x7, v3;
	v4 =	vand.u32 $0xFFFFFFF0, v4  }
0x23: {  	v3 =	vor.u32 v3, v4  }
0x24: {  	v4 =	vperm.xlane v3, v0;
	_ =	sdelay $0x1  }
0x25: {  	v3 =	vperm.xlane v3, v2;
	v4 =	vadd.s32 v1, v4;
	_ =	sdelay $0x1  }
0x26: {  	v3 =	vadd.s32 v1, v3;
	_ =	sdelay $0x2  }
0x27: {  	[tilespmem:s7], [sflag:$0x1] =	stream.indirect_vreg.gather [hbm4b:s3+s2], $0x80, v4, vm0, $0xb8;
	[tilespmem:$0x10100] =	vst v63  }
0x28: {  	s1 =	rddreg [dreg:$0x3]  }
0x29: {  	[tilespmem:s1], [sflag:$0x1] =	stream.indirect_vreg.gather [hbm4b:s3+s2], $0x80, v3, vm0, $0xb8;
	[tilespmem:$0x10100] =	vst v63  }
0x2a: {  	v3 =	vld [tilespmem:$0x10];
	_ =	sdelay $0x4  }
0x2b: {  	v49 =	vshll.u32 v3, $0x1  }
0x2c: {  	v3 =	vand.u32 $0x7, v3;
	v4 =	vand.u32 $0xFFFFFFF0, v49  }
0x2d: {  	v3 =	vor.u32 v3, v4  }
0x2e: {  	v4 =	vperm.xlane v3, v0;
	_ =	sdelay $0x1  }
0x2f: {  	v3 =	vperm.xlane v3, v2;
	v4 =	vadd.s32 v1, v4;
	_ =	sdelay $0x1  }
0x30: {  	v3 =	vadd.s32 v1, v3;
	_ =	sdelay $0x1  }
0x31: {  	s4 =	rddreg [dreg:$0x4]  }
0x32: {  	[tilespmem:s4], [sflag:$0x1] =	stream.indirect_vreg.gather [hbm4b:s3+s2], $0x80, v4, vm0, $0xb8;
	[tilespmem:$0x10100] =	vst v63  }
0x33: {  	s1 =	rddreg [dreg:$0x5]  }
0x34: {  	[tilespmem:s1], [sflag:$0x1] =	stream.indirect_vreg.gather [hbm4b:s3+s2], $0x80, v3, vm0, $0xb8;
	[tilespmem:$0x10100] =	vst v63  }
0x35: {  	v3 =	vld [tilespmem:$0x20];
	_ =	sdelay $0x4  }
0x36: {  	v50 =	vshll.u32 v3, $0x1  }
0x37: {  	v3 =	vand.u32 $0x7, v3;
	v4 =	vand.u32 $0xFFFFFFF0, v50  }
0x38: {  	v3 =	vor.u32 v3, v4  }
0x39: {  	v4 =	vperm.xlane v3, v0;
	_ =	sdelay $0x1  }
0x3a: {  	v3 =	vperm.xlane v3, v2;
	v4 =	vadd.s32 v1, v4;
	_ =	sdelay $0x1  }
0x3b: {  	v3 =	vadd.s32 v1, v3;
	_ =	sdelay $0x1  }
0x3c: {  	s1 =	rddreg [dreg:$0x6]  }
0x3d: {  	[tilespmem:s1], [sflag:$0x1] =	stream.indirect_vreg.gather [hbm4b:s3+s2], $0x80, v4, vm0, $0xb8;
	[tilespmem:$0x10100] =	vst v63  }
0x3e: {  	s4 =	rddreg [dreg:$0x7]  }
0x3f: {  	[tilespmem:s4], [sflag:$0x1] =	stream.indirect_vreg.gather [hbm4b:s3+s2], $0x80, v3, vm0, $0xb8;
	[tilespmem:$0x10100] =	vst v63  }
0x40: {  	v3 =	vld [tilespmem:$0x30];
	_ =	sdelay $0x4  }
0x41: {  	v51 =	vshll.u32 v3, $0x1  }
0x42: {  	v3 =	vand.u32 $0x7, v3;
	v4 =	vand.u32 $0xFFFFFFF0, v51  }
0x43: {  	v3 =	vor.u32 v3, v4  }
0x44: {  	v4 =	vperm.xlane v3, v0;
	_ =	sdelay $0x1  }
0x45: {  	v3 =	vperm.xlane v3, v2;
	v4 =	vadd.s32 v1, v4;
	_ =	sdelay $0x1  }
0x46: {  	v3 =	vadd.s32 v1, v3;
	_ =	sdelay $0x1  }
0x47: {  	s1 =	rddreg [dreg:$0x8]  }
0x48: {  	[tilespmem:s1], [sflag:$0x1] =	stream.indirect_vreg.gather [hbm4b:s3+s2], $0x80, v4, vm0, $0xb8;
	[tilespmem:$0x10100] =	vst v63  }
0x49: {  	s4 =	rddreg [dreg:$0x9]  }
0x4a: {  	[tilespmem:s4], [sflag:$0x1] =	stream.indirect_vreg.gather [hbm4b:s3+s2], $0x80, v3, vm0, $0xb8;
	[tilespmem:$0x10100] =	vst v63  }
0x4b: {  	v3 =	vld [tilespmem:$0x40];
	_ =	sdelay $0x4  }
0x4c: {  	v52 =	vshll.u32 v3, $0x1  }
0x4d: {  	v3 =	vand.u32 $0x7, v3;
	v4 =	vand.u32 $0xFFFFFFF0, v52  }
0x4e: {  	v3 =	vor.u32 v3, v4  }
0x4f: {  	v4 =	vperm.xlane v3, v0;
	_ =	sdelay $0x1  }
0x50: {  	v3 =	vperm.xlane v3, v2;
	v4 =	vadd.s32 v1, v4;
	_ =	sdelay $0x1  }
0x51: {  	v3 =	vadd.s32 v1, v3;
	_ =	sdelay $0x1  }
0x52: {  	s1 =	rddreg [dreg:$0xa]  }
0x53: {  	[tilespmem:s1], [sflag:$0x1] =	stream.indirect_vreg.gather [hbm4b:s3+s2], $0x80, v4, vm0, $0xb8;
	[tilespmem:$0x10100] =	vst v63  }
0x54: {  	s4 =	rddreg [dreg:$0xb]  }
0x55: {  	[tilespmem:s4], [sflag:$0x1] =	stream.indirect_vreg.gather [hbm4b:s3+s2], $0x80, v3, vm0, $0xb8;
	[tilespmem:$0x10100] =	vst v63  }
0x56: {  	v3 =	vld [tilespmem:$0x50];
	_ =	sdelay $0x4  }
0x57: {  	v53 =	vshll.u32 v3, $0x1  }
0x58: {  	v3 =	vand.u32 $0x7, v3;
	v4 =	vand.u32 $0xFFFFFFF0, v53  }
0x59: {  	v3 =	vor.u32 v3, v4  }
0x5a: {  	v4 =	vperm.xlane v3, v0;
	_ =	sdelay $0x1  }
0x5b: {  	v3 =	vperm.xlane v3, v2;
	v4 =	vadd.s32 v1, v4;
	_ =	sdelay $0x1  }
0x5c: {  	v3 =	vadd.s32 v1, v3;
	_ =	sdelay $0x1  }
0x5d: {  	s4 =	rddreg [dreg:$0xc]  }
0x5e: {  	[tilespmem:s4], [sflag:$0x1] =	stream.indirect_vreg.gather [hbm4b:s3+s2], $0x80, v4, vm0, $0xb8;
	[tilespmem:$0x10100] =	vst v63  }
0x5f: {  	_ = 	snop  }
0x60: {  	[tilespmem:s8], [sflag:$0x1] =	stream.indirect_vreg.gather [hbm4b:s3+s2], $0x80, v3, vm0, $0xb8;
	[tilespmem:$0x10100] =	vst v63  }
0x61: {  	v3 =	vld [tilespmem:$0x60];
	_ =	sdelay $0x4  }
0x62: {  	v54 =	vshll.u32 v3, $0x1  }
0x63: {  	v3 =	vand.u32 $0x7, v3;
	v4 =	vand.u32 $0xFFFFFFF0, v54  }
0x64: {  	v3 =	vor.u32 v3, v4  }
0x65: {  	v4 =	vperm.xlane v3, v0;
	_ =	sdelay $0x1  }
0x66: {  	v3 =	vperm.xlane v3, v2;
	v4 =	vadd.s32 v1, v4;
	_ =	sdelay $0x1  }
0x67: {  	v3 =	vadd.s32 v1, v3;
	_ =	sdelay $0x2  }
0x68: {  	[tilespmem:s9], [sflag:$0x1] =	stream.indirect_vreg.gather [hbm4b:s3+s2], $0x80, v4, vm0, $0xb8;
	[tilespmem:$0x10100] =	vst v63  }
0x69: {  	_ = 	snop  }
0x6a: {  	[tilespmem:s10], [sflag:$0x1] =	stream.indirect_vreg.gather [hbm4b:s3+s2], $0x80, v3, vm0, $0xb8;
	[tilespmem:$0x10100] =	vst v63  }
0x6b: {  	v3 =	vld [tilespmem:$0x70];
	_ =	sdelay $0x4  }
0x6c: {  	v55 =	vshll.u32 v3, $0x1  }
0x6d: {  	v3 =	vand.u32 $0x7, v3;
	v4 =	vand.u32 $0xFFFFFFF0, v55  }
0x6e: {  	v3 =	vor.u32 v3, v4  }
0x6f: {  	v4 =	vperm.xlane v3, v0;
	_ =	sdelay $0x1  }
0x70: {  	v3 =	vperm.xlane v3, v2;
	v4 =	vadd.s32 v1, v4;
	_ =	sdelay $0x1  }
0x71: {  	v3 =	vadd.s32 v1, v3;
	_ =	sdelay $0x2  }
0x72: {  	[tilespmem:s11], [sflag:$0x1] =	stream.indirect_vreg.gather [hbm4b:s3+s2], $0x80, v4, vm0, $0xb8;
	[tilespmem:$0x10100] =	vst v63  }
0x73: {  	_ = 	snop  }
0x74: {  	[tilespmem:s12], [sflag:$0x1] =	stream.indirect_vreg.gather [hbm4b:s3+s2], $0x80, v3, vm0, $0xb8;
	[tilespmem:$0x10100] =	vst v63  }
0x75: {  	v3 =	vld [tilespmem:$0x80];
	_ =	sdelay $0x4  }
0x76: {  	v56 =	vshll.u32 v3, $0x1  }
0x77: {  	v3 =	vand.u32 $0x7, v3;
	v4 =	vand.u32 $0xFFFFFFF0, v56  }
0x78: {  	v3 =	vor.u32 v3, v4  }
0x79: {  	v4 =	vperm.xlane v3, v0;
	_ =	sdelay $0x1  }
0x7a: {  	v3 =	vperm.xlane v3, v2;
	v4 =	vadd.s32 v1, v4;
	_ =	sdelay $0x1  }
0x7b: {  	v3 =	vadd.s32 v1, v3;
	_ =	sdelay $0x2  }
0x7c: {  	[tilespmem:s13], [sflag:$0x1] =	stream.indirect_vreg.gather [hbm4b:s3+s2], $0x80, v4, vm0, $0xb8;
	[tilespmem:$0x10100] =	vst v63  }
0x7d: {  	_ = 	snop  }
0x7e: {  	[tilespmem:s14], [sflag:$0x1] =	stream.indirect_vreg.gather [hbm4b:s3+s2], $0x80, v3, vm0, $0xb8;
	[tilespmem:$0x10100] =	vst v63  }
0x7f: {  	v3 =	vld [tilespmem:$0x90];
	_ =	sdelay $0x4  }
0x80: {  	v57 =	vshll.u32 v3, $0x1  }
0x81: {  	v3 =	vand.u32 $0x7, v3;
	v4 =	vand.u32 $0xFFFFFFF0, v57  }
0x82: {  	v3 =	vor.u32 v3, v4  }
0x83: {  	v4 =	vperm.xlane v3, v0;
	_ =	sdelay $0x1  }
0x84: {  	v3 =	vperm.xlane v3, v2;
	v4 =	vadd.s32 v1, v4;
	_ =	sdelay $0x1  }
0x85: {  	v3 =	vadd.s32 v1, v3;
	_ =	sdelay $0x2  }
0x86: {  	[tilespmem:s15], [sflag:$0x1] =	stream.indirect_vreg.gather [hbm4b:s3+s2], $0x80, v4, vm0, $0xb8;
	[tilespmem:$0x10100] =	vst v63  }
0x87: {  	_ = 	snop  }
0x88: {  	[tilespmem:s16], [sflag:$0x1] =	stream.indirect_vreg.gather [hbm4b:s3+s2], $0x80, v3, vm0, $0xb8;
	[tilespmem:$0x10100] =	vst v63  }
0x89: {  	v3 =	vld [tilespmem:$0xA0];
	_ =	sdelay $0x4  }
0x8a: {  	v58 =	vshll.u32 v3, $0x1  }
0x8b: {  	v3 =	vand.u32 $0x7, v3;
	v4 =	vand.u32 $0xFFFFFFF0, v58  }
0x8c: {  	v3 =	vor.u32 v3, v4  }
0x8d: {  	v4 =	vperm.xlane v3, v0;
	_ =	sdelay $0x1  }
0x8e: {  	v3 =	vperm.xlane v3, v2;
	v4 =	vadd.s32 v1, v4;
	_ =	sdelay $0x1  }
0x8f: {  	v3 =	vadd.s32 v1, v3;
	_ =	sdelay $0x2  }
0x90: {  	[tilespmem:s17], [sflag:$0x1] =	stream.indirect_vreg.gather [hbm4b:s3+s2], $0x80, v4, vm0, $0xb8;
	[tilespmem:$0x10100] =	vst v63  }
0x91: {  	_ = 	snop  }
0x92: {  	[tilespmem:s18], [sflag:$0x1] =	stream.indirect_vreg.gather [hbm4b:s3+s2], $0x80, v3, vm0, $0xb8;
	[tilespmem:$0x10100] =	vst v63  }
0x93: {  	v3 =	vld [tilespmem:$0xB0];
	_ =	sdelay $0x4  }
0x94: {  	v59 =	vshll.u32 v3, $0x1  }
0x95: {  	v3 =	vand.u32 $0x7, v3;
	v4 =	vand.u32 $0xFFFFFFF0, v59  }
0x96: {  	v3 =	vor.u32 v3, v4  }
0x97: {  	v4 =	vperm.xlane v3, v0;
	_ =	sdelay $0x1  }
0x98: {  	v3 =	vperm.xlane v3, v2;
	v4 =	vadd.s32 v1, v4;
	_ =	sdelay $0x1  }
0x99: {  	v3 =	vadd.s32 v1, v3;
	_ =	sdelay $0x2  }
0x9a: {  	[tilespmem:s19], [sflag:$0x1] =	stream.indirect_vreg.gather [hbm4b:s3+s2], $0x80, v4, vm0, $0xb8;
	[tilespmem:$0x10100] =	vst v63  }
0x9b: {  	_ = 	snop  }
0x9c: {  	[tilespmem:s20], [sflag:$0x1] =	stream.indirect_vreg.gather [hbm4b:s3+s2], $0x80, v3, vm0, $0xb8;
	[tilespmem:$0x10100] =	vst v63  }
0x9d: {  	v3 =	vld [tilespmem:$0xC0];
	_ =	sdelay $0x4  }
0x9e: {  	v60 =	vshll.u32 v3, $0x1  }
0x9f: {  	v3 =	vand.u32 $0x7, v3;
	v4 =	vand.u32 $0xFFFFFFF0, v60  }
0xa0: {  	v3 =	vor.u32 v3, v4  }
0xa1: {  	v4 =	vperm.xlane v3, v0;
	_ =	sdelay $0x1  }
0xa2: {  	v3 =	vperm.xlane v3, v2;
	v4 =	vadd.s32 v1, v4;
	_ =	sdelay $0x1  }
0xa3: {  	v3 =	vadd.s32 v1, v3;
	_ =	sdelay $0x2  }
0xa4: {  	[tilespmem:s21], [sflag:$0x1] =	stream.indirect_vreg.gather [hbm4b:s3+s2], $0x80, v4, vm0, $0xb8;
	[tilespmem:$0x10100] =	vst v63  }
0xa5: {  	_ = 	snop  }
0xa6: {  	[tilespmem:s22], [sflag:$0x1] =	stream.indirect_vreg.gather [hbm4b:s3+s2], $0x80, v3, vm0, $0xb8;
	[tilespmem:$0x10100] =	vst v63  }
0xa7: {  	v3 =	vld [tilespmem:$0xD0];
	_ =	sdelay $0x4  }
0xa8: {  	v61 =	vshll.u32 v3, $0x1  }
0xa9: {  	v3 =	vand.u32 $0x7, v3;
	v4 =	vand.u32 $0xFFFFFFF0, v61  }
0xaa: {  	v3 =	vor.u32 v3, v4  }
0xab: {  	v4 =	vperm.xlane v3, v0;
	_ =	sdelay $0x1  }
0xac: {  	v3 =	vperm.xlane v3, v2;
	v4 =	vadd.s32 v1, v4;
	_ =	sdelay $0x1  }
0xad: {  	v3 =	vadd.s32 v1, v3;
	_ =	sdelay $0x2  }
0xae: {  	[tilespmem:s23], [sflag:$0x1] =	stream.indirect_vreg.gather [hbm4b:s3+s2], $0x80, v4, vm0, $0xb8;
	[tilespmem:$0x10100] =	vst v63  }
0xaf: {  	_ = 	snop  }
0xb0: {  	[tilespmem:s24], [sflag:$0x1] =	stream.indirect_vreg.gather [hbm4b:s3+s2], $0x80, v3, vm0, $0xb8;
	[tilespmem:$0x10100] =	vst v63  }
0xb1: {  	v3 =	vld [tilespmem:$0xE0];
	_ =	sdelay $0x4  }
0xb2: {  	v62 =	vshll.u32 v3, $0x1  }
0xb3: {  	v3 =	vand.u32 $0x7, v3;
	v4 =	vand.u32 $0xFFFFFFF0, v62  }
0xb4: {  	v3 =	vor.u32 v3, v4  }
0xb5: {  	v4 =	vperm.xlane v3, v0;
	_ =	sdelay $0x1  }
0xb6: {  	v3 =	vperm.xlane v3, v2;
	v4 =	vadd.s32 v1, v4;
	_ =	sdelay $0x1  }
0xb7: {  	v3 =	vadd.s32 v1, v3;
	_ =	sdelay $0x2  }
0xb8: {  	[tilespmem:s25], [sflag:$0x1] =	stream.indirect_vreg.gather [hbm4b:s3+s2], $0x80, v4, vm0, $0xb8;
	[tilespmem:$0x10100] =	vst v63  }
0xb9: {  	_ = 	snop  }
0xba: {  	[tilespmem:s26], [sflag:$0x1] =	stream.indirect_vreg.gather [hbm4b:s3+s2], $0x80, v3, vm0, $0xb8;
	[tilespmem:$0x10100] =	vst v63  }
0xbb: {  	v3 =	vld [tilespmem:$0xF0];
	_ =	sdelay $0x4  }
0xbc: {  	v63 =	vshll.u32 v3, $0x1  }
0xbd: {  	v3 =	vand.u32 $0x7, v3;
	v4 =	vand.u32 $0xFFFFFFF0, v63  }
0xbe: {  	v3 =	vor.u32 v3, v4  }
0xbf: {  	v4 =	vperm.xlane v3, v0;
	_ =	sdelay $0x1  }
0xc0: {  	v3 =	vperm.xlane v3, v2;
	v4 =	vadd.s32 v1, v4;
	_ =	sdelay $0x1  }
0xc1: {  	v3 =	vadd.s32 v1, v3;
	_ =	sdelay $0x2  }
0xc2: {  	[tilespmem:s28], [sflag:$0x1] =	stream.indirect_vreg.gather [hbm4b:s3+s2], $0x80, v4, vm0, $0xb8;
	[tilespmem:$0x10100] =	vst v63  }
0xc3: {  	_ = 	snop  }
0xc4: {  	[tilespmem:s29], [sflag:$0x1] =	stream.indirect_vreg.gather [hbm4b:s3+s2], $0x80, v3, vm0, $0xb8;
	[tilespmem:$0x10100] =	vst v63  }
0xc5: {  	_ =	swait.ge [sflag:s30], $0x10000  }
0xc6: {  	p0 =	sne.s32 s0, $0xE0;
	[sflag:s30] =	ssyncset.done $0x0  }
.Ltmp0:
0xc7: {  	[sflag:s30] =	ssyncadd.s32 $0xFFFF0000;
	(pc) =	sbr.rel @p0 .LBB2_2-.Ltmp0, $4  }
0xc8: {  	[hbm4b:s5+s2] =	stream.linear.scatter [tilespmem:s7], [sflag:$0x2], $0x10000, $0x38;
	[tilespmem:$0x10100] =	vst v63  }
0xc9: {  	_ =	swait.ge [sflag:s6], $0x10000  }
0xca: {  	[sflag:s6] =	ssyncset.done $0x0  }
0xcb: {  	s0 =	sadd.s32 $0x20, s0;
	s5 =	sadd.s32 $0x2000, s5;
	[sflag:s6] =	ssyncadd.s32 $0xFFFF0000  }
0xcc: {  	s31 =	sadd.s32 $0x1, s31;
	s0 =	rddreg [dreg:$0xd]  }
0xcd: {  	p0 =	sne.s32 s31, s0  }
.Ltmp1:
0xce: {  	_ = 	snop;
	(pc) =	sbr.rel @p0 .LBB2_1-.Ltmp1, $1  }
0xcf: {  	_ =	sdelay $0x3  }
0xd0: {  	_ =	sfence.sel $0x180000  }
0xd1: {  	[bflag:$0x0] =	sbarrier.arrive $0xFFFF  }
0xd2: {  	_ =	strace $0x9000004A  }
0xd3: {  	s0 =	stileid.u32;
	[bflag:$0x2] =	sbarrier.arrive $0xFFFF  }
0xd4: {  	p0 =	sne.s32 s0, $0x0;
	s0 =	rddreg [dreg:$0x1]  }
0xd5: {  	s0 =	sadd.s32 @!p0 $0x100000, s0  }
0xd6: {  	[sflag:s0] =	ssyncadd.tile.s32 @!p0 $0x1;
	_ =	shalt  }
.Lfunc_end2:
_tile_overlayer_lowered:
.L_overlay_start_2:
0xd7: {  	(tag) =	ssettag $0x2  }
0xd8: {  	s0 =	rddreg [dreg:$0x0];
	s2 =	stileid.u32  }
0xd9: {  	s1 =	rddreg [dreg:$0x1];
	p0 =	sne.s32 s2, $0x0  }
0xda: {  	s3 =	rddreg [dreg:$0x2];
	[bflag:$0x3] =	sbarrier.arrive $0xFFFF;
	s2 =	simm.s32 @!p0 $0x1C02  }
0xdb: {  	[timem:s3], [sflag:s2] =	dma.local @!p0 [hbm:s0], s1  }
0xdc: {  	s0 =	simm.s32 @!p0 $0x2  }
0xdd: {  	_ =	swait.ge @!p0 [sflag:s0], s1  }
0xde: {  	s1 =	ssub.s32 @!p0 $0x0, s1;
	[sflag:s0] =	ssyncset.done @!p0 $0x0  }
0xdf: {  	[sflag:s0] =	ssyncadd.s32 @!p0 s1  }
0xe0: {  	[bflag:$0x3] =	sbarrier.arrive $0xFFFF  }
0xe1: {  	_ =	shalt  }

</sc_bundles>
